<compile_context>
chip_gen: v7x
topology: tpu7x:2x2x1
jax: 0.10.2.dev20260603
libtpu: 0.0.44.dev20260713+nightly
codegen_flags: <defaults>
</compile_context>

<pallas_src>
import functools
import math

import jax
import jax.numpy as jnp
from jax import lax
from jax.experimental import pallas as pl
from jax.experimental.pallas import tpu as pltpu
from jax.experimental.pallas import tpu_sc as plsc

HID = 64
GROUP = 4
OUT = 256
NSRC = 10
_TAB_OF_SRC = [0, 1, 2, 3, 4, 5, None, None, 6, 7]
NROW = 500
NG = 50
NNIB = 16
TPAD = 9600


def _prologue_body(tabs_ref, dxW1_ref, dyW1_ref, dxb1_ref, dyb1_ref,
                   dxW2_ref, dyW2_ref, dxb2_ref, dyb2_ref,
                   ffnW_ref, ffnb_ref, lnw_ref,
                   TBL_ref, CD_ref, KX_ref, KY_ref, B1_ref, MX_ref, MY_ref,
                   P_ref):
    W = ffnW_ref[...]
    T0 = tabs_ref[:, 0, :]
    DT = tabs_ref[:, 1, :] - T0
    T0t = jnp.concatenate([T0] * GROUP, axis=1)
    b2x = jnp.concatenate([dxb2_ref[...]] * GROUP, axis=1)
    b2y = jnp.concatenate([dyb2_ref[...]] * GROUP, axis=1)
    SRC = jnp.concatenate([T0t[0:6], b2x, b2y, T0t[6:8]], axis=0)
    BASE10 = jnp.dot(SRC, W, preferred_element_type=jnp.float32)

    row = jax.lax.broadcasted_iota(jnp.int32, (NROW, OUT), 0).astype(jnp.float32)
    col = jax.lax.broadcasted_iota(jnp.int32, (NROW, OUT), 1)
    j = col // HID
    d = col % HID
    p = row * float(GROUP) + j.astype(jnp.float32)
    dd = ((d // 2) * 2).astype(jnp.float32)
    freq = jnp.exp(dd * (-math.log(10000.0) / HID))
    ang = p * freq
    pe_r = jnp.where(d % 2 == 0, jnp.sin(ang), jnp.cos(ang))

    C = jnp.dot(pe_r, W, preferred_element_type=jnp.float32) + ffnb_ref[...]
    C = C + jnp.broadcast_to(BASE10[:, None, :], (NSRC, NG, OUT)
                             ).reshape(NROW, OUT)
    CD_ref[...] = C[6 * NG:8 * NG]

    DJ = []
    for jj in range(GROUP):
        Wj = W[HID * jj:HID * (jj + 1), :]
        DJ.append(jnp.dot(DT, Wj, preferred_element_type=jnp.float32))

    ni = jax.lax.broadcasted_iota(jnp.int32, (NNIB, GROUP), 0)
    ji = jax.lax.broadcasted_iota(jnp.int32, (NNIB, GROUP), 1)
    NB = ((ni >> ji) & 1).astype(jnp.float32)

    lnw = lnw_ref[...]
    for s10 in range(NSRC):
        m = _TAB_OF_SRC[s10]
        if m is None:
            contrib = jnp.zeros((NNIB, OUT), jnp.float32)
        else:
            Ds = jnp.concatenate([DJ[jj][m:m + 1] for jj in range(GROUP)],
                                 axis=0)
            contrib = jnp.dot(NB, Ds, preferred_element_type=jnp.float32)
        pre = C[NG * s10:NG * (s10 + 1)][:, None, :] + contrib[None]
        ms = jnp.mean(pre * pre, axis=-1, keepdims=True)
        nrm = (pre * jax.lax.rsqrt(ms + 1e-6) * lnw[None]).reshape(
            NG * NNIB, OUT)
        TBL_ref[pl.ds(s10 * NG * NNIB, NG * NNIB), :] = nrm
    TBL_ref[pl.ds(NROW * NNIB, TPAD - NROW * NNIB), :] = jnp.zeros(
        (TPAD - NROW * NNIB, OUT), jnp.float32)

    zero = jnp.zeros((1, HID), jnp.float32)
    rowsx, rowsy = [], []
    for jj in range(GROUP):
        px = [dxW1_ref[...] if k == jj else zero for k in range(GROUP)]
        py = [dyW1_ref[...] if k == jj else zero for k in range(GROUP)]
        rowsx.append(jnp.concatenate(px, axis=1))
        rowsy.append(jnp.concatenate(py, axis=1))
    KX_ref[...] = jnp.concatenate(rowsx, axis=0)
    KY_ref[...] = jnp.concatenate(rowsy, axis=0)
    B1_ref[...] = jnp.concatenate(
        [jnp.concatenate([dxb1_ref[...]] * GROUP, axis=1),
         jnp.concatenate([dyb1_ref[...]] * GROUP, axis=1)], axis=0)

    mx, my = [], []
    for jj in range(GROUP):
        Wj = W[HID * jj:HID * (jj + 1), :]
        mx.append(jnp.dot(dxW2_ref[...], Wj, preferred_element_type=jnp.float32))
        my.append(jnp.dot(dyW2_ref[...], Wj, preferred_element_type=jnp.float32))
    MX_ref[...] = jnp.concatenate(mx, axis=0)
    MY_ref[...] = jnp.concatenate(my, axis=0)

    ti = jax.lax.broadcasted_iota(jnp.int32, (GROUP * NROW, NROW), 0)
    gi2 = jax.lax.broadcasted_iota(jnp.int32, (GROUP * NROW, NROW), 1)
    P_ref[...] = jnp.where(ti // GROUP == gi2,
                           (1 << (ti % GROUP)), 0).astype(jnp.float32)


_CHUNKS = [(0, 96), (96, 96), (192, 96), (288, 96), (384, 96), (480, 16)]
_NTAIL = 4


def _prep_body(X2_ref, XD_ref, P_ref, CD_ref, KX_ref, KY_ref, B1_ref,
               MX_ref, MY_ref, lnw_ref, tblpad_ref, idx_ref, DXY_ref):
    del tblpad_ref
    Bt = X2_ref.shape[0]
    lnw = lnw_ref[...]

    nib = jnp.dot(X2_ref[...], P_ref[...],
                  preferred_element_type=jnp.float32)
    g = jax.lax.broadcasted_iota(jnp.int32, (1, NROW), 1).astype(jnp.float32)
    bcol = (pl.program_id(0) * Bt
            + jax.lax.broadcasted_iota(jnp.int32, (Bt, 1), 0)).astype(
                jnp.float32)
    gi = jax.lax.broadcasted_iota(jnp.int32, (1, NROW), 1)
    dxyrow = float(TPAD) + bcol * float(2 * NG) + (
        g - float(6 * NG))
    in_dxy = jnp.logical_and(gi >= 6 * NG, gi < 8 * NG)
    idx = jnp.where(in_dxy, dxyrow, nib + float(NNIB) * g).astype(jnp.int32)

    last = idx[:, NROW - 1:NROW]
    idxp = jnp.concatenate([idx] + [last] * (512 - NROW), axis=1)
    rows = []
    for o, n in _CHUNKS:
        take = min(128, 512 - o)
        r = idxp[:, o:o + take]
        if take < 128:
            r = jnp.concatenate([r, jnp.zeros((Bt, 128 - take), jnp.int32)],
                                axis=1)
        rows.append(r)
    tail = jnp.concatenate(
        [idxp[:, NROW - _NTAIL:NROW],
         jnp.zeros((Bt, 124), jnp.int32)], axis=1)
    rows.append(tail)
    rows.append(jnp.zeros((Bt, 128), jnp.int32))
    idx_ref[...] = jnp.stack(rows, axis=1)

    XD = XD_ref[...]
    parts = []
    for half, (K1_ref, M_ref, ib) in enumerate(((KX_ref, MX_ref, 0),
                                                (KY_ref, MY_ref, 1))):
        feats = XD[:, half * NG:(half + 1) * NG, :].reshape(Bt * NG, GROUP)
        pre = jnp.dot(feats, K1_ref[...], preferred_element_type=jnp.float32)
        h = jnp.maximum(pre + B1_ref[ib][None], 0.0)
        parts.append(jnp.dot(h, M_ref[...], preferred_element_type=jnp.float32)
                     .reshape(Bt, NG, OUT))
    acc = jnp.concatenate(parts, axis=1) + CD_ref[...][None]
    ms = jnp.mean(acc * acc, axis=-1, keepdims=True)
    DXY_ref[...] = (acc * jax.lax.rsqrt(ms + 1e-6) * lnw[None]).reshape(
        Bt * 2 * NG, OUT)


def _make_sc_gather(B, nsub):
    nb = B // nsub
    mesh = plsc.VectorSubcoreMesh(core_axis_name="c", subcore_axis_name="s")

    @functools.partial(
        pl.kernel, mesh=mesh,
        out_type=jax.ShapeDtypeStruct((B, NROW, OUT), jnp.float32),
        scratch_types=[
            pltpu.VMEM((8, 128), jnp.int32),
            pltpu.VMEM((NROW, OUT), jnp.float32),
            pltpu.VMEM((4, OUT), jnp.float32),
            pltpu.SemaphoreType.DMA,
        ],
    )
    def sc_gather(srcall, idxh, out, idx_v, slab, tbuf, semg):
        wid = lax.axis_index("s") * 2 + lax.axis_index("c")

        def body(i, carry):
            b = wid * nb + i
            pltpu.sync_copy(idxh.at[b], idx_v)
            gets = [
                pltpu.async_copy(srcall.at[idx_v.at[c, pl.ds(0, n)]],
                                 slab.at[pl.ds(o, n)], semg)
                for c, (o, n) in enumerate(_CHUNKS)
            ]
            gets.append(
                pltpu.async_copy(srcall.at[idx_v.at[6, pl.ds(0, 4)]],
                                 tbuf, semg))
            for dd in gets:
                dd.wait()
            for r in range(_NTAIL):
                for k in range(OUT // 16):
                    slab[NROW - _NTAIL + r, pl.ds(16 * k, 16)] = (
                        tbuf[r, pl.ds(16 * k, 16)])
            pltpu.sync_copy(slab, out.at[b])
            return carry

        lax.fori_loop(0, nb, body, 0)

    return sc_gather


def kernel(w, a, s, d, space, shift, mouse_1, mouse_2, dx, dy, w_tab, a_tab,
           s_tab, d_tab, space_tab, shift_tab, m1_tab, m2_tab, dx_W1, dx_b1,
           dx_W2, dx_b2, dy_W1, dy_b1, dy_W2, dy_b2, ffn_W, ffn_b, ln_w):
    B, T = w.shape
    f32 = jnp.float32

    tabs = jnp.stack([w_tab, a_tab, s_tab, d_tab, space_tab, shift_tab,
                      m1_tab, m2_tab])
    X = jnp.concatenate(
        [w.astype(f32), a.astype(f32), s.astype(f32), d.astype(f32),
         space.astype(f32), shift.astype(f32), dx, dy,
         mouse_1.astype(f32), mouse_2.astype(f32)], axis=1)
    X2000 = X
    XD = X.reshape(B, NROW, GROUP)[:, 6 * NG:8 * NG, :]
    lnw2 = ln_w.reshape(1, OUT)

    TBL, CD, KX, KY, B1, MX, MY, P = pl.pallas_call(
        _prologue_body,
        out_shape=[
            jax.ShapeDtypeStruct((TPAD, OUT), f32),
            jax.ShapeDtypeStruct((2 * NG, OUT), f32),
            jax.ShapeDtypeStruct((GROUP, OUT), f32),
            jax.ShapeDtypeStruct((GROUP, OUT), f32),
            jax.ShapeDtypeStruct((2, OUT), f32),
            jax.ShapeDtypeStruct((OUT, OUT), f32),
            jax.ShapeDtypeStruct((OUT, OUT), f32),
            jax.ShapeDtypeStruct((GROUP * NROW, NROW), f32),
        ],
    )(tabs, dx_W1, dy_W1, dx_b1.reshape(1, HID), dy_b1.reshape(1, HID),
      dx_W2, dy_W2, dx_b2.reshape(1, HID), dy_b2.reshape(1, HID),
      ffn_W, ffn_b.reshape(1, OUT), lnw2)

    Bt = 64
    full = lambda shape: pl.BlockSpec(shape, lambda i: (0,) * len(shape))
    TBLPAD = jnp.concatenate(
        [TBL, jnp.zeros((B * 2 * NG, OUT), f32)], axis=0)
    idx, SRCALL = pl.pallas_call(
        _prep_body,
        grid=(B // Bt,),
        in_specs=[
            pl.BlockSpec((Bt, GROUP * NROW), lambda i: (i, 0)),
            pl.BlockSpec((Bt, 2 * NG, GROUP), lambda i: (i, 0, 0)),
            full((GROUP * NROW, NROW)),
            full((2 * NG, OUT)), full((GROUP, OUT)), full((GROUP, OUT)),
            full((2, OUT)), full((OUT, OUT)), full((OUT, OUT)),
            full((1, OUT)),
            pl.BlockSpec(memory_space=pltpu.MemorySpace.HBM),
        ],
        out_specs=[
            pl.BlockSpec((Bt, 8, 128), lambda i: (i, 0, 0)),
            pl.BlockSpec((Bt * 2 * NG, OUT),
                         lambda i: (TPAD // (Bt * 2 * NG) + i, 0)),
        ],
        out_shape=[
            jax.ShapeDtypeStruct((B, 8, 128), jnp.int32),
            jax.ShapeDtypeStruct((TPAD + B * 2 * NG, OUT), f32),
        ],
        input_output_aliases={10: 1},
    )(X2000, XD, P, CD, KX, KY, B1, MX, MY, lnw2, TBLPAD)

    info = plsc.get_sparse_core_info()
    nsub = info.num_cores * info.num_subcores
    out = _make_sc_gather(B, nsub)(SRCALL, idx)
    return out

# --- scband reference (transcript-rebuilt; emitter-appended) ---
"""Pipeline reference for scband-action-encoder-10831907521047 (READ-ONLY COPY).

The authoritative reference and input builder live on the scoring server;
editing this copy changes nothing except your own understanding.
"""

import jax, jax.numpy as jnp
import numpy as np
import math

B = 1024
T = 200
HID = 64
GROUP = 4
OUT = 256

def _sinusoidal_pe(T_total, dim):
    position = jnp.arange(T_total, dtype=jnp.float32)[:, None]
    div_term = jnp.exp(jnp.arange(0, dim, 2, dtype=jnp.float32) * (-math.log(10000.0) / dim))
    pe = jnp.zeros((T_total, dim), dtype=jnp.float32)
    pe = pe.at[:, 0::2].set(jnp.sin(position * div_term))
    pe = pe.at[:, 1::2].set(jnp.cos(position * div_term))
    return pe

def setup_inputs(seed: int = 0):
    key = jax.random.key(seed)
    ks = jax.random.split(key, 24)
    inp = {}
    for i, n in enumerate(["w", "a", "s", "d", "space", "shift", "mouse_1", "mouse_2"]):
        inp[n] = jax.random.randint(ks[i], (B, T), 0, 2, dtype=jnp.int32)
    inp["dx"] = jax.random.normal(ks[8], (B, T), dtype=jnp.float32)
    inp["dy"] = jax.random.normal(ks[9], (B, T), dtype=jnp.float32)
    for i, n in enumerate(["w_tab", "a_tab", "s_tab", "d_tab", "space_tab", "shift_tab", "m1_tab", "m2_tab"]):
        inp[n] = jax.random.normal(ks[10 + i], (2, HID), dtype=jnp.float32) * 0.02
    inp["dx_W1"] = jax.random.normal(ks[18], (1, HID), dtype=jnp.float32) * 0.5
    inp["dx_b1"] = jnp.zeros((HID,), dtype=jnp.float32)
    inp["dx_W2"] = jax.random.normal(ks[19], (HID, HID), dtype=jnp.float32) * (1.0 / math.sqrt(HID))
    inp["dx_b2"] = jnp.zeros((HID,), dtype=jnp.float32)
    inp["dy_W1"] = jax.random.normal(ks[20], (1, HID), dtype=jnp.float32) * 0.5
    inp["dy_b1"] = jnp.zeros((HID,), dtype=jnp.float32)
    inp["dy_W2"] = jax.random.normal(ks[21], (HID, HID), dtype=jnp.float32) * (1.0 / math.sqrt(HID))
    inp["dy_b2"] = jnp.zeros((HID,), dtype=jnp.float32)
    inp["ffn_W"] = jax.random.normal(ks[22], (HID * GROUP, OUT), dtype=jnp.float32) * (1.0 / math.sqrt(HID * GROUP))
    inp["ffn_b"] = jnp.zeros((OUT,), dtype=jnp.float32)
    inp["ln_w"] = jnp.ones((OUT,), dtype=jnp.float32)
    return inp

def reference(w, a, s, d, space, shift, mouse_1, mouse_2, dx, dy, w_tab, a_tab, s_tab, d_tab, space_tab, shift_tab, m1_tab, m2_tab, dx_W1, dx_b1, dx_W2, dx_b2, dy_W1, dy_b1, dy_W2, dy_b2, ffn_W, ffn_b, ln_w):
    Bz, Tz = space.shape
    w_emb = jnp.take(w_tab, w, axis=0)
    a_emb = jnp.take(a_tab, a, axis=0)
    s_emb = jnp.take(s_tab, s, axis=0)
    d_emb = jnp.take(d_tab, d, axis=0)
    space_emb = jnp.take(space_tab, space, axis=0)
    shift_emb = jnp.take(shift_tab, shift, axis=0)
    m1_emb = jnp.take(m1_tab, mouse_1, axis=0)
    m2_emb = jnp.take(m2_tab, mouse_2, axis=0)
    dx_h = jnp.maximum(dx[..., None] @ dx_W1 + dx_b1, 0.0)
    dx_emb = dx_h @ dx_W2 + dx_b2
    dy_h = jnp.maximum(dy[..., None] @ dy_W1 + dy_b1, 0.0)
    dy_emb = dy_h @ dy_W2 + dy_b2
    out = jnp.concatenate([w_emb, a_emb, s_emb, d_emb, space_emb, shift_emb, dx_emb, dy_emb, m1_emb, m2_emb], axis=1)
    pe = _sinusoidal_pe(out.shape[1], HID)
    out = out + pe[None, :, :]
    t = Tz * 10 // GROUP
    out = out.reshape(Bz, t, GROUP * HID)
    out = out @ ffn_W + ffn_b
    var = jnp.mean(out.astype(jnp.float32) ** 2, axis=-1, keepdims=True)
    out = out * jax.lax.rsqrt(var + 1e-6)
    out = ln_w * out
    return out

if __name__ == "__main__":
    import jax
    _d = setup_inputs()
    print(jax.jit(kernel)(*tuple(_d.values())))

</pallas_src>

<mosaic_0001>
#map = affine_map<(d0, d1) -> (0, 0)>
#map1 = affine_map<(d0, d1) -> (0, 0, 0)>
module attributes {stable_mosaic.version = 14 : i64} {
  func.func @sc_gather(%arg0: i32, %arg1: i32, %arg2: memref<112000x256xf32, #tpu.memory_space<hbm>>, %arg3: memref<1024x8x128xi32, #tpu.memory_space<hbm>>, %arg4: memref<1024x500x256xf32, #tpu.memory_space<hbm>>, %arg5: memref<8x128xi32, #tpu.memory_space<vmem>>, %arg6: memref<500x256xf32, #tpu.memory_space<vmem>>, %arg7: memref<4x256xf32, #tpu.memory_space<vmem>>, %arg8: memref<!tpu.dma_semaphore, #tpu.memory_space<semaphore_mem>>) attributes {dimension_semantics = [#tpu.dimension_semantics<core_parallel>, #tpu.dimension_semantics<subcore_parallel>], iteration_bounds = array<i64: 2, 16>, scalar_prefetch = 0 : i64, scratch_operands = 4 : i64, tpu.core_type = #tpu.core_type<sc_vector_subcore>, window_params = [{transform_indices = #map}, {transform_indices = #map1}, {transform_indices = #map1}]} {
    %mul3A = arith.constant 2 : i32
    %mul3A_0 = arith.muli %arg1, %mul3A : i32
    %add3A = arith.addi %mul3A_0, %arg0 : i32
    %scan3A = arith.constant 0 : i32
    %scan3A_1 = arith.constant 0 : i32
    %scan3A_2 = arith.constant 32 : i32
    %scan3A_3 = arith.addi %scan3A_1, %scan3A_2 : i32
    %scan3A_4 = arith.constant 1 : i32
    scf.for %scan3A_6 = %scan3A_1 to %scan3A_3 step %scan3A_4  : i32 {
      %mul3A_7 = arith.constant 32 : i32
      %mul3A_8 = arith.muli %add3A, %mul3A_7 : i32
      %add3A_9 = arith.addi %mul3A_8, %scan3A_6 : i32
      "tpu.region"() ({
        %run_scoped3A = tpu.sem_alloc : memref<!tpu.dma_semaphore, #tpu.memory_space<semaphore_mem>>
        %dma_start3A_844 = arith.constant 0 : i32
        %dma_start3A_845 = arith.constant 0 : i32
        %dma_start3A_846 = tpu.memref_slice %arg3[%add3A_9, %dma_start3A_844, %dma_start3A_845] : memref<1024x8x128xi32, #tpu.memory_space<hbm>> -> memref<1x8x128xi32, #tpu.memory_space<hbm>>
        %dma_start3A_847 = tpu.memref_squeeze %dma_start3A_846 : memref<1x8x128xi32, #tpu.memory_space<hbm>> -> memref<8x128xi32, #tpu.memory_space<hbm>>
        %dma_start3A_848 = arith.constant 0 : i32
        %dma_start3A_849 = arith.constant 0 : i32
        %dma_start3A_850 = tpu.memref_slice %arg3[%add3A_9, %dma_start3A_848, %dma_start3A_849] : memref<1024x8x128xi32, #tpu.memory_space<hbm>> -> memref<1x8x128xi32, #tpu.memory_space<hbm>>
        %dma_start3A_851 = tpu.memref_squeeze %dma_start3A_850 : memref<1x8x128xi32, #tpu.memory_space<hbm>> -> memref<8x128xi32, #tpu.memory_space<hbm>>
        tpu.enqueue_dma source(%dma_start3A_851 : memref<8x128xi32, #tpu.memory_space<hbm>>) target(%arg5 : memref<8x128xi32, #tpu.memory_space<vmem>>) target_semaphore(%run_scoped3A : memref<!tpu.dma_semaphore, #tpu.memory_space<semaphore_mem>>)
        %dma_wait3A_852 = arith.constant 0 : i32
        %dma_wait3A_853 = arith.constant 0 : i32
        %dma_wait3A_854 = tpu.memref_slice %arg3[%add3A_9, %dma_wait3A_852, %dma_wait3A_853] : memref<1024x8x128xi32, #tpu.memory_space<hbm>> -> memref<1x8x128xi32, #tpu.memory_space<hbm>>
        %dma_wait3A_855 = tpu.memref_squeeze %dma_wait3A_854 : memref<1x8x128xi32, #tpu.memory_space<hbm>> -> memref<8x128xi32, #tpu.memory_space<hbm>>
        %dma_wait3A_856 = arith.constant 0 : i32
        %dma_wait3A_857 = arith.constant 0 : i32
        %dma_wait3A_858 = tpu.memref_slice %arg3[%add3A_9, %dma_wait3A_856, %dma_wait3A_857] : memref<1024x8x128xi32, #tpu.memory_space<hbm>> -> memref<1x8x128xi32, #tpu.memory_space<hbm>>
        %dma_wait3A_859 = tpu.memref_squeeze %dma_wait3A_858 : memref<1x8x128xi32, #tpu.memory_space<hbm>> -> memref<8x128xi32, #tpu.memory_space<hbm>>
        tpu.wait_dma2 semaphore(%run_scoped3A : memref<!tpu.dma_semaphore, #tpu.memory_space<semaphore_mem>>) src(%dma_wait3A_859 : memref<8x128xi32, #tpu.memory_space<hbm>>) dst(%arg5 : memref<8x128xi32, #tpu.memory_space<vmem>>)
        tpu.yield
      }) : () -> ()
      %dma_start3A = arith.constant 0 : i32
      %dma_start3A_10 = arith.constant 0 : i32
      %dma_start3A_11 = arith.constant 0 : i32
      %dma_start3A_12 = tpu.memref_slice %arg6[%dma_start3A_10, %dma_start3A_11] : memref<500x256xf32, #tpu.memory_space<vmem>> -> memref<96x256xf32, #tpu.memory_space<vmem>>
      %dma_start3A_13 = arith.constant 0 : i32
      %dma_start3A_14 = tpu.memref_slice %arg5[%dma_start3A, %dma_start3A_13] : memref<8x128xi32, #tpu.memory_space<vmem>> -> memref<1x96xi32, #tpu.memory_space<vmem>>
      %dma_start3A_15 = tpu.memref_squeeze %dma_start3A_14 : memref<1x96xi32, #tpu.memory_space<vmem>> -> memref<96xi32, #tpu.memory_space<vmem>>
      %dma_start3A_16 = arith.constant 0 : i32
      %dma_start3A_17 = arith.constant 0 : i32
      %dma_start3A_18 = tpu.memref_slice %arg2[%dma_start3A_16, %dma_start3A_17] : memref<112000x256xf32, #tpu.memory_space<hbm>> -> memref<112000x256xf32, #tpu.memory_space<hbm>>
      tpu.enqueue_indirect_dma source(%dma_start3A_18 : memref<112000x256xf32, #tpu.memory_space<hbm>>) target(%dma_start3A_12 : memref<96x256xf32, #tpu.memory_space<vmem>>) offsets(%dma_start3A_15 : memref<96xi32, #tpu.memory_space<vmem>>) semaphore(%arg8 : memref<!tpu.dma_semaphore, #tpu.memory_space<semaphore_mem>>)
      %dma_start3A_19 = arith.constant 1 : i32
      %dma_start3A_20 = arith.constant 96 : i32
      %dma_start3A_21 = arith.constant 0 : i32
      %dma_start3A_22 = tpu.memref_slice %arg6[%dma_start3A_20, %dma_start3A_21] : memref<500x256xf32, #tpu.memory_space<vmem>> -> memref<96x256xf32, #tpu.memory_space<vmem>>
      %dma_start3A_23 = arith.constant 0 : i32
      %dma_start3A_24 = tpu.memref_slice %arg5[%dma_start3A_19, %dma_start3A_23] : memref<8x128xi32, #tpu.memory_space<vmem>> -> memref<1x96xi32, #tpu.memory_space<vmem>>
      %dma_start3A_25 = tpu.memref_squeeze %dma_start3A_24 : memref<1x96xi32, #tpu.memory_space<vmem>> -> memref<96xi32, #tpu.memory_space<vmem>>
      %dma_start3A_26 = arith.constant 0 : i32
      %dma_start3A_27 = arith.constant 0 : i32
      %dma_start3A_28 = tpu.memref_slice %arg2[%dma_start3A_26, %dma_start3A_27] : memref<112000x256xf32, #tpu.memory_space<hbm>> -> memref<112000x256xf32, #tpu.memory_space<hbm>>
      tpu.enqueue_indirect_dma source(%dma_start3A_28 : memref<112000x256xf32, #tpu.memory_space<hbm>>) target(%dma_start3A_22 : memref<96x256xf32, #tpu.memory_space<vmem>>) offsets(%dma_start3A_25 : memref<96xi32, #tpu.memory_space<vmem>>) semaphore(%arg8 : memref<!tpu.dma_semaphore, #tpu.memory_space<semaphore_mem>>)
      %dma_start3A_29 = arith.constant 2 : i32
      %dma_start3A_30 = arith.constant 192 : i32
      %dma_start3A_31 = arith.constant 0 : i32
      %dma_start3A_32 = tpu.memref_slice %arg6[%dma_start3A_30, %dma_start3A_31] : memref<500x256xf32, #tpu.memory_space<vmem>> -> memref<96x256xf32, #tpu.memory_space<vmem>>
      %dma_start3A_33 = arith.constant 0 : i32
      %dma_start3A_34 = tpu.memref_slice %arg5[%dma_start3A_29, %dma_start3A_33] : memref<8x128xi32, #tpu.memory_space<vmem>> -> memref<1x96xi32, #tpu.memory_space<vmem>>
      %dma_start3A_35 = tpu.memref_squeeze %dma_start3A_34 : memref<1x96xi32, #tpu.memory_space<vmem>> -> memref<96xi32, #tpu.memory_space<vmem>>
      %dma_start3A_36 = arith.constant 0 : i32
      %dma_start3A_37 = arith.constant 0 : i32
      %dma_start3A_38 = tpu.memref_slice %arg2[%dma_start3A_36, %dma_start3A_37] : memref<112000x256xf32, #tpu.memory_space<hbm>> -> memref<112000x256xf32, #tpu.memory_space<hbm>>
      tpu.enqueue_indirect_dma source(%dma_start3A_38 : memref<112000x256xf32, #tpu.memory_space<hbm>>) target(%dma_start3A_32 : memref<96x256xf32, #tpu.memory_space<vmem>>) offsets(%dma_start3A_35 : memref<96xi32, #tpu.memory_space<vmem>>) semaphore(%arg8 : memref<!tpu.dma_semaphore, #tpu.memory_space<semaphore_mem>>)
      %dma_start3A_39 = arith.constant 3 : i32
      %dma_start3A_40 = arith.constant 288 : i32
      %dma_start3A_41 = arith.constant 0 : i32
      %dma_start3A_42 = tpu.memref_slice %arg6[%dma_start3A_40, %dma_start3A_41] : memref<500x256xf32, #tpu.memory_space<vmem>> -> memref<96x256xf32, #tpu.memory_space<vmem>>
      %dma_start3A_43 = arith.constant 0 : i32
      %dma_start3A_44 = tpu.memref_slice %arg5[%dma_start3A_39, %dma_start3A_43] : memref<8x128xi32, #tpu.memory_space<vmem>> -> memref<1x96xi32, #tpu.memory_space<vmem>>
      %dma_start3A_45 = tpu.memref_squeeze %dma_start3A_44 : memref<1x96xi32, #tpu.memory_space<vmem>> -> memref<96xi32, #tpu.memory_space<vmem>>
      %dma_start3A_46 = arith.constant 0 : i32
      %dma_start3A_47 = arith.constant 0 : i32
      %dma_start3A_48 = tpu.memref_slice %arg2[%dma_start3A_46, %dma_start3A_47] : memref<112000x256xf32, #tpu.memory_space<hbm>> -> memref<112000x256xf32, #tpu.memory_space<hbm>>
      tpu.enqueue_indirect_dma source(%dma_start3A_48 : memref<112000x256xf32, #tpu.memory_space<hbm>>) target(%dma_start3A_42 : memref<96x256xf32, #tpu.memory_space<vmem>>) offsets(%dma_start3A_45 : memref<96xi32, #tpu.memory_space<vmem>>) semaphore(%arg8 : memref<!tpu.dma_semaphore, #tpu.memory_space<semaphore_mem>>)
      %dma_start3A_49 = arith.constant 4 : i32
      %dma_start3A_50 = arith.constant 384 : i32
      %dma_start3A_51 = arith.constant 0 : i32
      %dma_start3A_52 = tpu.memref_slice %arg6[%dma_start3A_50, %dma_start3A_51] : memref<500x256xf32, #tpu.memory_space<vmem>> -> memref<96x256xf32, #tpu.memory_space<vmem>>
      %dma_start3A_53 = arith.constant 0 : i32
      %dma_start3A_54 = tpu.memref_slice %arg5[%dma_start3A_49, %dma_start3A_53] : memref<8x128xi32, #tpu.memory_space<vmem>> -> memref<1x96xi32, #tpu.memory_space<vmem>>
      %dma_start3A_55 = tpu.memref_squeeze %dma_start3A_54 : memref<1x96xi32, #tpu.memory_space<vmem>> -> memref<96xi32, #tpu.memory_space<vmem>>
      %dma_start3A_56 = arith.constant 0 : i32
      %dma_start3A_57 = arith.constant 0 : i32
      %dma_start3A_58 = tpu.memref_slice %arg2[%dma_start3A_56, %dma_start3A_57] : memref<112000x256xf32, #tpu.memory_space<hbm>> -> memref<112000x256xf32, #tpu.memory_space<hbm>>
      tpu.enqueue_indirect_dma source(%dma_start3A_58 : memref<112000x256xf32, #tpu.memory_space<hbm>>) target(%dma_start3A_52 : memref<96x256xf32, #tpu.memory_space<vmem>>) offsets(%dma_start3A_55 : memref<96xi32, #tpu.memory_space<vmem>>) semaphore(%arg8 : memref<!tpu.dma_semaphore, #tpu.memory_space<semaphore_mem>>)
      %dma_start3A_59 = arith.constant 5 : i32
      %dma_start3A_60 = arith.constant 480 : i32
      %dma_start3A_61 = arith.constant 0 : i32
      %dma_start3A_62 = tpu.memref_slice %arg6[%dma_start3A_60, %dma_start3A_61] : memref<500x256xf32, #tpu.memory_space<vmem>> -> memref<16x256xf32, #tpu.memory_space<vmem>>
      %dma_start3A_63 = arith.constant 0 : i32
      %dma_start3A_64 = tpu.memref_slice %arg5[%dma_start3A_59, %dma_start3A_63] : memref<8x128xi32, #tpu.memory_space<vmem>> -> memref<1x16xi32, #tpu.memory_space<vmem>>
      %dma_start3A_65 = tpu.memref_squeeze %dma_start3A_64 : memref<1x16xi32, #tpu.memory_space<vmem>> -> memref<16xi32, #tpu.memory_space<vmem>>
      %dma_start3A_66 = arith.constant 0 : i32
      %dma_start3A_67 = arith.constant 0 : i32
      %dma_start3A_68 = tpu.memref_slice %arg2[%dma_start3A_66, %dma_start3A_67] : memref<112000x256xf32, #tpu.memory_space<hbm>> -> memref<112000x256xf32, #tpu.memory_space<hbm>>
      tpu.enqueue_indirect_dma source(%dma_start3A_68 : memref<112000x256xf32, #tpu.memory_space<hbm>>) target(%dma_start3A_62 : memref<16x256xf32, #tpu.memory_space<vmem>>) offsets(%dma_start3A_65 : memref<16xi32, #tpu.memory_space<vmem>>) semaphore(%arg8 : memref<!tpu.dma_semaphore, #tpu.memory_space<semaphore_mem>>)
      %dma_start3A_69 = arith.constant 6 : i32
      %dma_start3A_70 = arith.constant 0 : i32
      %dma_start3A_71 = tpu.memref_slice %arg5[%dma_start3A_69, %dma_start3A_70] : memref<8x128xi32, #tpu.memory_space<vmem>> -> memref<1x4xi32, #tpu.memory_space<vmem>>
      %dma_start3A_72 = tpu.memref_squeeze %dma_start3A_71 : memref<1x4xi32, #tpu.memory_space<vmem>> -> memref<4xi32, #tpu.memory_space<vmem>>
      %dma_start3A_73 = arith.constant 0 : i32
      %dma_start3A_74 = arith.constant 0 : i32
      %dma_start3A_75 = tpu.memref_slice %arg2[%dma_start3A_73, %dma_start3A_74] : memref<112000x256xf32, #tpu.memory_space<hbm>> -> memref<112000x256xf32, #tpu.memory_space<hbm>>
      tpu.enqueue_indirect_dma source(%dma_start3A_75 : memref<112000x256xf32, #tpu.memory_space<hbm>>) target(%arg7 : memref<4x256xf32, #tpu.memory_space<vmem>>) offsets(%dma_start3A_72 : memref<4xi32, #tpu.memory_space<vmem>>) semaphore(%arg8 : memref<!tpu.dma_semaphore, #tpu.memory_space<semaphore_mem>>)
      %dma_wait3A = arith.constant 0 : i32
      %dma_wait3A_76 = arith.constant 0 : i32
      %dma_wait3A_77 = arith.constant 0 : i32
      %dma_wait3A_78 = tpu.memref_slice %arg6[%dma_wait3A_76, %dma_wait3A_77] : memref<500x256xf32, #tpu.memory_space<vmem>> -> memref<96x256xf32, #tpu.memory_space<vmem>>
      %dma_wait3A_79 = arith.constant 0 : i32
      %dma_wait3A_80 = tpu.memref_slice %arg5[%dma_wait3A, %dma_wait3A_79] : memref<8x128xi32, #tpu.memory_space<vmem>> -> memref<1x96xi32, #tpu.memory_space<vmem>>
      %dma_wait3A_81 = tpu.memref_squeeze %dma_wait3A_80 : memref<1x96xi32, #tpu.memory_space<vmem>> -> memref<96xi32, #tpu.memory_space<vmem>>
      %dma_wait3A_82 = arith.constant 0 : i32
      %dma_wait3A_83 = arith.constant 0 : i32
      %dma_wait3A_84 = tpu.memref_slice %arg2[%dma_wait3A_82, %dma_wait3A_83] : memref<112000x256xf32, #tpu.memory_space<hbm>> -> memref<112000x256xf32, #tpu.memory_space<hbm>>
      tpu.wait_indirect_dma semaphore(%arg8 : memref<!tpu.dma_semaphore, #tpu.memory_space<semaphore_mem>>) src(%dma_wait3A_84 : memref<112000x256xf32, #tpu.memory_space<hbm>>) dst(%dma_wait3A_78 : memref<96x256xf32, #tpu.memory_space<vmem>>)
      %dma_wait3A_85 = arith.constant 1 : i32
      %dma_wait3A_86 = arith.constant 96 : i32
      %dma_wait3A_87 = arith.constant 0 : i32
      %dma_wait3A_88 = tpu.memref_slice %arg6[%dma_wait3A_86, %dma_wait3A_87] : memref<500x256xf32, #tpu.memory_space<vmem>> -> memref<96x256xf32, #tpu.memory_space<vmem>>
      %dma_wait3A_89 = arith.constant 0 : i32
      %dma_wait3A_90 = tpu.memref_slice %arg5[%dma_wait3A_85, %dma_wait3A_89] : memref<8x128xi32, #tpu.memory_space<vmem>> -> memref<1x96xi32, #tpu.memory_space<vmem>>
      %dma_wait3A_91 = tpu.memref_squeeze %dma_wait3A_90 : memref<1x96xi32, #tpu.memory_space<vmem>> -> memref<96xi32, #tpu.memory_space<vmem>>
      %dma_wait3A_92 = arith.constant 0 : i32
      %dma_wait3A_93 = arith.constant 0 : i32
      %dma_wait3A_94 = tpu.memref_slice %arg2[%dma_wait3A_92, %dma_wait3A_93] : memref<112000x256xf32, #tpu.memory_space<hbm>> -> memref<112000x256xf32, #tpu.memory_space<hbm>>
      tpu.wait_indirect_dma semaphore(%arg8 : memref<!tpu.dma_semaphore, #tpu.memory_space<semaphore_mem>>) src(%dma_wait3A_94 : memref<112000x256xf32, #tpu.memory_space<hbm>>) dst(%dma_wait3A_88 : memref<96x256xf32, #tpu.memory_space<vmem>>)
      %dma_wait3A_95 = arith.constant 2 : i32
      %dma_wait3A_96 = arith.constant 192 : i32
      %dma_wait3A_97 = arith.constant 0 : i32
      %dma_wait3A_98 = tpu.memref_slice %arg6[%dma_wait3A_96, %dma_wait3A_97] : memref<500x256xf32, #tpu.memory_space<vmem>> -> memref<96x256xf32, #tpu.memory_space<vmem>>
      %dma_wait3A_99 = arith.constant 0 : i32
      %dma_wait3A_100 = tpu.memref_slice %arg5[%dma_wait3A_95, %dma_wait3A_99] : memref<8x128xi32, #tpu.memory_space<vmem>> -> memref<1x96xi32, #tpu.memory_space<vmem>>
      %dma_wait3A_101 = tpu.memref_squeeze %dma_wait3A_100 : memref<1x96xi32, #tpu.memory_space<vmem>> -> memref<96xi32, #tpu.memory_space<vmem>>
      %dma_wait3A_102 = arith.constant 0 : i32
      %dma_wait3A_103 = arith.constant 0 : i32
      %dma_wait3A_104 = tpu.memref_slice %arg2[%dma_wait3A_102, %dma_wait3A_103] : memref<112000x256xf32, #tpu.memory_space<hbm>> -> memref<112000x256xf32, #tpu.memory_space<hbm>>
      tpu.wait_indirect_dma semaphore(%arg8 : memref<!tpu.dma_semaphore, #tpu.memory_space<semaphore_mem>>) src(%dma_wait3A_104 : memref<112000x256xf32, #tpu.memory_space<hbm>>) dst(%dma_wait3A_98 : memref<96x256xf32, #tpu.memory_space<vmem>>)
      %dma_wait3A_105 = arith.constant 3 : i32
      %dma_wait3A_106 = arith.constant 288 : i32
      %dma_wait3A_107 = arith.constant 0 : i32
      %dma_wait3A_108 = tpu.memref_slice %arg6[%dma_wait3A_106, %dma_wait3A_107] : memref<500x256xf32, #tpu.memory_space<vmem>> -> memref<96x256xf32, #tpu.memory_space<vmem>>
      %dma_wait3A_109 = arith.constant 0 : i32
      %dma_wait3A_110 = tpu.memref_slice %arg5[%dma_wait3A_105, %dma_wait3A_109] : memref<8x128xi32, #tpu.memory_space<vmem>> -> memref<1x96xi32, #tpu.memory_space<vmem>>
      %dma_wait3A_111 = tpu.memref_squeeze %dma_wait3A_110 : memref<1x96xi32, #tpu.memory_space<vmem>> -> memref<96xi32, #tpu.memory_space<vmem>>
      %dma_wait3A_112 = arith.constant 0 : i32
      %dma_wait3A_113 = arith.constant 0 : i32
      %dma_wait3A_114 = tpu.memref_slice %arg2[%dma_wait3A_112, %dma_wait3A_113] : memref<112000x256xf32, #tpu.memory_space<hbm>> -> memref<112000x256xf32, #tpu.memory_space<hbm>>
      tpu.wait_indirect_dma semaphore(%arg8 : memref<!tpu.dma_semaphore, #tpu.memory_space<semaphore_mem>>) src(%dma_wait3A_114 : memref<112000x256xf32, #tpu.memory_space<hbm>>) dst(%dma_wait3A_108 : memref<96x256xf32, #tpu.memory_space<vmem>>)
      %dma_wait3A_115 = arith.constant 4 : i32
      %dma_wait3A_116 = arith.constant 384 : i32
      %dma_wait3A_117 = arith.constant 0 : i32
      %dma_wait3A_118 = tpu.memref_slice %arg6[%dma_wait3A_116, %dma_wait3A_117] : memref<500x256xf32, #tpu.memory_space<vmem>> -> memref<96x256xf32, #tpu.memory_space<vmem>>
      %dma_wait3A_119 = arith.constant 0 : i32
      %dma_wait3A_120 = tpu.memref_slice %arg5[%dma_wait3A_115, %dma_wait3A_119] : memref<8x128xi32, #tpu.memory_space<vmem>> -> memref<1x96xi32, #tpu.memory_space<vmem>>
      %dma_wait3A_121 = tpu.memref_squeeze %dma_wait3A_120 : memref<1x96xi32, #tpu.memory_space<vmem>> -> memref<96xi32, #tpu.memory_space<vmem>>
      %dma_wait3A_122 = arith.constant 0 : i32
      %dma_wait3A_123 = arith.constant 0 : i32
      %dma_wait3A_124 = tpu.memref_slice %arg2[%dma_wait3A_122, %dma_wait3A_123] : memref<112000x256xf32, #tpu.memory_space<hbm>> -> memref<112000x256xf32, #tpu.memory_space<hbm>>
      tpu.wait_indirect_dma semaphore(%arg8 : memref<!tpu.dma_semaphore, #tpu.memory_space<semaphore_mem>>) src(%dma_wait3A_124 : memref<112000x256xf32, #tpu.memory_space<hbm>>) dst(%dma_wait3A_118 : memref<96x256xf32, #tpu.memory_space<vmem>>)
      %dma_wait3A_125 = arith.constant 5 : i32
      %dma_wait3A_126 = arith.constant 480 : i32
      %dma_wait3A_127 = arith.constant 0 : i32
      %dma_wait3A_128 = tpu.memref_slice %arg6[%dma_wait3A_126, %dma_wait3A_127] : memref<500x256xf32, #tpu.memory_space<vmem>> -> memref<16x256xf32, #tpu.memory_space<vmem>>
      %dma_wait3A_129 = arith.constant 0 : i32
      %dma_wait3A_130 = tpu.memref_slice %arg5[%dma_wait3A_125, %dma_wait3A_129] : memref<8x128xi32, #tpu.memory_space<vmem>> -> memref<1x16xi32, #tpu.memory_space<vmem>>
      %dma_wait3A_131 = tpu.memref_squeeze %dma_wait3A_130 : memref<1x16xi32, #tpu.memory_space<vmem>> -> memref<16xi32, #tpu.memory_space<vmem>>
      %dma_wait3A_132 = arith.constant 0 : i32
      %dma_wait3A_133 = arith.constant 0 : i32
      %dma_wait3A_134 = tpu.memref_slice %arg2[%dma_wait3A_132, %dma_wait3A_133] : memref<112000x256xf32, #tpu.memory_space<hbm>> -> memref<112000x256xf32, #tpu.memory_space<hbm>>
      tpu.wait_indirect_dma semaphore(%arg8 : memref<!tpu.dma_semaphore, #tpu.memory_space<semaphore_mem>>) src(%dma_wait3A_134 : memref<112000x256xf32, #tpu.memory_space<hbm>>) dst(%dma_wait3A_128 : memref<16x256xf32, #tpu.memory_space<vmem>>)
      %dma_wait3A_135 = arith.constant 6 : i32
      %dma_wait3A_136 = arith.constant 0 : i32
      %dma_wait3A_137 = tpu.memref_slice %arg5[%dma_wait3A_135, %dma_wait3A_136] : memref<8x128xi32, #tpu.memory_space<vmem>> -> memref<1x4xi32, #tpu.memory_space<vmem>>
      %dma_wait3A_138 = tpu.memref_squeeze %dma_wait3A_137 : memref<1x4xi32, #tpu.memory_space<vmem>> -> memref<4xi32, #tpu.memory_space<vmem>>
      %dma_wait3A_139 = arith.constant 0 : i32
      %dma_wait3A_140 = arith.constant 0 : i32
      %dma_wait3A_141 = tpu.memref_slice %arg2[%dma_wait3A_139, %dma_wait3A_140] : memref<112000x256xf32, #tpu.memory_space<hbm>> -> memref<112000x256xf32, #tpu.memory_space<hbm>>
      tpu.wait_indirect_dma semaphore(%arg8 : memref<!tpu.dma_semaphore, #tpu.memory_space<semaphore_mem>>) src(%dma_wait3A_141 : memref<112000x256xf32, #tpu.memory_space<hbm>>) dst(%arg7 : memref<4x256xf32, #tpu.memory_space<vmem>>)
      %get3A = arith.constant 0 : i32
      %get3A_142 = arith.index_cast %get3A : i32 to index
      %get3A_143 = arith.constant 0 : index
      %get3A_144 = tpu.vector_load %arg7[%get3A_142, %get3A_143] {strides = array<i32>} : memref<4x256xf32, #tpu.memory_space<vmem>>, vector<1x16xf32>,
      %get3A_145 = vector.shape_cast %get3A_144 : vector<1x16xf32> to vector<16xf32>
      %swap3A = arith.constant 496 : i32
      %swap3A_146 = arith.index_cast %swap3A : i32 to index
      %swap3A_147 = arith.constant 0 : index
      %swap3A_148 = tpu.vector_load %arg6[%swap3A_146, %swap3A_147] {strides = array<i32>} : memref<500x256xf32, #tpu.memory_space<vmem>>, vector<1x16xf32>,
      %swap3A_149 = vector.shape_cast %swap3A_148 : vector<1x16xf32> to vector<16xf32>
      %swap3A_150 = vector.shape_cast %get3A_145 : vector<16xf32> to vector<1x16xf32>
      tpu.vector_store %arg6[%swap3A_146, %swap3A_147], %swap3A_150 {strides = array<i32>} : memref<500x256xf32, #tpu.memory_space<vmem>>, vector<1x16xf32>,
      %get3A_151 = arith.constant 0 : i32
      %get3A_152 = arith.index_cast %get3A_151 : i32 to index
      %get3A_153 = arith.constant 16 : index
      %get3A_154 = tpu.vector_load %arg7[%get3A_152, %get3A_153] {strides = array<i32>} : memref<4x256xf32, #tpu.memory_space<vmem>>, vector<1x16xf32>,
      %get3A_155 = vector.shape_cast %get3A_154 : vector<1x16xf32> to vector<16xf32>
      %swap3A_156 = arith.constant 496 : i32
      %swap3A_157 = arith.index_cast %swap3A_156 : i32 to index
      %swap3A_158 = arith.constant 16 : index
      %swap3A_159 = tpu.vector_load %arg6[%swap3A_157, %swap3A_158] {strides = array<i32>} : memref<500x256xf32, #tpu.memory_space<vmem>>, vector<1x16xf32>,
      %swap3A_160 = vector.shape_cast %swap3A_159 : vector<1x16xf32> to vector<16xf32>
      %swap3A_161 = vector.shape_cast %get3A_155 : vector<16xf32> to vector<1x16xf32>
      tpu.vector_store %arg6[%swap3A_157, %swap3A_158], %swap3A_161 {strides = array<i32>} : memref<500x256xf32, #tpu.memory_space<vmem>>, vector<1x16xf32>,
      %get3A_162 = arith.constant 0 : i32
      %get3A_163 = arith.index_cast %get3A_162 : i32 to index
      %get3A_164 = arith.constant 32 : index
      %get3A_165 = tpu.vector_load %arg7[%get3A_163, %get3A_164] {strides = array<i32>} : memref<4x256xf32, #tpu.memory_space<vmem>>, vector<1x16xf32>,
      %get3A_166 = vector.shape_cast %get3A_165 : vector<1x16xf32> to vector<16xf32>
      %swap3A_167 = arith.constant 496 : i32
      %swap3A_168 = arith.index_cast %swap3A_167 : i32 to index
      %swap3A_169 = arith.constant 32 : index
      %swap3A_170 = tpu.vector_load %arg6[%swap3A_168, %swap3A_169] {strides = array<i32>} : memref<500x256xf32, #tpu.memory_space<vmem>>, vector<1x16xf32>,
      %swap3A_171 = vector.shape_cast %swap3A_170 : vector<1x16xf32> to vector<16xf32>
      %swap3A_172 = vector.shape_cast %get3A_166 : vector<16xf32> to vector<1x16xf32>
      tpu.vector_store %arg6[%swap3A_168, %swap3A_169], %swap3A_172 {strides = array<i32>} : memref<500x256xf32, #tpu.memory_space<vmem>>, vector<1x16xf32>,
      %get3A_173 = arith.constant 0 : i32
      %get3A_174 = arith.index_cast %get3A_173 : i32 to index
      %get3A_175 = arith.constant 48 : index
      %get3A_176 = tpu.vector_load %arg7[%get3A_174, %get3A_175] {strides = array<i32>} : memref<4x256xf32, #tpu.memory_space<vmem>>, vector<1x16xf32>,
      %get3A_177 = vector.shape_cast %get3A_176 : vector<1x16xf32> to vector<16xf32>
      %swap3A_178 = arith.constant 496 : i32
      %swap3A_179 = arith.index_cast %swap3A_178 : i32 to index
      %swap3A_180 = arith.constant 48 : index
      %swap3A_181 = tpu.vector_load %arg6[%swap3A_179, %swap3A_180] {strides = array<i32>} : memref<500x256xf32, #tpu.memory_space<vmem>>, vector<1x16xf32>,
      %swap3A_182 = vector.shape_cast %swap3A_181 : vector<1x16xf32> to vector<16xf32>
      %swap3A_183 = vector.shape_cast %get3A_177 : vector<16xf32> to vector<1x16xf32>
      tpu.vector_store %arg6[%swap3A_179, %swap3A_180], %swap3A_183 {strides = array<i32>} : memref<500x256xf32, #tpu.memory_space<vmem>>, vector<1x16xf32>,
      %get3A_184 = arith.constant 0 : i32
      %get3A_185 = arith.index_cast %get3A_184 : i32 to index
      %get3A_186 = arith.constant 64 : index
      %get3A_187 = tpu.vector_load %arg7[%get3A_185, %get3A_186] {strides = array<i32>} : memref<4x256xf32, #tpu.memory_space<vmem>>, vector<1x16xf32>,
      %get3A_188 = vector.shape_cast %get3A_187 : vector<1x16xf32> to vector<16xf32>
      %swap3A_189 = arith.constant 496 : i32
      %swap3A_190 = arith.index_cast %swap3A_189 : i32 to index
      %swap3A_191 = arith.constant 64 : index
      %swap3A_192 = tpu.vector_load %arg6[%swap3A_190, %swap3A_191] {strides = array<i32>} : memref<500x256xf32, #tpu.memory_space<vmem>>, vector<1x16xf32>,
      %swap3A_193 = vector.shape_cast %swap3A_192 : vector<1x16xf32> to vector<16xf32>
      %swap3A_194 = vector.shape_cast %get3A_188 : vector<16xf32> to vector<1x16xf32>
      tpu.vector_store %arg6[%swap3A_190, %swap3A_191], %swap3A_194 {strides = array<i32>} : memref<500x256xf32, #tpu.memory_space<vmem>>, vector<1x16xf32>,
      %get3A_195 = arith.constant 0 : i32
      %get3A_196 = arith.index_cast %get3A_195 : i32 to index
      %get3A_197 = arith.constant 80 : index
      %get3A_198 = tpu.vector_load %arg7[%get3A_196, %get3A_197] {strides = array<i32>} : memref<4x256xf32, #tpu.memory_space<vmem>>, vector<1x16xf32>,
      %get3A_199 = vector.shape_cast %get3A_198 : vector<1x16xf32> to vector<16xf32>
      %swap3A_200 = arith.constant 496 : i32
      %swap3A_201 = arith.index_cast %swap3A_200 : i32 to index
      %swap3A_202 = arith.constant 80 : index
      %swap3A_203 = tpu.vector_load %arg6[%swap3A_201, %swap3A_202] {strides = array<i32>} : memref<500x256xf32, #tpu.memory_space<vmem>>, vector<1x16xf32>,
      %swap3A_204 = vector.shape_cast %swap3A_203 : vector<1x16xf32> to vector<16xf32>
      %swap3A_205 = vector.shape_cast %get3A_199 : vector<16xf32> to vector<1x16xf32>
      tpu.vector_store %arg6[%swap3A_201, %swap3A_202], %swap3A_205 {strides = array<i32>} : memref<500x256xf32, #tpu.memory_space<vmem>>, vector<1x16xf32>,
      %get3A_206 = arith.constant 0 : i32
      %get3A_207 = arith.index_cast %get3A_206 : i32 to index
      %get3A_208 = arith.constant 96 : index
      %get3A_209 = tpu.vector_load %arg7[%get3A_207, %get3A_208] {strides = array<i32>} : memref<4x256xf32, #tpu.memory_space<vmem>>, vector<1x16xf32>,
      %get3A_210 = vector.shape_cast %get3A_209 : vector<1x16xf32> to vector<16xf32>
      %swap3A_211 = arith.constant 496 : i32
      %swap3A_212 = arith.index_cast %swap3A_211 : i32 to index
      %swap3A_213 = arith.constant 96 : index
      %swap3A_214 = tpu.vector_load %arg6[%swap3A_212, %swap3A_213] {strides = array<i32>} : memref<500x256xf32, #tpu.memory_space<vmem>>, vector<1x16xf32>,
      %swap3A_215 = vector.shape_cast %swap3A_214 : vector<1x16xf32> to vector<16xf32>
      %swap3A_216 = vector.shape_cast %get3A_210 : vector<16xf32> to vector<1x16xf32>
      tpu.vector_store %arg6[%swap3A_212, %swap3A_213], %swap3A_216 {strides = array<i32>} : memref<500x256xf32, #tpu.memory_space<vmem>>, vector<1x16xf32>,
      %get3A_217 = arith.constant 0 : i32
      %get3A_218 = arith.index_cast %get3A_217 : i32 to index
      %get3A_219 = arith.constant 112 : index
      %get3A_220 = tpu.vector_load %arg7[%get3A_218, %get3A_219] {strides = array<i32>} : memref<4x256xf32, #tpu.memory_space<vmem>>, vector<1x16xf32>,
      %get3A_221 = vector.shape_cast %get3A_220 : vector<1x16xf32> to vector<16xf32>
      %swap3A_222 = arith.constant 496 : i32
      %swap3A_223 = arith.index_cast %swap3A_222 : i32 to index
      %swap3A_224 = arith.constant 112 : index
      %swap3A_225 = tpu.vector_load %arg6[%swap3A_223, %swap3A_224] {strides = array<i32>} : memref<500x256xf32, #tpu.memory_space<vmem>>, vector<1x16xf32>,
      %swap3A_226 = vector.shape_cast %swap3A_225 : vector<1x16xf32> to vector<16xf32>
      %swap3A_227 = vector.shape_cast %get3A_221 : vector<16xf32> to vector<1x16xf32>
      tpu.vector_store %arg6[%swap3A_223, %swap3A_224], %swap3A_227 {strides = array<i32>} : memref<500x256xf32, #tpu.memory_space<vmem>>, vector<1x16xf32>,
      %get3A_228 = arith.constant 0 : i32
      %get3A_229 = arith.index_cast %get3A_228 : i32 to index
      %get3A_230 = arith.constant 128 : index
      %get3A_231 = tpu.vector_load %arg7[%get3A_229, %get3A_230] {strides = array<i32>} : memref<4x256xf32, #tpu.memory_space<vmem>>, vector<1x16xf32>,
      %get3A_232 = vector.shape_cast %get3A_231 : vector<1x16xf32> to vector<16xf32>
      %swap3A_233 = arith.constant 496 : i32
      %swap3A_234 = arith.index_cast %swap3A_233 : i32 to index
      %swap3A_235 = arith.constant 128 : index
      %swap3A_236 = tpu.vector_load %arg6[%swap3A_234, %swap3A_235] {strides = array<i32>} : memref<500x256xf32, #tpu.memory_space<vmem>>, vector<1x16xf32>,
      %swap3A_237 = vector.shape_cast %swap3A_236 : vector<1x16xf32> to vector<16xf32>
      %swap3A_238 = vector.shape_cast %get3A_232 : vector<16xf32> to vector<1x16xf32>
      tpu.vector_store %arg6[%swap3A_234, %swap3A_235], %swap3A_238 {strides = array<i32>} : memref<500x256xf32, #tpu.memory_space<vmem>>, vector<1x16xf32>,
      %get3A_239 = arith.constant 0 : i32
      %get3A_240 = arith.index_cast %get3A_239 : i32 to index
      %get3A_241 = arith.constant 144 : index
      %get3A_242 = tpu.vector_load %arg7[%get3A_240, %get3A_241] {strides = array<i32>} : memref<4x256xf32, #tpu.memory_space<vmem>>, vector<1x16xf32>,
      %get3A_243 = vector.shape_cast %get3A_242 : vector<1x16xf32> to vector<16xf32>
      %swap3A_244 = arith.constant 496 : i32
      %swap3A_245 = arith.index_cast %swap3A_244 : i32 to index
      %swap3A_246 = arith.constant 144 : index
      %swap3A_247 = tpu.vector_load %arg6[%swap3A_245, %swap3A_246] {strides = array<i32>} : memref<500x256xf32, #tpu.memory_space<vmem>>, vector<1x16xf32>,
      %swap3A_248 = vector.shape_cast %swap3A_247 : vector<1x16xf32> to vector<16xf32>
      %swap3A_249 = vector.shape_cast %get3A_243 : vector<16xf32> to vector<1x16xf32>
      tpu.vector_store %arg6[%swap3A_245, %swap3A_246], %swap3A_249 {strides = array<i32>} : memref<500x256xf32, #tpu.memory_space<vmem>>, vector<1x16xf32>,
      %get3A_250 = arith.constant 0 : i32
      %get3A_251 = arith.index_cast %get3A_250 : i32 to index
      %get3A_252 = arith.constant 160 : index
      %get3A_253 = tpu.vector_load %arg7[%get3A_251, %get3A_252] {strides = array<i32>} : memref<4x256xf32, #tpu.memory_space<vmem>>, vector<1x16xf32>,
      %get3A_254 = vector.shape_cast %get3A_253 : vector<1x16xf32> to vector<16xf32>
      %swap3A_255 = arith.constant 496 : i32
      %swap3A_256 = arith.index_cast %swap3A_255 : i32 to index
      %swap3A_257 = arith.constant 160 : index
      %swap3A_258 = tpu.vector_load %arg6[%swap3A_256, %swap3A_257] {strides = array<i32>} : memref<500x256xf32, #tpu.memory_space<vmem>>, vector<1x16xf32>,
      %swap3A_259 = vector.shape_cast %swap3A_258 : vector<1x16xf32> to vector<16xf32>
      %swap3A_260 = vector.shape_cast %get3A_254 : vector<16xf32> to vector<1x16xf32>
      tpu.vector_store %arg6[%swap3A_256, %swap3A_257], %swap3A_260 {strides = array<i32>} : memref<500x256xf32, #tpu.memory_space<vmem>>, vector<1x16xf32>,
      %get3A_261 = arith.constant 0 : i32
      %get3A_262 = arith.index_cast %get3A_261 : i32 to index
      %get3A_263 = arith.constant 176 : index
      %get3A_264 = tpu.vector_load %arg7[%get3A_262, %get3A_263] {strides = array<i32>} : memref<4x256xf32, #tpu.memory_space<vmem>>, vector<1x16xf32>,
      %get3A_265 = vector.shape_cast %get3A_264 : vector<1x16xf32> to vector<16xf32>
      %swap3A_266 = arith.constant 496 : i32
      %swap3A_267 = arith.index_cast %swap3A_266 : i32 to index
      %swap3A_268 = arith.constant 176 : index
      %swap3A_269 = tpu.vector_load %arg6[%swap3A_267, %swap3A_268] {strides = array<i32>} : memref<500x256xf32, #tpu.memory_space<vmem>>, vector<1x16xf32>,
      %swap3A_270 = vector.shape_cast %swap3A_269 : vector<1x16xf32> to vector<16xf32>
      %swap3A_271 = vector.shape_cast %get3A_265 : vector<16xf32> to vector<1x16xf32>
      tpu.vector_store %arg6[%swap3A_267, %swap3A_268], %swap3A_271 {strides = array<i32>} : memref<500x256xf32, #tpu.memory_space<vmem>>, vector<1x16xf32>,
      %get3A_272 = arith.constant 0 : i32
      %get3A_273 = arith.index_cast %get3A_272 : i32 to index
      %get3A_274 = arith.constant 192 : index
      %get3A_275 = tpu.vector_load %arg7[%get3A_273, %get3A_274] {strides = array<i32>} : memref<4x256xf32, #tpu.memory_space<vmem>>, vector<1x16xf32>,
      %get3A_276 = vector.shape_cast %get3A_275 : vector<1x16xf32> to vector<16xf32>
      %swap3A_277 = arith.constant 496 : i32
      %swap3A_278 = arith.index_cast %swap3A_277 : i32 to index
      %swap3A_279 = arith.constant 192 : index
      %swap3A_280 = tpu.vector_load %arg6[%swap3A_278, %swap3A_279] {strides = array<i32>} : memref<500x256xf32, #tpu.memory_space<vmem>>, vector<1x16xf32>,
      %swap3A_281 = vector.shape_cast %swap3A_280 : vector<1x16xf32> to vector<16xf32>
      %swap3A_282 = vector.shape_cast %get3A_276 : vector<16xf32> to vector<1x16xf32>
      tpu.vector_store %arg6[%swap3A_278, %swap3A_279], %swap3A_282 {strides = array<i32>} : memref<500x256xf32, #tpu.memory_space<vmem>>, vector<1x16xf32>,
      %get3A_283 = arith.constant 0 : i32
      %get3A_284 = arith.index_cast %get3A_283 : i32 to index
      %get3A_285 = arith.constant 208 : index
      %get3A_286 = tpu.vector_load %arg7[%get3A_284, %get3A_285] {strides = array<i32>} : memref<4x256xf32, #tpu.memory_space<vmem>>, vector<1x16xf32>,
      %get3A_287 = vector.shape_cast %get3A_286 : vector<1x16xf32> to vector<16xf32>
      %swap3A_288 = arith.constant 496 : i32
      %swap3A_289 = arith.index_cast %swap3A_288 : i32 to index
      %swap3A_290 = arith.constant 208 : index
      %swap3A_291 = tpu.vector_load %arg6[%swap3A_289, %swap3A_290] {strides = array<i32>} : memref<500x256xf32, #tpu.memory_space<vmem>>, vector<1x16xf32>,
      %swap3A_292 = vector.shape_cast %swap3A_291 : vector<1x16xf32> to vector<16xf32>
      %swap3A_293 = vector.shape_cast %get3A_287 : vector<16xf32> to vector<1x16xf32>
      tpu.vector_store %arg6[%swap3A_289, %swap3A_290], %swap3A_293 {strides = array<i32>} : memref<500x256xf32, #tpu.memory_space<vmem>>, vector<1x16xf32>,
      %get3A_294 = arith.constant 0 : i32
      %get3A_295 = arith.index_cast %get3A_294 : i32 to index
      %get3A_296 = arith.constant 224 : index
      %get3A_297 = tpu.vector_load %arg7[%get3A_295, %get3A_296] {strides = array<i32>} : memref<4x256xf32, #tpu.memory_space<vmem>>, vector<1x16xf32>,
      %get3A_298 = vector.shape_cast %get3A_297 : vector<1x16xf32> to vector<16xf32>
      %swap3A_299 = arith.constant 496 : i32
      %swap3A_300 = arith.index_cast %swap3A_299 : i32 to index
      %swap3A_301 = arith.constant 224 : index
      %swap3A_302 = tpu.vector_load %arg6[%swap3A_300, %swap3A_301] {strides = array<i32>} : memref<500x256xf32, #tpu.memory_space<vmem>>, vector<1x16xf32>,
      %swap3A_303 = vector.shape_cast %swap3A_302 : vector<1x16xf32> to vector<16xf32>
      %swap3A_304 = vector.shape_cast %get3A_298 : vector<16xf32> to vector<1x16xf32>
      tpu.vector_store %arg6[%swap3A_300, %swap3A_301], %swap3A_304 {strides = array<i32>} : memref<500x256xf32, #tpu.memory_space<vmem>>, vector<1x16xf32>,
      %get3A_305 = arith.constant 0 : i32
      %get3A_306 = arith.index_cast %get3A_305 : i32 to index
      %get3A_307 = arith.constant 240 : index
      %get3A_308 = tpu.vector_load %arg7[%get3A_306, %get3A_307] {strides = array<i32>} : memref<4x256xf32, #tpu.memory_space<vmem>>, vector<1x16xf32>,
      %get3A_309 = vector.shape_cast %get3A_308 : vector<1x16xf32> to vector<16xf32>
      %swap3A_310 = arith.constant 496 : i32
      %swap3A_311 = arith.index_cast %swap3A_310 : i32 to index
      %swap3A_312 = arith.constant 240 : index
      %swap3A_313 = tpu.vector_load %arg6[%swap3A_311, %swap3A_312] {strides = array<i32>} : memref<500x256xf32, #tpu.memory_space<vmem>>, vector<1x16xf32>,
      %swap3A_314 = vector.shape_cast %swap3A_313 : vector<1x16xf32> to vector<16xf32>
      %swap3A_315 = vector.shape_cast %get3A_309 : vector<16xf32> to vector<1x16xf32>
      tpu.vector_store %arg6[%swap3A_311, %swap3A_312], %swap3A_315 {strides = array<i32>} : memref<500x256xf32, #tpu.memory_space<vmem>>, vector<1x16xf32>,
      %get3A_316 = arith.constant 1 : i32
      %get3A_317 = arith.index_cast %get3A_316 : i32 to index
      %get3A_318 = arith.constant 0 : index
      %get3A_319 = tpu.vector_load %arg7[%get3A_317, %get3A_318] {strides = array<i32>} : memref<4x256xf32, #tpu.memory_space<vmem>>, vector<1x16xf32>,
      %get3A_320 = vector.shape_cast %get3A_319 : vector<1x16xf32> to vector<16xf32>
      %swap3A_321 = arith.constant 497 : i32
      %swap3A_322 = arith.index_cast %swap3A_321 : i32 to index
      %swap3A_323 = arith.constant 0 : index
      %swap3A_324 = tpu.vector_load %arg6[%swap3A_322, %swap3A_323] {strides = array<i32>} : memref<500x256xf32, #tpu.memory_space<vmem>>, vector<1x16xf32>,
      %swap3A_325 = vector.shape_cast %swap3A_324 : vector<1x16xf32> to vector<16xf32>
      %swap3A_326 = vector.shape_cast %get3A_320 : vector<16xf32> to vector<1x16xf32>
      tpu.vector_store %arg6[%swap3A_322, %swap3A_323], %swap3A_326 {strides = array<i32>} : memref<500x256xf32, #tpu.memory_space<vmem>>, vector<1x16xf32>,
      %get3A_327 = arith.constant 1 : i32
      %get3A_328 = arith.index_cast %get3A_327 : i32 to index
      %get3A_329 = arith.constant 16 : index
      %get3A_330 = tpu.vector_load %arg7[%get3A_328, %get3A_329] {strides = array<i32>} : memref<4x256xf32, #tpu.memory_space<vmem>>, vector<1x16xf32>,
      %get3A_331 = vector.shape_cast %get3A_330 : vector<1x16xf32> to vector<16xf32>
      %swap3A_332 = arith.constant 497 : i32
      %swap3A_333 = arith.index_cast %swap3A_332 : i32 to index
      %swap3A_334 = arith.constant 16 : index
      %swap3A_335 = tpu.vector_load %arg6[%swap3A_333, %swap3A_334] {strides = array<i32>} : memref<500x256xf32, #tpu.memory_space<vmem>>, vector<1x16xf32>,
      %swap3A_336 = vector.shape_cast %swap3A_335 : vector<1x16xf32> to vector<16xf32>
      %swap3A_337 = vector.shape_cast %get3A_331 : vector<16xf32> to vector<1x16xf32>
      tpu.vector_store %arg6[%swap3A_333, %swap3A_334], %swap3A_337 {strides = array<i32>} : memref<500x256xf32, #tpu.memory_space<vmem>>, vector<1x16xf32>,
      %get3A_338 = arith.constant 1 : i32
      %get3A_339 = arith.index_cast %get3A_338 : i32 to index
      %get3A_340 = arith.constant 32 : index
      %get3A_341 = tpu.vector_load %arg7[%get3A_339, %get3A_340] {strides = array<i32>} : memref<4x256xf32, #tpu.memory_space<vmem>>, vector<1x16xf32>,
      %get3A_342 = vector.shape_cast %get3A_341 : vector<1x16xf32> to vector<16xf32>
      %swap3A_343 = arith.constant 497 : i32
      %swap3A_344 = arith.index_cast %swap3A_343 : i32 to index
      %swap3A_345 = arith.constant 32 : index
      %swap3A_346 = tpu.vector_load %arg6[%swap3A_344, %swap3A_345] {strides = array<i32>} : memref<500x256xf32, #tpu.memory_space<vmem>>, vector<1x16xf32>,
      %swap3A_347 = vector.shape_cast %swap3A_346 : vector<1x16xf32> to vector<16xf32>
      %swap3A_348 = vector.shape_cast %get3A_342 : vector<16xf32> to vector<1x16xf32>
      tpu.vector_store %arg6[%swap3A_344, %swap3A_345], %swap3A_348 {strides = array<i32>} : memref<500x256xf32, #tpu.memory_space<vmem>>, vector<1x16xf32>,
      %get3A_349 = arith.constant 1 : i32
      %get3A_350 = arith.index_cast %get3A_349 : i32 to index
      %get3A_351 = arith.constant 48 : index
      %get3A_352 = tpu.vector_load %arg7[%get3A_350, %get3A_351] {strides = array<i32>} : memref<4x256xf32, #tpu.memory_space<vmem>>, vector<1x16xf32>,
      %get3A_353 = vector.shape_cast %get3A_352 : vector<1x16xf32> to vector<16xf32>
      %swap3A_354 = arith.constant 497 : i32
      %swap3A_355 = arith.index_cast %swap3A_354 : i32 to index
      %swap3A_356 = arith.constant 48 : index
      %swap3A_357 = tpu.vector_load %arg6[%swap3A_355, %swap3A_356] {strides = array<i32>} : memref<500x256xf32, #tpu.memory_space<vmem>>, vector<1x16xf32>,
      %swap3A_358 = vector.shape_cast %swap3A_357 : vector<1x16xf32> to vector<16xf32>
      %swap3A_359 = vector.shape_cast %get3A_353 : vector<16xf32> to vector<1x16xf32>
      tpu.vector_store %arg6[%swap3A_355, %swap3A_356], %swap3A_359 {strides = array<i32>} : memref<500x256xf32, #tpu.memory_space<vmem>>, vector<1x16xf32>,
      %get3A_360 = arith.constant 1 : i32
      %get3A_361 = arith.index_cast %get3A_360 : i32 to index
      %get3A_362 = arith.constant 64 : index
      %get3A_363 = tpu.vector_load %arg7[%get3A_361, %get3A_362] {strides = array<i32>} : memref<4x256xf32, #tpu.memory_space<vmem>>, vector<1x16xf32>,
      %get3A_364 = vector.shape_cast %get3A_363 : vector<1x16xf32> to vector<16xf32>
      %swap3A_365 = arith.constant 497 : i32
      %swap3A_366 = arith.index_cast %swap3A_365 : i32 to index
      %swap3A_367 = arith.constant 64 : index
      %swap3A_368 = tpu.vector_load %arg6[%swap3A_366, %swap3A_367] {strides = array<i32>} : memref<500x256xf32, #tpu.memory_space<vmem>>, vector<1x16xf32>,
      %swap3A_369 = vector.shape_cast %swap3A_368 : vector<1x16xf32> to vector<16xf32>
      %swap3A_370 = vector.shape_cast %get3A_364 : vector<16xf32> to vector<1x16xf32>
      tpu.vector_store %arg6[%swap3A_366, %swap3A_367], %swap3A_370 {strides = array<i32>} : memref<500x256xf32, #tpu.memory_space<vmem>>, vector<1x16xf32>,
      %get3A_371 = arith.constant 1 : i32
      %get3A_372 = arith.index_cast %get3A_371 : i32 to index
      %get3A_373 = arith.constant 80 : index
      %get3A_374 = tpu.vector_load %arg7[%get3A_372, %get3A_373] {strides = array<i32>} : memref<4x256xf32, #tpu.memory_space<vmem>>, vector<1x16xf32>,
      %get3A_375 = vector.shape_cast %get3A_374 : vector<1x16xf32> to vector<16xf32>
      %swap3A_376 = arith.constant 497 : i32
      %swap3A_377 = arith.index_cast %swap3A_376 : i32 to index
      %swap3A_378 = arith.constant 80 : index
      %swap3A_379 = tpu.vector_load %arg6[%swap3A_377, %swap3A_378] {strides = array<i32>} : memref<500x256xf32, #tpu.memory_space<vmem>>, vector<1x16xf32>,
      %swap3A_380 = vector.shape_cast %swap3A_379 : vector<1x16xf32> to vector<16xf32>
      %swap3A_381 = vector.shape_cast %get3A_375 : vector<16xf32> to vector<1x16xf32>
      tpu.vector_store %arg6[%swap3A_377, %swap3A_378], %swap3A_381 {strides = array<i32>} : memref<500x256xf32, #tpu.memory_space<vmem>>, vector<1x16xf32>,
      %get3A_382 = arith.constant 1 : i32
      %get3A_383 = arith.index_cast %get3A_382 : i32 to index
      %get3A_384 = arith.constant 96 : index
      %get3A_385 = tpu.vector_load %arg7[%get3A_383, %get3A_384] {strides = array<i32>} : memref<4x256xf32, #tpu.memory_space<vmem>>, vector<1x16xf32>,
      %get3A_386 = vector.shape_cast %get3A_385 : vector<1x16xf32> to vector<16xf32>
      %swap3A_387 = arith.constant 497 : i32
      %swap3A_388 = arith.index_cast %swap3A_387 : i32 to index
      %swap3A_389 = arith.constant 96 : index
      %swap3A_390 = tpu.vector_load %arg6[%swap3A_388, %swap3A_389] {strides = array<i32>} : memref<500x256xf32, #tpu.memory_space<vmem>>, vector<1x16xf32>,
      %swap3A_391 = vector.shape_cast %swap3A_390 : vector<1x16xf32> to vector<16xf32>
      %swap3A_392 = vector.shape_cast %get3A_386 : vector<16xf32> to vector<1x16xf32>
      tpu.vector_store %arg6[%swap3A_388, %swap3A_389], %swap3A_392 {strides = array<i32>} : memref<500x256xf32, #tpu.memory_space<vmem>>, vector<1x16xf32>,
      %get3A_393 = arith.constant 1 : i32
      %get3A_394 = arith.index_cast %get3A_393 : i32 to index
      %get3A_395 = arith.constant 112 : index
      %get3A_396 = tpu.vector_load %arg7[%get3A_394, %get3A_395] {strides = array<i32>} : memref<4x256xf32, #tpu.memory_space<vmem>>, vector<1x16xf32>,
      %get3A_397 = vector.shape_cast %get3A_396 : vector<1x16xf32> to vector<16xf32>
      %swap3A_398 = arith.constant 497 : i32
      %swap3A_399 = arith.index_cast %swap3A_398 : i32 to index
      %swap3A_400 = arith.constant 112 : index
      %swap3A_401 = tpu.vector_load %arg6[%swap3A_399, %swap3A_400] {strides = array<i32>} : memref<500x256xf32, #tpu.memory_space<vmem>>, vector<1x16xf32>,
      %swap3A_402 = vector.shape_cast %swap3A_401 : vector<1x16xf32> to vector<16xf32>
      %swap3A_403 = vector.shape_cast %get3A_397 : vector<16xf32> to vector<1x16xf32>
      tpu.vector_store %arg6[%swap3A_399, %swap3A_400], %swap3A_403 {strides = array<i32>} : memref<500x256xf32, #tpu.memory_space<vmem>>, vector<1x16xf32>,
      %get3A_404 = arith.constant 1 : i32
      %get3A_405 = arith.index_cast %get3A_404 : i32 to index
      %get3A_406 = arith.constant 128 : index
      %get3A_407 = tpu.vector_load %arg7[%get3A_405, %get3A_406] {strides = array<i32>} : memref<4x256xf32, #tpu.memory_space<vmem>>, vector<1x16xf32>,
      %get3A_408 = vector.shape_cast %get3A_407 : vector<1x16xf32> to vector<16xf32>
      %swap3A_409 = arith.constant 497 : i32
      %swap3A_410 = arith.index_cast %swap3A_409 : i32 to index
      %swap3A_411 = arith.constant 128 : index
      %swap3A_412 = tpu.vector_load %arg6[%swap3A_410, %swap3A_411] {strides = array<i32>} : memref<500x256xf32, #tpu.memory_space<vmem>>, vector<1x16xf32>,
      %swap3A_413 = vector.shape_cast %swap3A_412 : vector<1x16xf32> to vector<16xf32>
      %swap3A_414 = vector.shape_cast %get3A_408 : vector<16xf32> to vector<1x16xf32>
      tpu.vector_store %arg6[%swap3A_410, %swap3A_411], %swap3A_414 {strides = array<i32>} : memref<500x256xf32, #tpu.memory_space<vmem>>, vector<1x16xf32>,
      %get3A_415 = arith.constant 1 : i32
      %get3A_416 = arith.index_cast %get3A_415 : i32 to index
      %get3A_417 = arith.constant 144 : index
      %get3A_418 = tpu.vector_load %arg7[%get3A_416, %get3A_417] {strides = array<i32>} : memref<4x256xf32, #tpu.memory_space<vmem>>, vector<1x16xf32>,
      %get3A_419 = vector.shape_cast %get3A_418 : vector<1x16xf32> to vector<16xf32>
      %swap3A_420 = arith.constant 497 : i32
      %swap3A_421 = arith.index_cast %swap3A_420 : i32 to index
      %swap3A_422 = arith.constant 144 : index
      %swap3A_423 = tpu.vector_load %arg6[%swap3A_421, %swap3A_422] {strides = array<i32>} : memref<500x256xf32, #tpu.memory_space<vmem>>, vector<1x16xf32>,
      %swap3A_424 = vector.shape_cast %swap3A_423 : vector<1x16xf32> to vector<16xf32>
      %swap3A_425 = vector.shape_cast %get3A_419 : vector<16xf32> to vector<1x16xf32>
      tpu.vector_store %arg6[%swap3A_421, %swap3A_422], %swap3A_425 {strides = array<i32>} : memref<500x256xf32, #tpu.memory_space<vmem>>, vector<1x16xf32>,
      %get3A_426 = arith.constant 1 : i32
      %get3A_427 = arith.index_cast %get3A_426 : i32 to index
      %get3A_428 = arith.constant 160 : index
      %get3A_429 = tpu.vector_load %arg7[%get3A_427, %get3A_428] {strides = array<i32>} : memref<4x256xf32, #tpu.memory_space<vmem>>, vector<1x16xf32>,
      %get3A_430 = vector.shape_cast %get3A_429 : vector<1x16xf32> to vector<16xf32>
      %swap3A_431 = arith.constant 497 : i32
      %swap3A_432 = arith.index_cast %swap3A_431 : i32 to index
      %swap3A_433 = arith.constant 160 : index
      %swap3A_434 = tpu.vector_load %arg6[%swap3A_432, %swap3A_433] {strides = array<i32>} : memref<500x256xf32, #tpu.memory_space<vmem>>, vector<1x16xf32>,
      %swap3A_435 = vector.shape_cast %swap3A_434 : vector<1x16xf32> to vector<16xf32>
      %swap3A_436 = vector.shape_cast %get3A_430 : vector<16xf32> to vector<1x16xf32>
      tpu.vector_store %arg6[%swap3A_432, %swap3A_433], %swap3A_436 {strides = array<i32>} : memref<500x256xf32, #tpu.memory_space<vmem>>, vector<1x16xf32>,
      %get3A_437 = arith.constant 1 : i32
      %get3A_438 = arith.index_cast %get3A_437 : i32 to index
      %get3A_439 = arith.constant 176 : index
      %get3A_440 = tpu.vector_load %arg7[%get3A_438, %get3A_439] {strides = array<i32>} : memref<4x256xf32, #tpu.memory_space<vmem>>, vector<1x16xf32>,
      %get3A_441 = vector.shape_cast %get3A_440 : vector<1x16xf32> to vector<16xf32>
      %swap3A_442 = arith.constant 497 : i32
      %swap3A_443 = arith.index_cast %swap3A_442 : i32 to index
      %swap3A_444 = arith.constant 176 : index
      %swap3A_445 = tpu.vector_load %arg6[%swap3A_443, %swap3A_444] {strides = array<i32>} : memref<500x256xf32, #tpu.memory_space<vmem>>, vector<1x16xf32>,
      %swap3A_446 = vector.shape_cast %swap3A_445 : vector<1x16xf32> to vector<16xf32>
      %swap3A_447 = vector.shape_cast %get3A_441 : vector<16xf32> to vector<1x16xf32>
      tpu.vector_store %arg6[%swap3A_443, %swap3A_444], %swap3A_447 {strides = array<i32>} : memref<500x256xf32, #tpu.memory_space<vmem>>, vector<1x16xf32>,
      %get3A_448 = arith.constant 1 : i32
      %get3A_449 = arith.index_cast %get3A_448 : i32 to index
      %get3A_450 = arith.constant 192 : index
      %get3A_451 = tpu.vector_load %arg7[%get3A_449, %get3A_450] {strides = array<i32>} : memref<4x256xf32, #tpu.memory_space<vmem>>, vector<1x16xf32>,
      %get3A_452 = vector.shape_cast %get3A_451 : vector<1x16xf32> to vector<16xf32>
      %swap3A_453 = arith.constant 497 : i32
      %swap3A_454 = arith.index_cast %swap3A_453 : i32 to index
      %swap3A_455 = arith.constant 192 : index
      %swap3A_456 = tpu.vector_load %arg6[%swap3A_454, %swap3A_455] {strides = array<i32>} : memref<500x256xf32, #tpu.memory_space<vmem>>, vector<1x16xf32>,
      %swap3A_457 = vector.shape_cast %swap3A_456 : vector<1x16xf32> to vector<16xf32>
      %swap3A_458 = vector.shape_cast %get3A_452 : vector<16xf32> to vector<1x16xf32>
      tpu.vector_store %arg6[%swap3A_454, %swap3A_455], %swap3A_458 {strides = array<i32>} : memref<500x256xf32, #tpu.memory_space<vmem>>, vector<1x16xf32>,
      %get3A_459 = arith.constant 1 : i32
      %get3A_460 = arith.index_cast %get3A_459 : i32 to index
      %get3A_461 = arith.constant 208 : index
      %get3A_462 = tpu.vector_load %arg7[%get3A_460, %get3A_461] {strides = array<i32>} : memref<4x256xf32, #tpu.memory_space<vmem>>, vector<1x16xf32>,
      %get3A_463 = vector.shape_cast %get3A_462 : vector<1x16xf32> to vector<16xf32>
      %swap3A_464 = arith.constant 497 : i32
      %swap3A_465 = arith.index_cast %swap3A_464 : i32 to index
      %swap3A_466 = arith.constant 208 : index
      %swap3A_467 = tpu.vector_load %arg6[%swap3A_465, %swap3A_466] {strides = array<i32>} : memref<500x256xf32, #tpu.memory_space<vmem>>, vector<1x16xf32>,
      %swap3A_468 = vector.shape_cast %swap3A_467 : vector<1x16xf32> to vector<16xf32>
      %swap3A_469 = vector.shape_cast %get3A_463 : vector<16xf32> to vector<1x16xf32>
      tpu.vector_store %arg6[%swap3A_465, %swap3A_466], %swap3A_469 {strides = array<i32>} : memref<500x256xf32, #tpu.memory_space<vmem>>, vector<1x16xf32>,
      %get3A_470 = arith.constant 1 : i32
      %get3A_471 = arith.index_cast %get3A_470 : i32 to index
      %get3A_472 = arith.constant 224 : index
      %get3A_473 = tpu.vector_load %arg7[%get3A_471, %get3A_472] {strides = array<i32>} : memref<4x256xf32, #tpu.memory_space<vmem>>, vector<1x16xf32>,
      %get3A_474 = vector.shape_cast %get3A_473 : vector<1x16xf32> to vector<16xf32>
      %swap3A_475 = arith.constant 497 : i32
      %swap3A_476 = arith.index_cast %swap3A_475 : i32 to index
      %swap3A_477 = arith.constant 224 : index
      %swap3A_478 = tpu.vector_load %arg6[%swap3A_476, %swap3A_477] {strides = array<i32>} : memref<500x256xf32, #tpu.memory_space<vmem>>, vector<1x16xf32>,
      %swap3A_479 = vector.shape_cast %swap3A_478 : vector<1x16xf32> to vector<16xf32>
      %swap3A_480 = vector.shape_cast %get3A_474 : vector<16xf32> to vector<1x16xf32>
      tpu.vector_store %arg6[%swap3A_476, %swap3A_477], %swap3A_480 {strides = array<i32>} : memref<500x256xf32, #tpu.memory_space<vmem>>, vector<1x16xf32>,
      %get3A_481 = arith.constant 1 : i32
      %get3A_482 = arith.index_cast %get3A_481 : i32 to index
      %get3A_483 = arith.constant 240 : index
      %get3A_484 = tpu.vector_load %arg7[%get3A_482, %get3A_483] {strides = array<i32>} : memref<4x256xf32, #tpu.memory_space<vmem>>, vector<1x16xf32>,
      %get3A_485 = vector.shape_cast %get3A_484 : vector<1x16xf32> to vector<16xf32>
      %swap3A_486 = arith.constant 497 : i32
      %swap3A_487 = arith.index_cast %swap3A_486 : i32 to index
      %swap3A_488 = arith.constant 240 : index
      %swap3A_489 = tpu.vector_load %arg6[%swap3A_487, %swap3A_488] {strides = array<i32>} : memref<500x256xf32, #tpu.memory_space<vmem>>, vector<1x16xf32>,
      %swap3A_490 = vector.shape_cast %swap3A_489 : vector<1x16xf32> to vector<16xf32>
      %swap3A_491 = vector.shape_cast %get3A_485 : vector<16xf32> to vector<1x16xf32>
      tpu.vector_store %arg6[%swap3A_487, %swap3A_488], %swap3A_491 {strides = array<i32>} : memref<500x256xf32, #tpu.memory_space<vmem>>, vector<1x16xf32>,
      %get3A_492 = arith.constant 2 : i32
      %get3A_493 = arith.index_cast %get3A_492 : i32 to index
      %get3A_494 = arith.constant 0 : index
      %get3A_495 = tpu.vector_load %arg7[%get3A_493, %get3A_494] {strides = array<i32>} : memref<4x256xf32, #tpu.memory_space<vmem>>, vector<1x16xf32>,
      %get3A_496 = vector.shape_cast %get3A_495 : vector<1x16xf32> to vector<16xf32>
      %swap3A_497 = arith.constant 498 : i32
      %swap3A_498 = arith.index_cast %swap3A_497 : i32 to index
      %swap3A_499 = arith.constant 0 : index
      %swap3A_500 = tpu.vector_load %arg6[%swap3A_498, %swap3A_499] {strides = array<i32>} : memref<500x256xf32, #tpu.memory_space<vmem>>, vector<1x16xf32>,
      %swap3A_501 = vector.shape_cast %swap3A_500 : vector<1x16xf32> to vector<16xf32>
      %swap3A_502 = vector.shape_cast %get3A_496 : vector<16xf32> to vector<1x16xf32>
      tpu.vector_store %arg6[%swap3A_498, %swap3A_499], %swap3A_502 {strides = array<i32>} : memref<500x256xf32, #tpu.memory_space<vmem>>, vector<1x16xf32>,
      %get3A_503 = arith.constant 2 : i32
      %get3A_504 = arith.index_cast %get3A_503 : i32 to index
      %get3A_505 = arith.constant 16 : index
      %get3A_506 = tpu.vector_load %arg7[%get3A_504, %get3A_505] {strides = array<i32>} : memref<4x256xf32, #tpu.memory_space<vmem>>, vector<1x16xf32>,
      %get3A_507 = vector.shape_cast %get3A_506 : vector<1x16xf32> to vector<16xf32>
      %swap3A_508 = arith.constant 498 : i32
      %swap3A_509 = arith.index_cast %swap3A_508 : i32 to index
      %swap3A_510 = arith.constant 16 : index
      %swap3A_511 = tpu.vector_load %arg6[%swap3A_509, %swap3A_510] {strides = array<i32>} : memref<500x256xf32, #tpu.memory_space<vmem>>, vector<1x16xf32>,
      %swap3A_512 = vector.shape_cast %swap3A_511 : vector<1x16xf32> to vector<16xf32>
      %swap3A_513 = vector.shape_cast %get3A_507 : vector<16xf32> to vector<1x16xf32>
      tpu.vector_store %arg6[%swap3A_509, %swap3A_510], %swap3A_513 {strides = array<i32>} : memref<500x256xf32, #tpu.memory_space<vmem>>, vector<1x16xf32>,
      %get3A_514 = arith.constant 2 : i32
      %get3A_515 = arith.index_cast %get3A_514 : i32 to index
      %get3A_516 = arith.constant 32 : index
      %get3A_517 = tpu.vector_load %arg7[%get3A_515, %get3A_516] {strides = array<i32>} : memref<4x256xf32, #tpu.memory_space<vmem>>, vector<1x16xf32>,
      %get3A_518 = vector.shape_cast %get3A_517 : vector<1x16xf32> to vector<16xf32>
      %swap3A_519 = arith.constant 498 : i32
      %swap3A_520 = arith.index_cast %swap3A_519 : i32 to index
      %swap3A_521 = arith.constant 32 : index
      %swap3A_522 = tpu.vector_load %arg6[%swap3A_520, %swap3A_521] {strides = array<i32>} : memref<500x256xf32, #tpu.memory_space<vmem>>, vector<1x16xf32>,
      %swap3A_523 = vector.shape_cast %swap3A_522 : vector<1x16xf32> to vector<16xf32>
      %swap3A_524 = vector.shape_cast %get3A_518 : vector<16xf32> to vector<1x16xf32>
      tpu.vector_store %arg6[%swap3A_520, %swap3A_521], %swap3A_524 {strides = array<i32>} : memref<500x256xf32, #tpu.memory_space<vmem>>, vector<1x16xf32>,
      %get3A_525 = arith.constant 2 : i32
      %get3A_526 = arith.index_cast %get3A_525 : i32 to index
      %get3A_527 = arith.constant 48 : index
      %get3A_528 = tpu.vector_load %arg7[%get3A_526, %get3A_527] {strides = array<i32>} : memref<4x256xf32, #tpu.memory_space<vmem>>, vector<1x16xf32>,
      %get3A_529 = vector.shape_cast %get3A_528 : vector<1x16xf32> to vector<16xf32>
      %swap3A_530 = arith.constant 498 : i32
      %swap3A_531 = arith.index_cast %swap3A_530 : i32 to index
      %swap3A_532 = arith.constant 48 : index
      %swap3A_533 = tpu.vector_load %arg6[%swap3A_531, %swap3A_532] {strides = array<i32>} : memref<500x256xf32, #tpu.memory_space<vmem>>, vector<1x16xf32>,
      %swap3A_534 = vector.shape_cast %swap3A_533 : vector<1x16xf32> to vector<16xf32>
      %swap3A_535 = vector.shape_cast %get3A_529 : vector<16xf32> to vector<1x16xf32>
      tpu.vector_store %arg6[%swap3A_531, %swap3A_532], %swap3A_535 {strides = array<i32>} : memref<500x256xf32, #tpu.memory_space<vmem>>, vector<1x16xf32>,
      %get3A_536 = arith.constant 2 : i32
      %get3A_537 = arith.index_cast %get3A_536 : i32 to index
      %get3A_538 = arith.constant 64 : index
      %get3A_539 = tpu.vector_load %arg7[%get3A_537, %get3A_538] {strides = array<i32>} : memref<4x256xf32, #tpu.memory_space<vmem>>, vector<1x16xf32>,
      %get3A_540 = vector.shape_cast %get3A_539 : vector<1x16xf32> to vector<16xf32>
      %swap3A_541 = arith.constant 498 : i32
      %swap3A_542 = arith.index_cast %swap3A_541 : i32 to index
      %swap3A_543 = arith.constant 64 : index
      %swap3A_544 = tpu.vector_load %arg6[%swap3A_542, %swap3A_543] {strides = array<i32>} : memref<500x256xf32, #tpu.memory_space<vmem>>, vector<1x16xf32>,
      %swap3A_545 = vector.shape_cast %swap3A_544 : vector<1x16xf32> to vector<16xf32>
      %swap3A_546 = vector.shape_cast %get3A_540 : vector<16xf32> to vector<1x16xf32>
      tpu.vector_store %arg6[%swap3A_542, %swap3A_543], %swap3A_546 {strides = array<i32>} : memref<500x256xf32, #tpu.memory_space<vmem>>, vector<1x16xf32>,
      %get3A_547 = arith.constant 2 : i32
      %get3A_548 = arith.index_cast %get3A_547 : i32 to index
      %get3A_549 = arith.constant 80 : index
      %get3A_550 = tpu.vector_load %arg7[%get3A_548, %get3A_549] {strides = array<i32>} : memref<4x256xf32, #tpu.memory_space<vmem>>, vector<1x16xf32>,
      %get3A_551 = vector.shape_cast %get3A_550 : vector<1x16xf32> to vector<16xf32>
      %swap3A_552 = arith.constant 498 : i32
      %swap3A_553 = arith.index_cast %swap3A_552 : i32 to index
      %swap3A_554 = arith.constant 80 : index
      %swap3A_555 = tpu.vector_load %arg6[%swap3A_553, %swap3A_554] {strides = array<i32>} : memref<500x256xf32, #tpu.memory_space<vmem>>, vector<1x16xf32>,
      %swap3A_556 = vector.shape_cast %swap3A_555 : vector<1x16xf32> to vector<16xf32>
      %swap3A_557 = vector.shape_cast %get3A_551 : vector<16xf32> to vector<1x16xf32>
      tpu.vector_store %arg6[%swap3A_553, %swap3A_554], %swap3A_557 {strides = array<i32>} : memref<500x256xf32, #tpu.memory_space<vmem>>, vector<1x16xf32>,
      %get3A_558 = arith.constant 2 : i32
      %get3A_559 = arith.index_cast %get3A_558 : i32 to index
      %get3A_560 = arith.constant 96 : index
      %get3A_561 = tpu.vector_load %arg7[%get3A_559, %get3A_560] {strides = array<i32>} : memref<4x256xf32, #tpu.memory_space<vmem>>, vector<1x16xf32>,
      %get3A_562 = vector.shape_cast %get3A_561 : vector<1x16xf32> to vector<16xf32>
      %swap3A_563 = arith.constant 498 : i32
      %swap3A_564 = arith.index_cast %swap3A_563 : i32 to index
      %swap3A_565 = arith.constant 96 : index
      %swap3A_566 = tpu.vector_load %arg6[%swap3A_564, %swap3A_565] {strides = array<i32>} : memref<500x256xf32, #tpu.memory_space<vmem>>, vector<1x16xf32>,
      %swap3A_567 = vector.shape_cast %swap3A_566 : vector<1x16xf32> to vector<16xf32>
      %swap3A_568 = vector.shape_cast %get3A_562 : vector<16xf32> to vector<1x16xf32>
      tpu.vector_store %arg6[%swap3A_564, %swap3A_565], %swap3A_568 {strides = array<i32>} : memref<500x256xf32, #tpu.memory_space<vmem>>, vector<1x16xf32>,
      %get3A_569 = arith.constant 2 : i32
      %get3A_570 = arith.index_cast %get3A_569 : i32 to index
      %get3A_571 = arith.constant 112 : index
      %get3A_572 = tpu.vector_load %arg7[%get3A_570, %get3A_571] {strides = array<i32>} : memref<4x256xf32, #tpu.memory_space<vmem>>, vector<1x16xf32>,
      %get3A_573 = vector.shape_cast %get3A_572 : vector<1x16xf32> to vector<16xf32>
      %swap3A_574 = arith.constant 498 : i32
      %swap3A_575 = arith.index_cast %swap3A_574 : i32 to index
      %swap3A_576 = arith.constant 112 : index
      %swap3A_577 = tpu.vector_load %arg6[%swap3A_575, %swap3A_576] {strides = array<i32>} : memref<500x256xf32, #tpu.memory_space<vmem>>, vector<1x16xf32>,
      %swap3A_578 = vector.shape_cast %swap3A_577 : vector<1x16xf32> to vector<16xf32>
      %swap3A_579 = vector.shape_cast %get3A_573 : vector<16xf32> to vector<1x16xf32>
      tpu.vector_store %arg6[%swap3A_575, %swap3A_576], %swap3A_579 {strides = array<i32>} : memref<500x256xf32, #tpu.memory_space<vmem>>, vector<1x16xf32>,
      %get3A_580 = arith.constant 2 : i32
      %get3A_581 = arith.index_cast %get3A_580 : i32 to index
      %get3A_582 = arith.constant 128 : index
      %get3A_583 = tpu.vector_load %arg7[%get3A_581, %get3A_582] {strides = array<i32>} : memref<4x256xf32, #tpu.memory_space<vmem>>, vector<1x16xf32>,
      %get3A_584 = vector.shape_cast %get3A_583 : vector<1x16xf32> to vector<16xf32>
      %swap3A_585 = arith.constant 498 : i32
      %swap3A_586 = arith.index_cast %swap3A_585 : i32 to index
      %swap3A_587 = arith.constant 128 : index
      %swap3A_588 = tpu.vector_load %arg6[%swap3A_586, %swap3A_587] {strides = array<i32>} : memref<500x256xf32, #tpu.memory_space<vmem>>, vector<1x16xf32>,
      %swap3A_589 = vector.shape_cast %swap3A_588 : vector<1x16xf32> to vector<16xf32>
      %swap3A_590 = vector.shape_cast %get3A_584 : vector<16xf32> to vector<1x16xf32>
      tpu.vector_store %arg6[%swap3A_586, %swap3A_587], %swap3A_590 {strides = array<i32>} : memref<500x256xf32, #tpu.memory_space<vmem>>, vector<1x16xf32>,
      %get3A_591 = arith.constant 2 : i32
      %get3A_592 = arith.index_cast %get3A_591 : i32 to index
      %get3A_593 = arith.constant 144 : index
      %get3A_594 = tpu.vector_load %arg7[%get3A_592, %get3A_593] {strides = array<i32>} : memref<4x256xf32, #tpu.memory_space<vmem>>, vector<1x16xf32>,
      %get3A_595 = vector.shape_cast %get3A_594 : vector<1x16xf32> to vector<16xf32>
      %swap3A_596 = arith.constant 498 : i32
      %swap3A_597 = arith.index_cast %swap3A_596 : i32 to index
      %swap3A_598 = arith.constant 144 : index
      %swap3A_599 = tpu.vector_load %arg6[%swap3A_597, %swap3A_598] {strides = array<i32>} : memref<500x256xf32, #tpu.memory_space<vmem>>, vector<1x16xf32>,
      %swap3A_600 = vector.shape_cast %swap3A_599 : vector<1x16xf32> to vector<16xf32>
      %swap3A_601 = vector.shape_cast %get3A_595 : vector<16xf32> to vector<1x16xf32>
      tpu.vector_store %arg6[%swap3A_597, %swap3A_598], %swap3A_601 {strides = array<i32>} : memref<500x256xf32, #tpu.memory_space<vmem>>, vector<1x16xf32>,
      %get3A_602 = arith.constant 2 : i32
      %get3A_603 = arith.index_cast %get3A_602 : i32 to index
      %get3A_604 = arith.constant 160 : index
      %get3A_605 = tpu.vector_load %arg7[%get3A_603, %get3A_604] {strides = array<i32>} : memref<4x256xf32, #tpu.memory_space<vmem>>, vector<1x16xf32>,
      %get3A_606 = vector.shape_cast %get3A_605 : vector<1x16xf32> to vector<16xf32>
      %swap3A_607 = arith.constant 498 : i32
      %swap3A_608 = arith.index_cast %swap3A_607 : i32 to index
      %swap3A_609 = arith.constant 160 : index
      %swap3A_610 = tpu.vector_load %arg6[%swap3A_608, %swap3A_609] {strides = array<i32>} : memref<500x256xf32, #tpu.memory_space<vmem>>, vector<1x16xf32>,
      %swap3A_611 = vector.shape_cast %swap3A_610 : vector<1x16xf32> to vector<16xf32>
      %swap3A_612 = vector.shape_cast %get3A_606 : vector<16xf32> to vector<1x16xf32>
      tpu.vector_store %arg6[%swap3A_608, %swap3A_609], %swap3A_612 {strides = array<i32>} : memref<500x256xf32, #tpu.memory_space<vmem>>, vector<1x16xf32>,
      %get3A_613 = arith.constant 2 : i32
      %get3A_614 = arith.index_cast %get3A_613 : i32 to index
      %get3A_615 = arith.constant 176 : index
      %get3A_616 = tpu.vector_load %arg7[%get3A_614, %get3A_615] {strides = array<i32>} : memref<4x256xf32, #tpu.memory_space<vmem>>, vector<1x16xf32>,
      %get3A_617 = vector.shape_cast %get3A_616 : vector<1x16xf32> to vector<16xf32>
      %swap3A_618 = arith.constant 498 : i32
      %swap3A_619 = arith.index_cast %swap3A_618 : i32 to index
      %swap3A_620 = arith.constant 176 : index
      %swap3A_621 = tpu.vector_load %arg6[%swap3A_619, %swap3A_620] {strides = array<i32>} : memref<500x256xf32, #tpu.memory_space<vmem>>, vector<1x16xf32>,
      %swap3A_622 = vector.shape_cast %swap3A_621 : vector<1x16xf32> to vector<16xf32>
      %swap3A_623 = vector.shape_cast %get3A_617 : vector<16xf32> to vector<1x16xf32>
      tpu.vector_store %arg6[%swap3A_619, %swap3A_620], %swap3A_623 {strides = array<i32>} : memref<500x256xf32, #tpu.memory_space<vmem>>, vector<1x16xf32>,
      %get3A_624 = arith.constant 2 : i32
      %get3A_625 = arith.index_cast %get3A_624 : i32 to index
      %get3A_626 = arith.constant 192 : index
      %get3A_627 = tpu.vector_load %arg7[%get3A_625, %get3A_626] {strides = array<i32>} : memref<4x256xf32, #tpu.memory_space<vmem>>, vector<1x16xf32>,
      %get3A_628 = vector.shape_cast %get3A_627 : vector<1x16xf32> to vector<16xf32>
      %swap3A_629 = arith.constant 498 : i32
      %swap3A_630 = arith.index_cast %swap3A_629 : i32 to index
      %swap3A_631 = arith.constant 192 : index
      %swap3A_632 = tpu.vector_load %arg6[%swap3A_630, %swap3A_631] {strides = array<i32>} : memref<500x256xf32, #tpu.memory_space<vmem>>, vector<1x16xf32>,
      %swap3A_633 = vector.shape_cast %swap3A_632 : vector<1x16xf32> to vector<16xf32>
      %swap3A_634 = vector.shape_cast %get3A_628 : vector<16xf32> to vector<1x16xf32>
      tpu.vector_store %arg6[%swap3A_630, %swap3A_631], %swap3A_634 {strides = array<i32>} : memref<500x256xf32, #tpu.memory_space<vmem>>, vector<1x16xf32>,
      %get3A_635 = arith.constant 2 : i32
      %get3A_636 = arith.index_cast %get3A_635 : i32 to index
      %get3A_637 = arith.constant 208 : index
      %get3A_638 = tpu.vector_load %arg7[%get3A_636, %get3A_637] {strides = array<i32>} : memref<4x256xf32, #tpu.memory_space<vmem>>, vector<1x16xf32>,
      %get3A_639 = vector.shape_cast %get3A_638 : vector<1x16xf32> to vector<16xf32>
      %swap3A_640 = arith.constant 498 : i32
      %swap3A_641 = arith.index_cast %swap3A_640 : i32 to index
      %swap3A_642 = arith.constant 208 : index
      %swap3A_643 = tpu.vector_load %arg6[%swap3A_641, %swap3A_642] {strides = array<i32>} : memref<500x256xf32, #tpu.memory_space<vmem>>, vector<1x16xf32>,
      %swap3A_644 = vector.shape_cast %swap3A_643 : vector<1x16xf32> to vector<16xf32>
      %swap3A_645 = vector.shape_cast %get3A_639 : vector<16xf32> to vector<1x16xf32>
      tpu.vector_store %arg6[%swap3A_641, %swap3A_642], %swap3A_645 {strides = array<i32>} : memref<500x256xf32, #tpu.memory_space<vmem>>, vector<1x16xf32>,
      %get3A_646 = arith.constant 2 : i32
      %get3A_647 = arith.index_cast %get3A_646 : i32 to index
      %get3A_648 = arith.constant 224 : index
      %get3A_649 = tpu.vector_load %arg7[%get3A_647, %get3A_648] {strides = array<i32>} : memref<4x256xf32, #tpu.memory_space<vmem>>, vector<1x16xf32>,
      %get3A_650 = vector.shape_cast %get3A_649 : vector<1x16xf32> to vector<16xf32>
      %swap3A_651 = arith.constant 498 : i32
      %swap3A_652 = arith.index_cast %swap3A_651 : i32 to index
      %swap3A_653 = arith.constant 224 : index
      %swap3A_654 = tpu.vector_load %arg6[%swap3A_652, %swap3A_653] {strides = array<i32>} : memref<500x256xf32, #tpu.memory_space<vmem>>, vector<1x16xf32>,
      %swap3A_655 = vector.shape_cast %swap3A_654 : vector<1x16xf32> to vector<16xf32>
      %swap3A_656 = vector.shape_cast %get3A_650 : vector<16xf32> to vector<1x16xf32>
      tpu.vector_store %arg6[%swap3A_652, %swap3A_653], %swap3A_656 {strides = array<i32>} : memref<500x256xf32, #tpu.memory_space<vmem>>, vector<1x16xf32>,
      %get3A_657 = arith.constant 2 : i32
      %get3A_658 = arith.index_cast %get3A_657 : i32 to index
      %get3A_659 = arith.constant 240 : index
      %get3A_660 = tpu.vector_load %arg7[%get3A_658, %get3A_659] {strides = array<i32>} : memref<4x256xf32, #tpu.memory_space<vmem>>, vector<1x16xf32>,
      %get3A_661 = vector.shape_cast %get3A_660 : vector<1x16xf32> to vector<16xf32>
      %swap3A_662 = arith.constant 498 : i32
      %swap3A_663 = arith.index_cast %swap3A_662 : i32 to index
      %swap3A_664 = arith.constant 240 : index
      %swap3A_665 = tpu.vector_load %arg6[%swap3A_663, %swap3A_664] {strides = array<i32>} : memref<500x256xf32, #tpu.memory_space<vmem>>, vector<1x16xf32>,
      %swap3A_666 = vector.shape_cast %swap3A_665 : vector<1x16xf32> to vector<16xf32>
      %swap3A_667 = vector.shape_cast %get3A_661 : vector<16xf32> to vector<1x16xf32>
      tpu.vector_store %arg6[%swap3A_663, %swap3A_664], %swap3A_667 {strides = array<i32>} : memref<500x256xf32, #tpu.memory_space<vmem>>, vector<1x16xf32>,
      %get3A_668 = arith.constant 3 : i32
      %get3A_669 = arith.index_cast %get3A_668 : i32 to index
      %get3A_670 = arith.constant 0 : index
      %get3A_671 = tpu.vector_load %arg7[%get3A_669, %get3A_670] {strides = array<i32>} : memref<4x256xf32, #tpu.memory_space<vmem>>, vector<1x16xf32>,
      %get3A_672 = vector.shape_cast %get3A_671 : vector<1x16xf32> to vector<16xf32>
      %swap3A_673 = arith.constant 499 : i32
      %swap3A_674 = arith.index_cast %swap3A_673 : i32 to index
      %swap3A_675 = arith.constant 0 : index
      %swap3A_676 = tpu.vector_load %arg6[%swap3A_674, %swap3A_675] {strides = array<i32>} : memref<500x256xf32, #tpu.memory_space<vmem>>, vector<1x16xf32>,
      %swap3A_677 = vector.shape_cast %swap3A_676 : vector<1x16xf32> to vector<16xf32>
      %swap3A_678 = vector.shape_cast %get3A_672 : vector<16xf32> to vector<1x16xf32>
      tpu.vector_store %arg6[%swap3A_674, %swap3A_675], %swap3A_678 {strides = array<i32>} : memref<500x256xf32, #tpu.memory_space<vmem>>, vector<1x16xf32>,
      %get3A_679 = arith.constant 3 : i32
      %get3A_680 = arith.index_cast %get3A_679 : i32 to index
      %get3A_681 = arith.constant 16 : index
      %get3A_682 = tpu.vector_load %arg7[%get3A_680, %get3A_681] {strides = array<i32>} : memref<4x256xf32, #tpu.memory_space<vmem>>, vector<1x16xf32>,
      %get3A_683 = vector.shape_cast %get3A_682 : vector<1x16xf32> to vector<16xf32>
      %swap3A_684 = arith.constant 499 : i32
      %swap3A_685 = arith.index_cast %swap3A_684 : i32 to index
      %swap3A_686 = arith.constant 16 : index
      %swap3A_687 = tpu.vector_load %arg6[%swap3A_685, %swap3A_686] {strides = array<i32>} : memref<500x256xf32, #tpu.memory_space<vmem>>, vector<1x16xf32>,
      %swap3A_688 = vector.shape_cast %swap3A_687 : vector<1x16xf32> to vector<16xf32>
      %swap3A_689 = vector.shape_cast %get3A_683 : vector<16xf32> to vector<1x16xf32>
      tpu.vector_store %arg6[%swap3A_685, %swap3A_686], %swap3A_689 {strides = array<i32>} : memref<500x256xf32, #tpu.memory_space<vmem>>, vector<1x16xf32>,
      %get3A_690 = arith.constant 3 : i32
      %get3A_691 = arith.index_cast %get3A_690 : i32 to index
      %get3A_692 = arith.constant 32 : index
      %get3A_693 = tpu.vector_load %arg7[%get3A_691, %get3A_692] {strides = array<i32>} : memref<4x256xf32, #tpu.memory_space<vmem>>, vector<1x16xf32>,
      %get3A_694 = vector.shape_cast %get3A_693 : vector<1x16xf32> to vector<16xf32>
      %swap3A_695 = arith.constant 499 : i32
      %swap3A_696 = arith.index_cast %swap3A_695 : i32 to index
      %swap3A_697 = arith.constant 32 : index
      %swap3A_698 = tpu.vector_load %arg6[%swap3A_696, %swap3A_697] {strides = array<i32>} : memref<500x256xf32, #tpu.memory_space<vmem>>, vector<1x16xf32>,
      %swap3A_699 = vector.shape_cast %swap3A_698 : vector<1x16xf32> to vector<16xf32>
      %swap3A_700 = vector.shape_cast %get3A_694 : vector<16xf32> to vector<1x16xf32>
      tpu.vector_store %arg6[%swap3A_696, %swap3A_697], %swap3A_700 {strides = array<i32>} : memref<500x256xf32, #tpu.memory_space<vmem>>, vector<1x16xf32>,
      %get3A_701 = arith.constant 3 : i32
      %get3A_702 = arith.index_cast %get3A_701 : i32 to index
      %get3A_703 = arith.constant 48 : index
      %get3A_704 = tpu.vector_load %arg7[%get3A_702, %get3A_703] {strides = array<i32>} : memref<4x256xf32, #tpu.memory_space<vmem>>, vector<1x16xf32>,
      %get3A_705 = vector.shape_cast %get3A_704 : vector<1x16xf32> to vector<16xf32>
      %swap3A_706 = arith.constant 499 : i32
      %swap3A_707 = arith.index_cast %swap3A_706 : i32 to index
      %swap3A_708 = arith.constant 48 : index
      %swap3A_709 = tpu.vector_load %arg6[%swap3A_707, %swap3A_708] {strides = array<i32>} : memref<500x256xf32, #tpu.memory_space<vmem>>, vector<1x16xf32>,
      %swap3A_710 = vector.shape_cast %swap3A_709 : vector<1x16xf32> to vector<16xf32>
      %swap3A_711 = vector.shape_cast %get3A_705 : vector<16xf32> to vector<1x16xf32>
      tpu.vector_store %arg6[%swap3A_707, %swap3A_708], %swap3A_711 {strides = array<i32>} : memref<500x256xf32, #tpu.memory_space<vmem>>, vector<1x16xf32>,
      %get3A_712 = arith.constant 3 : i32
      %get3A_713 = arith.index_cast %get3A_712 : i32 to index
      %get3A_714 = arith.constant 64 : index
      %get3A_715 = tpu.vector_load %arg7[%get3A_713, %get3A_714] {strides = array<i32>} : memref<4x256xf32, #tpu.memory_space<vmem>>, vector<1x16xf32>,
      %get3A_716 = vector.shape_cast %get3A_715 : vector<1x16xf32> to vector<16xf32>
      %swap3A_717 = arith.constant 499 : i32
      %swap3A_718 = arith.index_cast %swap3A_717 : i32 to index
      %swap3A_719 = arith.constant 64 : index
      %swap3A_720 = tpu.vector_load %arg6[%swap3A_718, %swap3A_719] {strides = array<i32>} : memref<500x256xf32, #tpu.memory_space<vmem>>, vector<1x16xf32>,
      %swap3A_721 = vector.shape_cast %swap3A_720 : vector<1x16xf32> to vector<16xf32>
      %swap3A_722 = vector.shape_cast %get3A_716 : vector<16xf32> to vector<1x16xf32>
      tpu.vector_store %arg6[%swap3A_718, %swap3A_719], %swap3A_722 {strides = array<i32>} : memref<500x256xf32, #tpu.memory_space<vmem>>, vector<1x16xf32>,
      %get3A_723 = arith.constant 3 : i32
      %get3A_724 = arith.index_cast %get3A_723 : i32 to index
      %get3A_725 = arith.constant 80 : index
      %get3A_726 = tpu.vector_load %arg7[%get3A_724, %get3A_725] {strides = array<i32>} : memref<4x256xf32, #tpu.memory_space<vmem>>, vector<1x16xf32>,
      %get3A_727 = vector.shape_cast %get3A_726 : vector<1x16xf32> to vector<16xf32>
      %swap3A_728 = arith.constant 499 : i32
      %swap3A_729 = arith.index_cast %swap3A_728 : i32 to index
      %swap3A_730 = arith.constant 80 : index
      %swap3A_731 = tpu.vector_load %arg6[%swap3A_729, %swap3A_730] {strides = array<i32>} : memref<500x256xf32, #tpu.memory_space<vmem>>, vector<1x16xf32>,
      %swap3A_732 = vector.shape_cast %swap3A_731 : vector<1x16xf32> to vector<16xf32>
      %swap3A_733 = vector.shape_cast %get3A_727 : vector<16xf32> to vector<1x16xf32>
      tpu.vector_store %arg6[%swap3A_729, %swap3A_730], %swap3A_733 {strides = array<i32>} : memref<500x256xf32, #tpu.memory_space<vmem>>, vector<1x16xf32>,
      %get3A_734 = arith.constant 3 : i32
      %get3A_735 = arith.index_cast %get3A_734 : i32 to index
      %get3A_736 = arith.constant 96 : index
      %get3A_737 = tpu.vector_load %arg7[%get3A_735, %get3A_736] {strides = array<i32>} : memref<4x256xf32, #tpu.memory_space<vmem>>, vector<1x16xf32>,
      %get3A_738 = vector.shape_cast %get3A_737 : vector<1x16xf32> to vector<16xf32>
      %swap3A_739 = arith.constant 499 : i32
      %swap3A_740 = arith.index_cast %swap3A_739 : i32 to index
      %swap3A_741 = arith.constant 96 : index
      %swap3A_742 = tpu.vector_load %arg6[%swap3A_740, %swap3A_741] {strides = array<i32>} : memref<500x256xf32, #tpu.memory_space<vmem>>, vector<1x16xf32>,
      %swap3A_743 = vector.shape_cast %swap3A_742 : vector<1x16xf32> to vector<16xf32>
      %swap3A_744 = vector.shape_cast %get3A_738 : vector<16xf32> to vector<1x16xf32>
      tpu.vector_store %arg6[%swap3A_740, %swap3A_741], %swap3A_744 {strides = array<i32>} : memref<500x256xf32, #tpu.memory_space<vmem>>, vector<1x16xf32>,
      %get3A_745 = arith.constant 3 : i32
      %get3A_746 = arith.index_cast %get3A_745 : i32 to index
      %get3A_747 = arith.constant 112 : index
      %get3A_748 = tpu.vector_load %arg7[%get3A_746, %get3A_747] {strides = array<i32>} : memref<4x256xf32, #tpu.memory_space<vmem>>, vector<1x16xf32>,
      %get3A_749 = vector.shape_cast %get3A_748 : vector<1x16xf32> to vector<16xf32>
      %swap3A_750 = arith.constant 499 : i32
      %swap3A_751 = arith.index_cast %swap3A_750 : i32 to index
      %swap3A_752 = arith.constant 112 : index
      %swap3A_753 = tpu.vector_load %arg6[%swap3A_751, %swap3A_752] {strides = array<i32>} : memref<500x256xf32, #tpu.memory_space<vmem>>, vector<1x16xf32>,
      %swap3A_754 = vector.shape_cast %swap3A_753 : vector<1x16xf32> to vector<16xf32>
      %swap3A_755 = vector.shape_cast %get3A_749 : vector<16xf32> to vector<1x16xf32>
      tpu.vector_store %arg6[%swap3A_751, %swap3A_752], %swap3A_755 {strides = array<i32>} : memref<500x256xf32, #tpu.memory_space<vmem>>, vector<1x16xf32>,
      %get3A_756 = arith.constant 3 : i32
      %get3A_757 = arith.index_cast %get3A_756 : i32 to index
      %get3A_758 = arith.constant 128 : index
      %get3A_759 = tpu.vector_load %arg7[%get3A_757, %get3A_758] {strides = array<i32>} : memref<4x256xf32, #tpu.memory_space<vmem>>, vector<1x16xf32>,
      %get3A_760 = vector.shape_cast %get3A_759 : vector<1x16xf32> to vector<16xf32>
      %swap3A_761 = arith.constant 499 : i32
      %swap3A_762 = arith.index_cast %swap3A_761 : i32 to index
      %swap3A_763 = arith.constant 128 : index
      %swap3A_764 = tpu.vector_load %arg6[%swap3A_762, %swap3A_763] {strides = array<i32>} : memref<500x256xf32, #tpu.memory_space<vmem>>, vector<1x16xf32>,
      %swap3A_765 = vector.shape_cast %swap3A_764 : vector<1x16xf32> to vector<16xf32>
      %swap3A_766 = vector.shape_cast %get3A_760 : vector<16xf32> to vector<1x16xf32>
      tpu.vector_store %arg6[%swap3A_762, %swap3A_763], %swap3A_766 {strides = array<i32>} : memref<500x256xf32, #tpu.memory_space<vmem>>, vector<1x16xf32>,
      %get3A_767 = arith.constant 3 : i32
      %get3A_768 = arith.index_cast %get3A_767 : i32 to index
      %get3A_769 = arith.constant 144 : index
      %get3A_770 = tpu.vector_load %arg7[%get3A_768, %get3A_769] {strides = array<i32>} : memref<4x256xf32, #tpu.memory_space<vmem>>, vector<1x16xf32>,
      %get3A_771 = vector.shape_cast %get3A_770 : vector<1x16xf32> to vector<16xf32>
      %swap3A_772 = arith.constant 499 : i32
      %swap3A_773 = arith.index_cast %swap3A_772 : i32 to index
      %swap3A_774 = arith.constant 144 : index
      %swap3A_775 = tpu.vector_load %arg6[%swap3A_773, %swap3A_774] {strides = array<i32>} : memref<500x256xf32, #tpu.memory_space<vmem>>, vector<1x16xf32>,
      %swap3A_776 = vector.shape_cast %swap3A_775 : vector<1x16xf32> to vector<16xf32>
      %swap3A_777 = vector.shape_cast %get3A_771 : vector<16xf32> to vector<1x16xf32>
      tpu.vector_store %arg6[%swap3A_773, %swap3A_774], %swap3A_777 {strides = array<i32>} : memref<500x256xf32, #tpu.memory_space<vmem>>, vector<1x16xf32>,
      %get3A_778 = arith.constant 3 : i32
      %get3A_779 = arith.index_cast %get3A_778 : i32 to index
      %get3A_780 = arith.constant 160 : index
      %get3A_781 = tpu.vector_load %arg7[%get3A_779, %get3A_780] {strides = array<i32>} : memref<4x256xf32, #tpu.memory_space<vmem>>, vector<1x16xf32>,
      %get3A_782 = vector.shape_cast %get3A_781 : vector<1x16xf32> to vector<16xf32>
      %swap3A_783 = arith.constant 499 : i32
      %swap3A_784 = arith.index_cast %swap3A_783 : i32 to index
      %swap3A_785 = arith.constant 160 : index
      %swap3A_786 = tpu.vector_load %arg6[%swap3A_784, %swap3A_785] {strides = array<i32>} : memref<500x256xf32, #tpu.memory_space<vmem>>, vector<1x16xf32>,
      %swap3A_787 = vector.shape_cast %swap3A_786 : vector<1x16xf32> to vector<16xf32>
      %swap3A_788 = vector.shape_cast %get3A_782 : vector<16xf32> to vector<1x16xf32>
      tpu.vector_store %arg6[%swap3A_784, %swap3A_785], %swap3A_788 {strides = array<i32>} : memref<500x256xf32, #tpu.memory_space<vmem>>, vector<1x16xf32>,
      %get3A_789 = arith.constant 3 : i32
      %get3A_790 = arith.index_cast %get3A_789 : i32 to index
      %get3A_791 = arith.constant 176 : index
      %get3A_792 = tpu.vector_load %arg7[%get3A_790, %get3A_791] {strides = array<i32>} : memref<4x256xf32, #tpu.memory_space<vmem>>, vector<1x16xf32>,
      %get3A_793 = vector.shape_cast %get3A_792 : vector<1x16xf32> to vector<16xf32>
      %swap3A_794 = arith.constant 499 : i32
      %swap3A_795 = arith.index_cast %swap3A_794 : i32 to index
      %swap3A_796 = arith.constant 176 : index
      %swap3A_797 = tpu.vector_load %arg6[%swap3A_795, %swap3A_796] {strides = array<i32>} : memref<500x256xf32, #tpu.memory_space<vmem>>, vector<1x16xf32>,
      %swap3A_798 = vector.shape_cast %swap3A_797 : vector<1x16xf32> to vector<16xf32>
      %swap3A_799 = vector.shape_cast %get3A_793 : vector<16xf32> to vector<1x16xf32>
      tpu.vector_store %arg6[%swap3A_795, %swap3A_796], %swap3A_799 {strides = array<i32>} : memref<500x256xf32, #tpu.memory_space<vmem>>, vector<1x16xf32>,
      %get3A_800 = arith.constant 3 : i32
      %get3A_801 = arith.index_cast %get3A_800 : i32 to index
      %get3A_802 = arith.constant 192 : index
      %get3A_803 = tpu.vector_load %arg7[%get3A_801, %get3A_802] {strides = array<i32>} : memref<4x256xf32, #tpu.memory_space<vmem>>, vector<1x16xf32>,
      %get3A_804 = vector.shape_cast %get3A_803 : vector<1x16xf32> to vector<16xf32>
      %swap3A_805 = arith.constant 499 : i32
      %swap3A_806 = arith.index_cast %swap3A_805 : i32 to index
      %swap3A_807 = arith.constant 192 : index
      %swap3A_808 = tpu.vector_load %arg6[%swap3A_806, %swap3A_807] {strides = array<i32>} : memref<500x256xf32, #tpu.memory_space<vmem>>, vector<1x16xf32>,
      %swap3A_809 = vector.shape_cast %swap3A_808 : vector<1x16xf32> to vector<16xf32>
      %swap3A_810 = vector.shape_cast %get3A_804 : vector<16xf32> to vector<1x16xf32>
      tpu.vector_store %arg6[%swap3A_806, %swap3A_807], %swap3A_810 {strides = array<i32>} : memref<500x256xf32, #tpu.memory_space<vmem>>, vector<1x16xf32>,
      %get3A_811 = arith.constant 3 : i32
      %get3A_812 = arith.index_cast %get3A_811 : i32 to index
      %get3A_813 = arith.constant 208 : index
      %get3A_814 = tpu.vector_load %arg7[%get3A_812, %get3A_813] {strides = array<i32>} : memref<4x256xf32, #tpu.memory_space<vmem>>, vector<1x16xf32>,
      %get3A_815 = vector.shape_cast %get3A_814 : vector<1x16xf32> to vector<16xf32>
      %swap3A_816 = arith.constant 499 : i32
      %swap3A_817 = arith.index_cast %swap3A_816 : i32 to index
      %swap3A_818 = arith.constant 208 : index
      %swap3A_819 = tpu.vector_load %arg6[%swap3A_817, %swap3A_818] {strides = array<i32>} : memref<500x256xf32, #tpu.memory_space<vmem>>, vector<1x16xf32>,
      %swap3A_820 = vector.shape_cast %swap3A_819 : vector<1x16xf32> to vector<16xf32>
      %swap3A_821 = vector.shape_cast %get3A_815 : vector<16xf32> to vector<1x16xf32>
      tpu.vector_store %arg6[%swap3A_817, %swap3A_818], %swap3A_821 {strides = array<i32>} : memref<500x256xf32, #tpu.memory_space<vmem>>, vector<1x16xf32>,
      %get3A_822 = arith.constant 3 : i32
      %get3A_823 = arith.index_cast %get3A_822 : i32 to index
      %get3A_824 = arith.constant 224 : index
      %get3A_825 = tpu.vector_load %arg7[%get3A_823, %get3A_824] {strides = array<i32>} : memref<4x256xf32, #tpu.memory_space<vmem>>, vector<1x16xf32>,
      %get3A_826 = vector.shape_cast %get3A_825 : vector<1x16xf32> to vector<16xf32>
      %swap3A_827 = arith.constant 499 : i32
      %swap3A_828 = arith.index_cast %swap3A_827 : i32 to index
      %swap3A_829 = arith.constant 224 : index
      %swap3A_830 = tpu.vector_load %arg6[%swap3A_828, %swap3A_829] {strides = array<i32>} : memref<500x256xf32, #tpu.memory_space<vmem>>, vector<1x16xf32>,
      %swap3A_831 = vector.shape_cast %swap3A_830 : vector<1x16xf32> to vector<16xf32>
      %swap3A_832 = vector.shape_cast %get3A_826 : vector<16xf32> to vector<1x16xf32>
      tpu.vector_store %arg6[%swap3A_828, %swap3A_829], %swap3A_832 {strides = array<i32>} : memref<500x256xf32, #tpu.memory_space<vmem>>, vector<1x16xf32>,
      %get3A_833 = arith.constant 3 : i32
      %get3A_834 = arith.index_cast %get3A_833 : i32 to index
      %get3A_835 = arith.constant 240 : index
      %get3A_836 = tpu.vector_load %arg7[%get3A_834, %get3A_835] {strides = array<i32>} : memref<4x256xf32, #tpu.memory_space<vmem>>, vector<1x16xf32>,
      %get3A_837 = vector.shape_cast %get3A_836 : vector<1x16xf32> to vector<16xf32>
      %swap3A_838 = arith.constant 499 : i32
      %swap3A_839 = arith.index_cast %swap3A_838 : i32 to index
      %swap3A_840 = arith.constant 240 : index
      %swap3A_841 = tpu.vector_load %arg6[%swap3A_839, %swap3A_840] {strides = array<i32>} : memref<500x256xf32, #tpu.memory_space<vmem>>, vector<1x16xf32>,
      %swap3A_842 = vector.shape_cast %swap3A_841 : vector<1x16xf32> to vector<16xf32>
      %swap3A_843 = vector.shape_cast %get3A_837 : vector<16xf32> to vector<1x16xf32>
      tpu.vector_store %arg6[%swap3A_839, %swap3A_840], %swap3A_843 {strides = array<i32>} : memref<500x256xf32, #tpu.memory_space<vmem>>, vector<1x16xf32>,
      "tpu.region"() ({
        %run_scoped3A = tpu.sem_alloc : memref<!tpu.dma_semaphore, #tpu.memory_space<semaphore_mem>>
        %dma_start3A_844 = arith.constant 0 : i32
        %dma_start3A_845 = arith.constant 0 : i32
        %dma_start3A_846 = tpu.memref_slice %arg4[%add3A_9, %dma_start3A_844, %dma_start3A_845] : memref<1024x500x256xf32, #tpu.memory_space<hbm>> -> memref<1x500x256xf32, #tpu.memory_space<hbm>>
        %dma_start3A_847 = tpu.memref_squeeze %dma_start3A_846 : memref<1x500x256xf32, #tpu.memory_space<hbm>> -> memref<500x256xf32, #tpu.memory_space<hbm>>
        %dma_start3A_848 = arith.constant 0 : i32
        %dma_start3A_849 = arith.constant 0 : i32
        %dma_start3A_850 = tpu.memref_slice %arg4[%add3A_9, %dma_start3A_848, %dma_start3A_849] : memref<1024x500x256xf32, #tpu.memory_space<hbm>> -> memref<1x500x256xf32, #tpu.memory_space<hbm>>
        %dma_start3A_851 = tpu.memref_squeeze %dma_start3A_850 : memref<1x500x256xf32, #tpu.memory_space<hbm>> -> memref<500x256xf32, #tpu.memory_space<hbm>>
        tpu.enqueue_dma source(%arg6 : memref<500x256xf32, #tpu.memory_space<vmem>>) target(%dma_start3A_851 : memref<500x256xf32, #tpu.memory_space<hbm>>) target_semaphore(%run_scoped3A : memref<!tpu.dma_semaphore, #tpu.memory_space<semaphore_mem>>)
        %dma_wait3A_852 = arith.constant 0 : i32
        %dma_wait3A_853 = arith.constant 0 : i32
        %dma_wait3A_854 = tpu.memref_slice %arg4[%add3A_9, %dma_wait3A_852, %dma_wait3A_853] : memref<1024x500x256xf32, #tpu.memory_space<hbm>> -> memref<1x500x256xf32, #tpu.memory_space<hbm>>
        %dma_wait3A_855 = tpu.memref_squeeze %dma_wait3A_854 : memref<1x500x256xf32, #tpu.memory_space<hbm>> -> memref<500x256xf32, #tpu.memory_space<hbm>>
        %dma_wait3A_856 = arith.constant 0 : i32
        %dma_wait3A_857 = arith.constant 0 : i32
        %dma_wait3A_858 = tpu.memref_slice %arg4[%add3A_9, %dma_wait3A_856, %dma_wait3A_857] : memref<1024x500x256xf32, #tpu.memory_space<hbm>> -> memref<1x500x256xf32, #tpu.memory_space<hbm>>
        %dma_wait3A_859 = tpu.memref_squeeze %dma_wait3A_858 : memref<1x500x256xf32, #tpu.memory_space<hbm>> -> memref<500x256xf32, #tpu.memory_space<hbm>>
        tpu.wait_dma2 semaphore(%run_scoped3A : memref<!tpu.dma_semaphore, #tpu.memory_space<semaphore_mem>>) src(%arg6 : memref<500x256xf32, #tpu.memory_space<vmem>>) dst(%dma_wait3A_859 : memref<500x256xf32, #tpu.memory_space<hbm>>)
        tpu.yield
      }) : () -> ()
    }
    %scan3A_5 = arith.constant 32 : i32
    return
  }
}

module attributes {stable_mosaic.version = 14 : i64} {
  func.func @_prologue_body(%arg0: memref<8x2x64xf32, #tpu.memory_space<vmem>>, %arg1: memref<1x64xf32, #tpu.memory_space<vmem>>, %arg2: memref<1x64xf32, #tpu.memory_space<vmem>>, %arg3: memref<1x64xf32, #tpu.memory_space<vmem>>, %arg4: memref<1x64xf32, #tpu.memory_space<vmem>>, %arg5: memref<64x64xf32, #tpu.memory_space<vmem>>, %arg6: memref<64x64xf32, #tpu.memory_space<vmem>>, %arg7: memref<1x64xf32, #tpu.memory_space<vmem>>, %arg8: memref<1x64xf32, #tpu.memory_space<vmem>>, %arg9: memref<256x256xf32, #tpu.memory_space<vmem>>, %arg10: memref<1x256xf32, #tpu.memory_space<vmem>>, %arg11: memref<1x256xf32, #tpu.memory_space<vmem>>, %arg12: memref<9600x256xf32, #tpu.memory_space<vmem>>, %arg13: memref<100x256xf32, #tpu.memory_space<vmem>>, %arg14: memref<4x256xf32, #tpu.memory_space<vmem>>, %arg15: memref<4x256xf32, #tpu.memory_space<vmem>>, %arg16: memref<2x256xf32, #tpu.memory_space<vmem>>, %arg17: memref<256x256xf32, #tpu.memory_space<vmem>>, %arg18: memref<256x256xf32, #tpu.memory_space<vmem>>, %arg19: memref<2000x500xf32, #tpu.memory_space<vmem>>) attributes {dimension_semantics = [], scalar_prefetch = 0 : i64, scratch_operands = 0 : i64, tpu.core_type = #tpu.core_type<tc>} {
    %get3A = arith.constant 0 : index
    %get3A_0 = arith.constant 0 : index
    %get3A_1 = vector.load %arg9[%get3A, %get3A_0] : memref<256x256xf32, #tpu.memory_space<vmem>>, vector<256x256xf32>
    %get3A_2 = arith.constant 0 : index
    %get3A_3 = arith.constant 0 : index
    %get3A_4 = arith.constant 0 : index
    %get3A_5 = vector.load %arg0[%get3A_2, %get3A_3, %get3A_4] : memref<8x2x64xf32, #tpu.memory_space<vmem>>, vector<8x1x64xf32>
    %get3A_6 = vector.shape_cast %get3A_5 : vector<8x1x64xf32> to vector<8x64xf32>
    %get3A_7 = arith.constant 0 : index
    %get3A_8 = arith.constant 1 : index
    %get3A_9 = arith.constant 0 : index
    %get3A_10 = vector.load %arg0[%get3A_7, %get3A_8, %get3A_9] : memref<8x2x64xf32, #tpu.memory_space<vmem>>, vector<8x1x64xf32>
    %get3A_11 = vector.shape_cast %get3A_10 : vector<8x1x64xf32> to vector<8x64xf32>
    %sub3A = arith.subf %get3A_11, %get3A_6 : vector<8x64xf32>
    %concatenate3A = tpu.concatenate %get3A_6, %get3A_6, %get3A_6, %get3A_6 in 1 : vector<8x64xf32>, vector<8x64xf32>, vector<8x64xf32>, vector<8x64xf32> -> vector<8x256xf32>
    %get3A_12 = arith.constant 0 : index
    %get3A_13 = arith.constant 0 : index
    %get3A_14 = vector.load %arg7[%get3A_12, %get3A_13] : memref<1x64xf32, #tpu.memory_space<vmem>>, vector<1x64xf32>
    %concatenate3A_15 = tpu.concatenate %get3A_14, %get3A_14, %get3A_14, %get3A_14 in 1 : vector<1x64xf32>, vector<1x64xf32>, vector<1x64xf32>, vector<1x64xf32> -> vector<1x256xf32>
    %get3A_16 = arith.constant 0 : index
    %get3A_17 = arith.constant 0 : index
    %get3A_18 = vector.load %arg8[%get3A_16, %get3A_17] : memref<1x64xf32, #tpu.memory_space<vmem>>, vector<1x64xf32>
    %concatenate3A_19 = tpu.concatenate %get3A_18, %get3A_18, %get3A_18, %get3A_18 in 1 : vector<1x64xf32>, vector<1x64xf32>, vector<1x64xf32>, vector<1x64xf32> -> vector<1x256xf32>
    %slice3A = vector.extract_strided_slice %concatenate3A {offsets = [0, 0], sizes = [6, 256], strides = [1, 1]} : vector<8x256xf32> to vector<6x256xf32>
    %slice3A_20 = vector.extract_strided_slice %concatenate3A {offsets = [6, 0], sizes = [2, 256], strides = [1, 1]} : vector<8x256xf32> to vector<2x256xf32>
    %concatenate3A_21 = tpu.concatenate %slice3A, %concatenate3A_15, %concatenate3A_19, %slice3A_20 in 0 : vector<6x256xf32>, vector<1x256xf32>, vector<1x256xf32>, vector<2x256xf32> -> vector<10x256xf32>
    %dot_general3A = arith.constant dense<0.000000e+00> : vector<10x256xf32>
    %dot_general3A_22 = tpu.matmul %concatenate3A_21, %get3A_1, %dot_general3A {dimension_numbers = #tpu.dot_dimension_numbers<[1], [0], [0], [1], [0, 0, 1, 1], [], []>, transpose_lhs_hint = false} : vector<10x256xf32>, vector<256x256xf32>, vector<10x256xf32> -> vector<10x256xf32>
    %iota3A = tpu.iota {dimensions = array<i32: 0>} : vector<500x256xi32>
    %convert_element_type3A = arith.sitofp %iota3A : vector<500x256xi32> to vector<500x256xf32>
    %iota3A_23 = tpu.iota {dimensions = array<i32: 1>} : vector<500x256xi32>
    %jit3A = arith.constant 64 : i32
    %div3A = vector.broadcast %jit3A : i32 to vector<500x256xi32>
    %div3A_24 = arith.divsi %iota3A_23, %div3A : vector<500x256xi32>
    %sign3A = arith.constant 0 : i32
    %sign3A_25 = vector.broadcast %sign3A : i32 to vector<500x256xi32>
    %sign3A_26 = arith.cmpi sgt, %iota3A_23, %sign3A_25 : vector<500x256xi32>
    %sign3A_27 = arith.extui %sign3A_26 : vector<500x256xi1> to vector<500x256xi32>
    %sign3A_28 = arith.constant 0 : i32
    %sign3A_29 = vector.broadcast %sign3A_28 : i32 to vector<500x256xi32>
    %sign3A_30 = arith.cmpi slt, %iota3A_23, %sign3A_29 : vector<500x256xi32>
    %sign3A_31 = arith.extui %sign3A_30 : vector<500x256xi1> to vector<500x256xi32>
    %sign3A_32 = arith.subi %sign3A_27, %sign3A_31 : vector<500x256xi32>
    %sign3A_33 = arith.constant 0 : i32
    %sign3A_34 = arith.cmpi sgt, %jit3A, %sign3A_33 : i32
    %sign3A_35 = arith.extui %sign3A_34 : i1 to i32
    %sign3A_36 = arith.constant 0 : i32
    %sign3A_37 = arith.cmpi slt, %jit3A, %sign3A_36 : i32
    %sign3A_38 = arith.extui %sign3A_37 : i1 to i32
    %sign3A_39 = arith.subi %sign3A_35, %sign3A_38 : i32
    %ne3A = vector.broadcast %sign3A_39 : i32 to vector<500x256xi32>
    %ne3A_40 = arith.cmpi ne, %sign3A_32, %ne3A : vector<500x256xi32>
    %rem3A = vector.broadcast %jit3A : i32 to vector<500x256xi32>
    %rem3A_41 = arith.remsi %iota3A_23, %rem3A : vector<500x256xi32>
    %ne3A_42 = arith.constant 0 : i32
    %ne3A_43 = vector.broadcast %ne3A_42 : i32 to vector<500x256xi32>
    %ne3A_44 = arith.cmpi ne, %rem3A_41, %ne3A_43 : vector<500x256xi32>
    %and3A = arith.andi %ne3A_40, %ne3A_44 : vector<500x256xi1>
    %sub3A_45 = arith.constant 1 : i32
    %sub3A_46 = vector.broadcast %sub3A_45 : i32 to vector<500x256xi32>
    %sub3A_47 = arith.subi %div3A_24, %sub3A_46 : vector<500x256xi32>
    %select_n3A = arith.select %and3A, %sub3A_47, %div3A_24 : vector<500x256xi1>, vector<500x256xi32>
    %jit3A_48 = arith.constant 64 : i32
    %eq3A = arith.constant 0 : i32
    %eq3A_49 = arith.cmpi eq, %jit3A_48, %eq3A : i32
    %jit3A_50 = arith.constant 1 : i32
    %select_n3A_51 = arith.select %eq3A_49, %jit3A_50, %jit3A_48 : i32
    %rem3A_52 = vector.broadcast %select_n3A_51 : i32 to vector<500x256xi32>
    %rem3A_53 = arith.remsi %iota3A_23, %rem3A_52 : vector<500x256xi32>
    %ne3A_54 = arith.constant 0 : i32
    %ne3A_55 = vector.broadcast %ne3A_54 : i32 to vector<500x256xi32>
    %ne3A_56 = arith.cmpi ne, %rem3A_53, %ne3A_55 : vector<500x256xi32>
    %lt3A = arith.constant 0 : i32
    %lt3A_57 = vector.broadcast %lt3A : i32 to vector<500x256xi32>
    %lt3A_58 = arith.cmpi slt, %rem3A_53, %lt3A_57 : vector<500x256xi32>
    %lt3A_59 = arith.constant 0 : i32
    %lt3A_60 = arith.cmpi slt, %select_n3A_51, %lt3A_59 : i32
    %ne3A_61 = vector.broadcast %lt3A_60 : i1 to vector<500x256xi1>
    %ne3A_62 = vector.broadcast %ne3A_61 : vector<500x256xi1> to vector<500x256xi1>
    %ne3A_63 = arith.xori %lt3A_58, %ne3A_62 : vector<500x256xi1>
    %and3A_64 = arith.andi %ne3A_63, %ne3A_56 : vector<500x256xi1>
    %add3A = vector.broadcast %select_n3A_51 : i32 to vector<500x256xi32>
    %add3A_65 = arith.addi %rem3A_53, %add3A : vector<500x256xi32>
    %select_n3A_66 = arith.select %and3A_64, %add3A_65, %rem3A_53 : vector<500x256xi1>, vector<500x256xi32>
    %mul3A = arith.constant 4.000000e+00 : f32
    %mul3A_67 = vector.broadcast %mul3A : f32 to vector<500x256xf32>
    %mul3A_68 = arith.mulf %convert_element_type3A, %mul3A_67 : vector<500x256xf32>
    %convert_element_type3A_69 = arith.sitofp %select_n3A : vector<500x256xi32> to vector<500x256xf32>
    %add3A_70 = arith.addf %mul3A_68, %convert_element_type3A_69 : vector<500x256xf32>
    %jit3A_71 = arith.constant 2 : i32
    %div3A_72 = vector.broadcast %jit3A_71 : i32 to vector<500x256xi32>
    %div3A_73 = arith.divsi %select_n3A_66, %div3A_72 : vector<500x256xi32>
    %sign3A_74 = arith.constant 0 : i32
    %sign3A_75 = vector.broadcast %sign3A_74 : i32 to vector<500x256xi32>
    %sign3A_76 = arith.cmpi sgt, %select_n3A_66, %sign3A_75 : vector<500x256xi32>
    %sign3A_77 = arith.extui %sign3A_76 : vector<500x256xi1> to vector<500x256xi32>
    %sign3A_78 = arith.constant 0 : i32
    %sign3A_79 = vector.broadcast %sign3A_78 : i32 to vector<500x256xi32>
    %sign3A_80 = arith.cmpi slt, %select_n3A_66, %sign3A_79 : vector<500x256xi32>
    %sign3A_81 = arith.extui %sign3A_80 : vector<500x256xi1> to vector<500x256xi32>
    %sign3A_82 = arith.subi %sign3A_77, %sign3A_81 : vector<500x256xi32>
    %sign3A_83 = arith.constant 0 : i32
    %sign3A_84 = arith.cmpi sgt, %jit3A_71, %sign3A_83 : i32
    %sign3A_85 = arith.extui %sign3A_84 : i1 to i32
    %sign3A_86 = arith.constant 0 : i32
    %sign3A_87 = arith.cmpi slt, %jit3A_71, %sign3A_86 : i32
    %sign3A_88 = arith.extui %sign3A_87 : i1 to i32
    %sign3A_89 = arith.subi %sign3A_85, %sign3A_88 : i32
    %ne3A_90 = vector.broadcast %sign3A_89 : i32 to vector<500x256xi32>
    %ne3A_91 = arith.cmpi ne, %sign3A_82, %ne3A_90 : vector<500x256xi32>
    %rem3A_92 = vector.broadcast %jit3A_71 : i32 to vector<500x256xi32>
    %rem3A_93 = arith.remsi %select_n3A_66, %rem3A_92 : vector<500x256xi32>
    %ne3A_94 = arith.constant 0 : i32
    %ne3A_95 = vector.broadcast %ne3A_94 : i32 to vector<500x256xi32>
    %ne3A_96 = arith.cmpi ne, %rem3A_93, %ne3A_95 : vector<500x256xi32>
    %and3A_97 = arith.andi %ne3A_91, %ne3A_96 : vector<500x256xi1>
    %sub3A_98 = arith.constant 1 : i32
    %sub3A_99 = vector.broadcast %sub3A_98 : i32 to vector<500x256xi32>
    %sub3A_100 = arith.subi %div3A_73, %sub3A_99 : vector<500x256xi32>
    %select_n3A_101 = arith.select %and3A_97, %sub3A_100, %div3A_73 : vector<500x256xi1>, vector<500x256xi32>
    %mul3A_102 = arith.constant 2 : i32
    %mul3A_103 = vector.broadcast %mul3A_102 : i32 to vector<500x256xi32>
    %mul3A_104 = arith.muli %select_n3A_101, %mul3A_103 : vector<500x256xi32>
    %convert_element_type3A_105 = arith.sitofp %mul3A_104 : vector<500x256xi32> to vector<500x256xf32>
    %mul3A_106 = arith.constant -0.14391157 : f32
    %mul3A_107 = vector.broadcast %mul3A_106 : f32 to vector<500x256xf32>
    %mul3A_108 = arith.mulf %convert_element_type3A_105, %mul3A_107 : vector<500x256xf32>
    %exp3A = math.exp %mul3A_108 : vector<500x256xf32>
    %mul3A_109 = arith.mulf %add3A_70, %exp3A : vector<500x256xf32>
    %jit3A_110 = arith.constant 2 : i32
    %eq3A_111 = arith.constant 0 : i32
    %eq3A_112 = arith.cmpi eq, %jit3A_110, %eq3A_111 : i32
    %jit3A_113 = arith.constant 1 : i32
    %select_n3A_114 = arith.select %eq3A_112, %jit3A_113, %jit3A_110 : i32
    %rem3A_115 = vector.broadcast %select_n3A_114 : i32 to vector<500x256xi32>
    %rem3A_116 = arith.remsi %select_n3A_66, %rem3A_115 : vector<500x256xi32>
    %ne3A_117 = arith.constant 0 : i32
    %ne3A_118 = vector.broadcast %ne3A_117 : i32 to vector<500x256xi32>
    %ne3A_119 = arith.cmpi ne, %rem3A_116, %ne3A_118 : vector<500x256xi32>
    %lt3A_120 = arith.constant 0 : i32
    %lt3A_121 = vector.broadcast %lt3A_120 : i32 to vector<500x256xi32>
    %lt3A_122 = arith.cmpi slt, %rem3A_116, %lt3A_121 : vector<500x256xi32>
    %lt3A_123 = arith.constant 0 : i32
    %lt3A_124 = arith.cmpi slt, %select_n3A_114, %lt3A_123 : i32
    %ne3A_125 = vector.broadcast %lt3A_124 : i1 to vector<500x256xi1>
    %ne3A_126 = vector.broadcast %ne3A_125 : vector<500x256xi1> to vector<500x256xi1>
    %ne3A_127 = arith.xori %lt3A_122, %ne3A_126 : vector<500x256xi1>
    %and3A_128 = arith.andi %ne3A_127, %ne3A_119 : vector<500x256xi1>
    %add3A_129 = vector.broadcast %select_n3A_114 : i32 to vector<500x256xi32>
    %add3A_130 = arith.addi %rem3A_116, %add3A_129 : vector<500x256xi32>
    %select_n3A_131 = arith.select %and3A_128, %add3A_130, %rem3A_116 : vector<500x256xi1>, vector<500x256xi32>
    %eq3A_132 = arith.constant 0 : i32
    %eq3A_133 = vector.broadcast %eq3A_132 : i32 to vector<500x256xi32>
    %eq3A_134 = arith.cmpi eq, %select_n3A_131, %eq3A_133 : vector<500x256xi32>
    %sin3A = math.sin %mul3A_109 : vector<500x256xf32>
    %cos3A = math.cos %mul3A_109 : vector<500x256xf32>
    %select_n3A_135 = arith.select %eq3A_134, %sin3A, %cos3A : vector<500x256xi1>, vector<500x256xf32>
    %dot_general3A_136 = arith.constant dense<0.000000e+00> : vector<500x256xf32>
    %dot_general3A_137 = tpu.matmul %select_n3A_135, %get3A_1, %dot_general3A_136 {dimension_numbers = #tpu.dot_dimension_numbers<[1], [0], [0], [1], [0, 0, 1, 1], [], []>, transpose_lhs_hint = false} : vector<500x256xf32>, vector<256x256xf32>, vector<500x256xf32> -> vector<500x256xf32>
    %get3A_138 = arith.constant 0 : index
    %get3A_139 = arith.constant 0 : index
    %get3A_140 = vector.load %arg10[%get3A_138, %get3A_139] : memref<1x256xf32, #tpu.memory_space<vmem>>, vector<1x256xf32>
    %add3A_141 = vector.broadcast %get3A_140 : vector<1x256xf32> to vector<500x256xf32>
    %add3A_142 = arith.addf %dot_general3A_137, %add3A_141 : vector<500x256xf32>
    %broadcast_in_dim3A = vector.shape_cast %dot_general3A_22 : vector<10x256xf32> to vector<10x1x256xf32>
    %broadcast_in_dim3A_143 = vector.shape_cast %broadcast_in_dim3A : vector<10x1x256xf32> to vector<10x1x256xf32>
    %broadcast_in_dim3A_144 = vector.broadcast %broadcast_in_dim3A_143 : vector<10x1x256xf32> to vector<10x50x256xf32>
    %reshape3A = vector.shape_cast %broadcast_in_dim3A_144 : vector<10x50x256xf32> to vector<500x256xf32>
    %add3A_145 = arith.addf %add3A_142, %reshape3A : vector<500x256xf32>
    %slice3A_146 = vector.extract_strided_slice %add3A_145 {offsets = [300, 0], sizes = [100, 256], strides = [1, 1]} : vector<500x256xf32> to vector<100x256xf32>
    %swap3A = arith.constant 0 : index
    %swap3A_147 = arith.constant 0 : index
    %swap3A_148 = vector.load %arg13[%swap3A, %swap3A_147] : memref<100x256xf32, #tpu.memory_space<vmem>>, vector<100x256xf32>
    tpu.vector_store %arg13[%swap3A, %swap3A_147], %slice3A_146 {strides = array<i32>} : memref<100x256xf32, #tpu.memory_space<vmem>>, vector<100x256xf32>,
    %slice3A_149 = vector.extract_strided_slice %get3A_1 {offsets = [0, 0], sizes = [64, 256], strides = [1, 1]} : vector<256x256xf32> to vector<64x256xf32>
    %dot_general3A_150 = arith.constant dense<0.000000e+00> : vector<8x256xf32>
    %dot_general3A_151 = tpu.matmul %sub3A, %slice3A_149, %dot_general3A_150 {dimension_numbers = #tpu.dot_dimension_numbers<[1], [0], [0], [1], [0, 0, 1, 1], [], []>, transpose_lhs_hint = false} : vector<8x64xf32>, vector<64x256xf32>, vector<8x256xf32> -> vector<8x256xf32>
    %slice3A_152 = vector.extract_strided_slice %get3A_1 {offsets = [64, 0], sizes = [64, 256], strides = [1, 1]} : vector<256x256xf32> to vector<64x256xf32>
    %dot_general3A_153 = arith.constant dense<0.000000e+00> : vector<8x256xf32>
    %dot_general3A_154 = tpu.matmul %sub3A, %slice3A_152, %dot_general3A_153 {dimension_numbers = #tpu.dot_dimension_numbers<[1], [0], [0], [1], [0, 0, 1, 1], [], []>, transpose_lhs_hint = false} : vector<8x64xf32>, vector<64x256xf32>, vector<8x256xf32> -> vector<8x256xf32>
    %slice3A_155 = vector.extract_strided_slice %get3A_1 {offsets = [128, 0], sizes = [64, 256], strides = [1, 1]} : vector<256x256xf32> to vector<64x256xf32>
    %dot_general3A_156 = arith.constant dense<0.000000e+00> : vector<8x256xf32>
    %dot_general3A_157 = tpu.matmul %sub3A, %slice3A_155, %dot_general3A_156 {dimension_numbers = #tpu.dot_dimension_numbers<[1], [0], [0], [1], [0, 0, 1, 1], [], []>, transpose_lhs_hint = false} : vector<8x64xf32>, vector<64x256xf32>, vector<8x256xf32> -> vector<8x256xf32>
    %slice3A_158 = vector.extract_strided_slice %get3A_1 {offsets = [192, 0], sizes = [64, 256], strides = [1, 1]} : vector<256x256xf32> to vector<64x256xf32>
    %dot_general3A_159 = arith.constant dense<0.000000e+00> : vector<8x256xf32>
    %dot_general3A_160 = tpu.matmul %sub3A, %slice3A_158, %dot_general3A_159 {dimension_numbers = #tpu.dot_dimension_numbers<[1], [0], [0], [1], [0, 0, 1, 1], [], []>, transpose_lhs_hint = false} : vector<8x64xf32>, vector<64x256xf32>, vector<8x256xf32> -> vector<8x256xf32>
    %iota3A_161 = tpu.iota {dimensions = array<i32: 0>} : vector<16x4xi32>
    %iota3A_162 = tpu.iota {dimensions = array<i32: 1>} : vector<16x4xi32>
    %shift_right_arithmetic3A = arith.shrsi %iota3A_161, %iota3A_162 : vector<16x4xi32>
    %and3A_163 = arith.constant 1 : i32
    %and3A_164 = vector.broadcast %and3A_163 : i32 to vector<16x4xi32>
    %and3A_165 = arith.andi %shift_right_arithmetic3A, %and3A_164 : vector<16x4xi32>
    %convert_element_type3A_166 = arith.sitofp %and3A_165 : vector<16x4xi32> to vector<16x4xf32>
    %get3A_167 = arith.constant 0 : index
    %get3A_168 = arith.constant 0 : index
    %get3A_169 = vector.load %arg11[%get3A_167, %get3A_168] : memref<1x256xf32, #tpu.memory_space<vmem>>, vector<1x256xf32>
    %slice3A_170 = vector.extract_strided_slice %dot_general3A_151 {offsets = [0, 0], sizes = [1, 256], strides = [1, 1]} : vector<8x256xf32> to vector<1x256xf32>
    %slice3A_171 = vector.extract_strided_slice %dot_general3A_154 {offsets = [0, 0], sizes = [1, 256], strides = [1, 1]} : vector<8x256xf32> to vector<1x256xf32>
    %slice3A_172 = vector.extract_strided_slice %dot_general3A_157 {offsets = [0, 0], sizes = [1, 256], strides = [1, 1]} : vector<8x256xf32> to vector<1x256xf32>
    %slice3A_173 = vector.extract_strided_slice %dot_general3A_160 {offsets = [0, 0], sizes = [1, 256], strides = [1, 1]} : vector<8x256xf32> to vector<1x256xf32>
    %concatenate3A_174 = tpu.concatenate %slice3A_170, %slice3A_171, %slice3A_172, %slice3A_173 in 0 : vector<1x256xf32>, vector<1x256xf32>, vector<1x256xf32>, vector<1x256xf32> -> vector<4x256xf32>
    %dot_general3A_175 = arith.constant dense<0.000000e+00> : vector<16x256xf32>
    %dot_general3A_176 = tpu.matmul %convert_element_type3A_166, %concatenate3A_174, %dot_general3A_175 {dimension_numbers = #tpu.dot_dimension_numbers<[1], [0], [0], [1], [0, 0, 1, 1], [], []>, transpose_lhs_hint = false} : vector<16x4xf32>, vector<4x256xf32>, vector<16x256xf32> -> vector<16x256xf32>
    %slice3A_177 = vector.extract_strided_slice %add3A_145 {offsets = [0, 0], sizes = [50, 256], strides = [1, 1]} : vector<500x256xf32> to vector<50x256xf32>
    %broadcast_in_dim3A_178 = vector.shape_cast %slice3A_177 : vector<50x256xf32> to vector<50x1x256xf32>
    %broadcast_in_dim3A_179 = vector.shape_cast %dot_general3A_176 : vector<16x256xf32> to vector<1x16x256xf32>
    %add3A_180 = vector.broadcast %broadcast_in_dim3A_178 : vector<50x1x256xf32> to vector<50x16x256xf32>
    %add3A_181 = vector.broadcast %broadcast_in_dim3A_179 : vector<1x16x256xf32> to vector<50x16x256xf32>
    %add3A_182 = arith.addf %add3A_180, %add3A_181 : vector<50x16x256xf32>
    %mul3A_183 = arith.mulf %add3A_182, %add3A_182 : vector<50x16x256xf32>
    %reduce_sum3A = arith.constant dense<0.000000e+00> : vector<50x16xf32>
    %reduce_sum3A_184 = vector.multi_reduction <add>, %mul3A_183, %reduce_sum3A [2] : vector<50x16x256xf32> to vector<50x16xf32>
    %broadcast_in_dim3A_185 = vector.shape_cast %reduce_sum3A_184 : vector<50x16xf32> to vector<50x16x1xf32>
    %div3A_186 = arith.constant 2.560000e+02 : f32
    %div3A_187 = vector.broadcast %div3A_186 : f32 to vector<50x16x1xf32>
    %div3A_188 = arith.divf %broadcast_in_dim3A_185, %div3A_187 : vector<50x16x1xf32>
    %add3A_189 = arith.constant 9.99999997E-7 : f32
    %add3A_190 = vector.broadcast %add3A_189 : f32 to vector<50x16x1xf32>
    %add3A_191 = arith.addf %div3A_188, %add3A_190 : vector<50x16x1xf32>
    %rsqrt3A = math.rsqrt %add3A_191 : vector<50x16x1xf32>
    %mul3A_192 = vector.broadcast %rsqrt3A : vector<50x16x1xf32> to vector<50x16x256xf32>
    %mul3A_193 = arith.mulf %add3A_182, %mul3A_192 : vector<50x16x256xf32>
    %broadcast_in_dim3A_194 = vector.shape_cast %get3A_169 : vector<1x256xf32> to vector<1x1x256xf32>
    %mul3A_195 = vector.broadcast %broadcast_in_dim3A_194 : vector<1x1x256xf32> to vector<50x16x256xf32>
    %mul3A_196 = arith.mulf %mul3A_193, %mul3A_195 : vector<50x16x256xf32>
    %reshape3A_197 = vector.shape_cast %mul3A_196 : vector<50x16x256xf32> to vector<800x256xf32>
    %swap3A_198 = arith.constant 0 : index
    %swap3A_199 = arith.constant 0 : index
    %swap3A_200 = vector.load %arg12[%swap3A_198, %swap3A_199] : memref<9600x256xf32, #tpu.memory_space<vmem>>, vector<800x256xf32>
    tpu.vector_store %arg12[%swap3A_198, %swap3A_199], %reshape3A_197 {strides = array<i32>} : memref<9600x256xf32, #tpu.memory_space<vmem>>, vector<800x256xf32>,
    %slice3A_201 = vector.extract_strided_slice %dot_general3A_151 {offsets = [1, 0], sizes = [1, 256], strides = [1, 1]} : vector<8x256xf32> to vector<1x256xf32>
    %slice3A_202 = vector.extract_strided_slice %dot_general3A_154 {offsets = [1, 0], sizes = [1, 256], strides = [1, 1]} : vector<8x256xf32> to vector<1x256xf32>
    %slice3A_203 = vector.extract_strided_slice %dot_general3A_157 {offsets = [1, 0], sizes = [1, 256], strides = [1, 1]} : vector<8x256xf32> to vector<1x256xf32>
    %slice3A_204 = vector.extract_strided_slice %dot_general3A_160 {offsets = [1, 0], sizes = [1, 256], strides = [1, 1]} : vector<8x256xf32> to vector<1x256xf32>
    %concatenate3A_205 = tpu.concatenate %slice3A_201, %slice3A_202, %slice3A_203, %slice3A_204 in 0 : vector<1x256xf32>, vector<1x256xf32>, vector<1x256xf32>, vector<1x256xf32> -> vector<4x256xf32>
    %dot_general3A_206 = arith.constant dense<0.000000e+00> : vector<16x256xf32>
    %dot_general3A_207 = tpu.matmul %convert_element_type3A_166, %concatenate3A_205, %dot_general3A_206 {dimension_numbers = #tpu.dot_dimension_numbers<[1], [0], [0], [1], [0, 0, 1, 1], [], []>, transpose_lhs_hint = false} : vector<16x4xf32>, vector<4x256xf32>, vector<16x256xf32> -> vector<16x256xf32>
    %slice3A_208 = vector.extract_strided_slice %add3A_145 {offsets = [50, 0], sizes = [50, 256], strides = [1, 1]} : vector<500x256xf32> to vector<50x256xf32>
    %broadcast_in_dim3A_209 = vector.shape_cast %slice3A_208 : vector<50x256xf32> to vector<50x1x256xf32>
    %broadcast_in_dim3A_210 = vector.shape_cast %dot_general3A_207 : vector<16x256xf32> to vector<1x16x256xf32>
    %add3A_211 = vector.broadcast %broadcast_in_dim3A_209 : vector<50x1x256xf32> to vector<50x16x256xf32>
    %add3A_212 = vector.broadcast %broadcast_in_dim3A_210 : vector<1x16x256xf32> to vector<50x16x256xf32>
    %add3A_213 = arith.addf %add3A_211, %add3A_212 : vector<50x16x256xf32>
    %mul3A_214 = arith.mulf %add3A_213, %add3A_213 : vector<50x16x256xf32>
    %reduce_sum3A_215 = arith.constant dense<0.000000e+00> : vector<50x16xf32>
    %reduce_sum3A_216 = vector.multi_reduction <add>, %mul3A_214, %reduce_sum3A_215 [2] : vector<50x16x256xf32> to vector<50x16xf32>
    %broadcast_in_dim3A_217 = vector.shape_cast %reduce_sum3A_216 : vector<50x16xf32> to vector<50x16x1xf32>
    %div3A_218 = arith.constant 2.560000e+02 : f32
    %div3A_219 = vector.broadcast %div3A_218 : f32 to vector<50x16x1xf32>
    %div3A_220 = arith.divf %broadcast_in_dim3A_217, %div3A_219 : vector<50x16x1xf32>
    %add3A_221 = arith.constant 9.99999997E-7 : f32
    %add3A_222 = vector.broadcast %add3A_221 : f32 to vector<50x16x1xf32>
    %add3A_223 = arith.addf %div3A_220, %add3A_222 : vector<50x16x1xf32>
    %rsqrt3A_224 = math.rsqrt %add3A_223 : vector<50x16x1xf32>
    %mul3A_225 = vector.broadcast %rsqrt3A_224 : vector<50x16x1xf32> to vector<50x16x256xf32>
    %mul3A_226 = arith.mulf %add3A_213, %mul3A_225 : vector<50x16x256xf32>
    %broadcast_in_dim3A_227 = vector.shape_cast %get3A_169 : vector<1x256xf32> to vector<1x1x256xf32>
    %mul3A_228 = vector.broadcast %broadcast_in_dim3A_227 : vector<1x1x256xf32> to vector<50x16x256xf32>
    %mul3A_229 = arith.mulf %mul3A_226, %mul3A_228 : vector<50x16x256xf32>
    %reshape3A_230 = vector.shape_cast %mul3A_229 : vector<50x16x256xf32> to vector<800x256xf32>
    %swap3A_231 = arith.constant 800 : index
    %swap3A_232 = arith.constant 0 : index
    %swap3A_233 = vector.load %arg12[%swap3A_231, %swap3A_232] : memref<9600x256xf32, #tpu.memory_space<vmem>>, vector<800x256xf32>
    tpu.vector_store %arg12[%swap3A_231, %swap3A_232], %reshape3A_230 {strides = array<i32>} : memref<9600x256xf32, #tpu.memory_space<vmem>>, vector<800x256xf32>,
    %slice3A_234 = vector.extract_strided_slice %dot_general3A_151 {offsets = [2, 0], sizes = [1, 256], strides = [1, 1]} : vector<8x256xf32> to vector<1x256xf32>
    %slice3A_235 = vector.extract_strided_slice %dot_general3A_154 {offsets = [2, 0], sizes = [1, 256], strides = [1, 1]} : vector<8x256xf32> to vector<1x256xf32>
    %slice3A_236 = vector.extract_strided_slice %dot_general3A_157 {offsets = [2, 0], sizes = [1, 256], strides = [1, 1]} : vector<8x256xf32> to vector<1x256xf32>
    %slice3A_237 = vector.extract_strided_slice %dot_general3A_160 {offsets = [2, 0], sizes = [1, 256], strides = [1, 1]} : vector<8x256xf32> to vector<1x256xf32>
    %concatenate3A_238 = tpu.concatenate %slice3A_234, %slice3A_235, %slice3A_236, %slice3A_237 in 0 : vector<1x256xf32>, vector<1x256xf32>, vector<1x256xf32>, vector<1x256xf32> -> vector<4x256xf32>
    %dot_general3A_239 = arith.constant dense<0.000000e+00> : vector<16x256xf32>
    %dot_general3A_240 = tpu.matmul %convert_element_type3A_166, %concatenate3A_238, %dot_general3A_239 {dimension_numbers = #tpu.dot_dimension_numbers<[1], [0], [0], [1], [0, 0, 1, 1], [], []>, transpose_lhs_hint = false} : vector<16x4xf32>, vector<4x256xf32>, vector<16x256xf32> -> vector<16x256xf32>
    %slice3A_241 = vector.extract_strided_slice %add3A_145 {offsets = [100, 0], sizes = [50, 256], strides = [1, 1]} : vector<500x256xf32> to vector<50x256xf32>
    %broadcast_in_dim3A_242 = vector.shape_cast %slice3A_241 : vector<50x256xf32> to vector<50x1x256xf32>
    %broadcast_in_dim3A_243 = vector.shape_cast %dot_general3A_240 : vector<16x256xf32> to vector<1x16x256xf32>
    %add3A_244 = vector.broadcast %broadcast_in_dim3A_242 : vector<50x1x256xf32> to vector<50x16x256xf32>
    %add3A_245 = vector.broadcast %broadcast_in_dim3A_243 : vector<1x16x256xf32> to vector<50x16x256xf32>
    %add3A_246 = arith.addf %add3A_244, %add3A_245 : vector<50x16x256xf32>
    %mul3A_247 = arith.mulf %add3A_246, %add3A_246 : vector<50x16x256xf32>
    %reduce_sum3A_248 = arith.constant dense<0.000000e+00> : vector<50x16xf32>
    %reduce_sum3A_249 = vector.multi_reduction <add>, %mul3A_247, %reduce_sum3A_248 [2] : vector<50x16x256xf32> to vector<50x16xf32>
    %broadcast_in_dim3A_250 = vector.shape_cast %reduce_sum3A_249 : vector<50x16xf32> to vector<50x16x1xf32>
    %div3A_251 = arith.constant 2.560000e+02 : f32
    %div3A_252 = vector.broadcast %div3A_251 : f32 to vector<50x16x1xf32>
    %div3A_253 = arith.divf %broadcast_in_dim3A_250, %div3A_252 : vector<50x16x1xf32>
    %add3A_254 = arith.constant 9.99999997E-7 : f32
    %add3A_255 = vector.broadcast %add3A_254 : f32 to vector<50x16x1xf32>
    %add3A_256 = arith.addf %div3A_253, %add3A_255 : vector<50x16x1xf32>
    %rsqrt3A_257 = math.rsqrt %add3A_256 : vector<50x16x1xf32>
    %mul3A_258 = vector.broadcast %rsqrt3A_257 : vector<50x16x1xf32> to vector<50x16x256xf32>
    %mul3A_259 = arith.mulf %add3A_246, %mul3A_258 : vector<50x16x256xf32>
    %broadcast_in_dim3A_260 = vector.shape_cast %get3A_169 : vector<1x256xf32> to vector<1x1x256xf32>
    %mul3A_261 = vector.broadcast %broadcast_in_dim3A_260 : vector<1x1x256xf32> to vector<50x16x256xf32>
    %mul3A_262 = arith.mulf %mul3A_259, %mul3A_261 : vector<50x16x256xf32>
    %reshape3A_263 = vector.shape_cast %mul3A_262 : vector<50x16x256xf32> to vector<800x256xf32>
    %swap3A_264 = arith.constant 1600 : index
    %swap3A_265 = arith.constant 0 : index
    %swap3A_266 = vector.load %arg12[%swap3A_264, %swap3A_265] : memref<9600x256xf32, #tpu.memory_space<vmem>>, vector<800x256xf32>
    tpu.vector_store %arg12[%swap3A_264, %swap3A_265], %reshape3A_263 {strides = array<i32>} : memref<9600x256xf32, #tpu.memory_space<vmem>>, vector<800x256xf32>,
    %slice3A_267 = vector.extract_strided_slice %dot_general3A_151 {offsets = [3, 0], sizes = [1, 256], strides = [1, 1]} : vector<8x256xf32> to vector<1x256xf32>
    %slice3A_268 = vector.extract_strided_slice %dot_general3A_154 {offsets = [3, 0], sizes = [1, 256], strides = [1, 1]} : vector<8x256xf32> to vector<1x256xf32>
    %slice3A_269 = vector.extract_strided_slice %dot_general3A_157 {offsets = [3, 0], sizes = [1, 256], strides = [1, 1]} : vector<8x256xf32> to vector<1x256xf32>
    %slice3A_270 = vector.extract_strided_slice %dot_general3A_160 {offsets = [3, 0], sizes = [1, 256], strides = [1, 1]} : vector<8x256xf32> to vector<1x256xf32>
    %concatenate3A_271 = tpu.concatenate %slice3A_267, %slice3A_268, %slice3A_269, %slice3A_270 in 0 : vector<1x256xf32>, vector<1x256xf32>, vector<1x256xf32>, vector<1x256xf32> -> vector<4x256xf32>
    %dot_general3A_272 = arith.constant dense<0.000000e+00> : vector<16x256xf32>
    %dot_general3A_273 = tpu.matmul %convert_element_type3A_166, %concatenate3A_271, %dot_general3A_272 {dimension_numbers = #tpu.dot_dimension_numbers<[1], [0], [0], [1], [0, 0, 1, 1], [], []>, transpose_lhs_hint = false} : vector<16x4xf32>, vector<4x256xf32>, vector<16x256xf32> -> vector<16x256xf32>
    %slice3A_274 = vector.extract_strided_slice %add3A_145 {offsets = [150, 0], sizes = [50, 256], strides = [1, 1]} : vector<500x256xf32> to vector<50x256xf32>
    %broadcast_in_dim3A_275 = vector.shape_cast %slice3A_274 : vector<50x256xf32> to vector<50x1x256xf32>
    %broadcast_in_dim3A_276 = vector.shape_cast %dot_general3A_273 : vector<16x256xf32> to vector<1x16x256xf32>
    %add3A_277 = vector.broadcast %broadcast_in_dim3A_275 : vector<50x1x256xf32> to vector<50x16x256xf32>
    %add3A_278 = vector.broadcast %broadcast_in_dim3A_276 : vector<1x16x256xf32> to vector<50x16x256xf32>
    %add3A_279 = arith.addf %add3A_277, %add3A_278 : vector<50x16x256xf32>
    %mul3A_280 = arith.mulf %add3A_279, %add3A_279 : vector<50x16x256xf32>
    %reduce_sum3A_281 = arith.constant dense<0.000000e+00> : vector<50x16xf32>
    %reduce_sum3A_282 = vector.multi_reduction <add>, %mul3A_280, %reduce_sum3A_281 [2] : vector<50x16x256xf32> to vector<50x16xf32>
    %broadcast_in_dim3A_283 = vector.shape_cast %reduce_sum3A_282 : vector<50x16xf32> to vector<50x16x1xf32>
    %div3A_284 = arith.constant 2.560000e+02 : f32
    %div3A_285 = vector.broadcast %div3A_284 : f32 to vector<50x16x1xf32>
    %div3A_286 = arith.divf %broadcast_in_dim3A_283, %div3A_285 : vector<50x16x1xf32>
    %add3A_287 = arith.constant 9.99999997E-7 : f32
    %add3A_288 = vector.broadcast %add3A_287 : f32 to vector<50x16x1xf32>
    %add3A_289 = arith.addf %div3A_286, %add3A_288 : vector<50x16x1xf32>
    %rsqrt3A_290 = math.rsqrt %add3A_289 : vector<50x16x1xf32>
    %mul3A_291 = vector.broadcast %rsqrt3A_290 : vector<50x16x1xf32> to vector<50x16x256xf32>
    %mul3A_292 = arith.mulf %add3A_279, %mul3A_291 : vector<50x16x256xf32>
    %broadcast_in_dim3A_293 = vector.shape_cast %get3A_169 : vector<1x256xf32> to vector<1x1x256xf32>
    %mul3A_294 = vector.broadcast %broadcast_in_dim3A_293 : vector<1x1x256xf32> to vector<50x16x256xf32>
    %mul3A_295 = arith.mulf %mul3A_292, %mul3A_294 : vector<50x16x256xf32>
    %reshape3A_296 = vector.shape_cast %mul3A_295 : vector<50x16x256xf32> to vector<800x256xf32>
    %swap3A_297 = arith.constant 2400 : index
    %swap3A_298 = arith.constant 0 : index
    %swap3A_299 = vector.load %arg12[%swap3A_297, %swap3A_298] : memref<9600x256xf32, #tpu.memory_space<vmem>>, vector<800x256xf32>
    tpu.vector_store %arg12[%swap3A_297, %swap3A_298], %reshape3A_296 {strides = array<i32>} : memref<9600x256xf32, #tpu.memory_space<vmem>>, vector<800x256xf32>,
    %slice3A_300 = vector.extract_strided_slice %dot_general3A_151 {offsets = [4, 0], sizes = [1, 256], strides = [1, 1]} : vector<8x256xf32> to vector<1x256xf32>
    %slice3A_301 = vector.extract_strided_slice %dot_general3A_154 {offsets = [4, 0], sizes = [1, 256], strides = [1, 1]} : vector<8x256xf32> to vector<1x256xf32>
    %slice3A_302 = vector.extract_strided_slice %dot_general3A_157 {offsets = [4, 0], sizes = [1, 256], strides = [1, 1]} : vector<8x256xf32> to vector<1x256xf32>
    %slice3A_303 = vector.extract_strided_slice %dot_general3A_160 {offsets = [4, 0], sizes = [1, 256], strides = [1, 1]} : vector<8x256xf32> to vector<1x256xf32>
    %concatenate3A_304 = tpu.concatenate %slice3A_300, %slice3A_301, %slice3A_302, %slice3A_303 in 0 : vector<1x256xf32>, vector<1x256xf32>, vector<1x256xf32>, vector<1x256xf32> -> vector<4x256xf32>
    %dot_general3A_305 = arith.constant dense<0.000000e+00> : vector<16x256xf32>
    %dot_general3A_306 = tpu.matmul %convert_element_type3A_166, %concatenate3A_304, %dot_general3A_305 {dimension_numbers = #tpu.dot_dimension_numbers<[1], [0], [0], [1], [0, 0, 1, 1], [], []>, transpose_lhs_hint = false} : vector<16x4xf32>, vector<4x256xf32>, vector<16x256xf32> -> vector<16x256xf32>
    %slice3A_307 = vector.extract_strided_slice %add3A_145 {offsets = [200, 0], sizes = [50, 256], strides = [1, 1]} : vector<500x256xf32> to vector<50x256xf32>
    %broadcast_in_dim3A_308 = vector.shape_cast %slice3A_307 : vector<50x256xf32> to vector<50x1x256xf32>
    %broadcast_in_dim3A_309 = vector.shape_cast %dot_general3A_306 : vector<16x256xf32> to vector<1x16x256xf32>
    %add3A_310 = vector.broadcast %broadcast_in_dim3A_308 : vector<50x1x256xf32> to vector<50x16x256xf32>
    %add3A_311 = vector.broadcast %broadcast_in_dim3A_309 : vector<1x16x256xf32> to vector<50x16x256xf32>
    %add3A_312 = arith.addf %add3A_310, %add3A_311 : vector<50x16x256xf32>
    %mul3A_313 = arith.mulf %add3A_312, %add3A_312 : vector<50x16x256xf32>
    %reduce_sum3A_314 = arith.constant dense<0.000000e+00> : vector<50x16xf32>
    %reduce_sum3A_315 = vector.multi_reduction <add>, %mul3A_313, %reduce_sum3A_314 [2] : vector<50x16x256xf32> to vector<50x16xf32>
    %broadcast_in_dim3A_316 = vector.shape_cast %reduce_sum3A_315 : vector<50x16xf32> to vector<50x16x1xf32>
    %div3A_317 = arith.constant 2.560000e+02 : f32
    %div3A_318 = vector.broadcast %div3A_317 : f32 to vector<50x16x1xf32>
    %div3A_319 = arith.divf %broadcast_in_dim3A_316, %div3A_318 : vector<50x16x1xf32>
    %add3A_320 = arith.constant 9.99999997E-7 : f32
    %add3A_321 = vector.broadcast %add3A_320 : f32 to vector<50x16x1xf32>
    %add3A_322 = arith.addf %div3A_319, %add3A_321 : vector<50x16x1xf32>
    %rsqrt3A_323 = math.rsqrt %add3A_322 : vector<50x16x1xf32>
    %mul3A_324 = vector.broadcast %rsqrt3A_323 : vector<50x16x1xf32> to vector<50x16x256xf32>
    %mul3A_325 = arith.mulf %add3A_312, %mul3A_324 : vector<50x16x256xf32>
    %broadcast_in_dim3A_326 = vector.shape_cast %get3A_169 : vector<1x256xf32> to vector<1x1x256xf32>
    %mul3A_327 = vector.broadcast %broadcast_in_dim3A_326 : vector<1x1x256xf32> to vector<50x16x256xf32>
    %mul3A_328 = arith.mulf %mul3A_325, %mul3A_327 : vector<50x16x256xf32>
    %reshape3A_329 = vector.shape_cast %mul3A_328 : vector<50x16x256xf32> to vector<800x256xf32>
    %swap3A_330 = arith.constant 3200 : index
    %swap3A_331 = arith.constant 0 : index
    %swap3A_332 = vector.load %arg12[%swap3A_330, %swap3A_331] : memref<9600x256xf32, #tpu.memory_space<vmem>>, vector<800x256xf32>
    tpu.vector_store %arg12[%swap3A_330, %swap3A_331], %reshape3A_329 {strides = array<i32>} : memref<9600x256xf32, #tpu.memory_space<vmem>>, vector<800x256xf32>,
    %slice3A_333 = vector.extract_strided_slice %dot_general3A_151 {offsets = [5, 0], sizes = [1, 256], strides = [1, 1]} : vector<8x256xf32> to vector<1x256xf32>
    %slice3A_334 = vector.extract_strided_slice %dot_general3A_154 {offsets = [5, 0], sizes = [1, 256], strides = [1, 1]} : vector<8x256xf32> to vector<1x256xf32>
    %slice3A_335 = vector.extract_strided_slice %dot_general3A_157 {offsets = [5, 0], sizes = [1, 256], strides = [1, 1]} : vector<8x256xf32> to vector<1x256xf32>
    %slice3A_336 = vector.extract_strided_slice %dot_general3A_160 {offsets = [5, 0], sizes = [1, 256], strides = [1, 1]} : vector<8x256xf32> to vector<1x256xf32>
    %concatenate3A_337 = tpu.concatenate %slice3A_333, %slice3A_334, %slice3A_335, %slice3A_336 in 0 : vector<1x256xf32>, vector<1x256xf32>, vector<1x256xf32>, vector<1x256xf32> -> vector<4x256xf32>
    %dot_general3A_338 = arith.constant dense<0.000000e+00> : vector<16x256xf32>
    %dot_general3A_339 = tpu.matmul %convert_element_type3A_166, %concatenate3A_337, %dot_general3A_338 {dimension_numbers = #tpu.dot_dimension_numbers<[1], [0], [0], [1], [0, 0, 1, 1], [], []>, transpose_lhs_hint = false} : vector<16x4xf32>, vector<4x256xf32>, vector<16x256xf32> -> vector<16x256xf32>
    %slice3A_340 = vector.extract_strided_slice %add3A_145 {offsets = [250, 0], sizes = [50, 256], strides = [1, 1]} : vector<500x256xf32> to vector<50x256xf32>
    %broadcast_in_dim3A_341 = vector.shape_cast %slice3A_340 : vector<50x256xf32> to vector<50x1x256xf32>
    %broadcast_in_dim3A_342 = vector.shape_cast %dot_general3A_339 : vector<16x256xf32> to vector<1x16x256xf32>
    %add3A_343 = vector.broadcast %broadcast_in_dim3A_341 : vector<50x1x256xf32> to vector<50x16x256xf32>
    %add3A_344 = vector.broadcast %broadcast_in_dim3A_342 : vector<1x16x256xf32> to vector<50x16x256xf32>
    %add3A_345 = arith.addf %add3A_343, %add3A_344 : vector<50x16x256xf32>
    %mul3A_346 = arith.mulf %add3A_345, %add3A_345 : vector<50x16x256xf32>
    %reduce_sum3A_347 = arith.constant dense<0.000000e+00> : vector<50x16xf32>
    %reduce_sum3A_348 = vector.multi_reduction <add>, %mul3A_346, %reduce_sum3A_347 [2] : vector<50x16x256xf32> to vector<50x16xf32>
    %broadcast_in_dim3A_349 = vector.shape_cast %reduce_sum3A_348 : vector<50x16xf32> to vector<50x16x1xf32>
    %div3A_350 = arith.constant 2.560000e+02 : f32
    %div3A_351 = vector.broadcast %div3A_350 : f32 to vector<50x16x1xf32>
    %div3A_352 = arith.divf %broadcast_in_dim3A_349, %div3A_351 : vector<50x16x1xf32>
    %add3A_353 = arith.constant 9.99999997E-7 : f32
    %add3A_354 = vector.broadcast %add3A_353 : f32 to vector<50x16x1xf32>
    %add3A_355 = arith.addf %div3A_352, %add3A_354 : vector<50x16x1xf32>
    %rsqrt3A_356 = math.rsqrt %add3A_355 : vector<50x16x1xf32>
    %mul3A_357 = vector.broadcast %rsqrt3A_356 : vector<50x16x1xf32> to vector<50x16x256xf32>
    %mul3A_358 = arith.mulf %add3A_345, %mul3A_357 : vector<50x16x256xf32>
    %broadcast_in_dim3A_359 = vector.shape_cast %get3A_169 : vector<1x256xf32> to vector<1x1x256xf32>
    %mul3A_360 = vector.broadcast %broadcast_in_dim3A_359 : vector<1x1x256xf32> to vector<50x16x256xf32>
    %mul3A_361 = arith.mulf %mul3A_358, %mul3A_360 : vector<50x16x256xf32>
    %reshape3A_362 = vector.shape_cast %mul3A_361 : vector<50x16x256xf32> to vector<800x256xf32>
    %swap3A_363 = arith.constant 4000 : index
    %swap3A_364 = arith.constant 0 : index
    %swap3A_365 = vector.load %arg12[%swap3A_363, %swap3A_364] : memref<9600x256xf32, #tpu.memory_space<vmem>>, vector<800x256xf32>
    tpu.vector_store %arg12[%swap3A_363, %swap3A_364], %reshape3A_362 {strides = array<i32>} : memref<9600x256xf32, #tpu.memory_space<vmem>>, vector<800x256xf32>,
    %broadcast_in_dim3A_366 = arith.constant 0.000000e+00 : f32
    %broadcast_in_dim3A_367 = vector.broadcast %broadcast_in_dim3A_366 : f32 to vector<16x256xf32>
    %slice3A_368 = vector.extract_strided_slice %add3A_145 {offsets = [300, 0], sizes = [50, 256], strides = [1, 1]} : vector<500x256xf32> to vector<50x256xf32>
    %broadcast_in_dim3A_369 = vector.shape_cast %slice3A_368 : vector<50x256xf32> to vector<50x1x256xf32>
    %broadcast_in_dim3A_370 = vector.shape_cast %broadcast_in_dim3A_367 : vector<16x256xf32> to vector<1x16x256xf32>
    %add3A_371 = vector.broadcast %broadcast_in_dim3A_369 : vector<50x1x256xf32> to vector<50x16x256xf32>
    %add3A_372 = vector.broadcast %broadcast_in_dim3A_370 : vector<1x16x256xf32> to vector<50x16x256xf32>
    %add3A_373 = arith.addf %add3A_371, %add3A_372 : vector<50x16x256xf32>
    %mul3A_374 = arith.mulf %add3A_373, %add3A_373 : vector<50x16x256xf32>
    %reduce_sum3A_375 = arith.constant dense<0.000000e+00> : vector<50x16xf32>
    %reduce_sum3A_376 = vector.multi_reduction <add>, %mul3A_374, %reduce_sum3A_375 [2] : vector<50x16x256xf32> to vector<50x16xf32>
    %broadcast_in_dim3A_377 = vector.shape_cast %reduce_sum3A_376 : vector<50x16xf32> to vector<50x16x1xf32>
    %div3A_378 = arith.constant 2.560000e+02 : f32
    %div3A_379 = vector.broadcast %div3A_378 : f32 to vector<50x16x1xf32>
    %div3A_380 = arith.divf %broadcast_in_dim3A_377, %div3A_379 : vector<50x16x1xf32>
    %add3A_381 = arith.constant 9.99999997E-7 : f32
    %add3A_382 = vector.broadcast %add3A_381 : f32 to vector<50x16x1xf32>
    %add3A_383 = arith.addf %div3A_380, %add3A_382 : vector<50x16x1xf32>
    %rsqrt3A_384 = math.rsqrt %add3A_383 : vector<50x16x1xf32>
    %mul3A_385 = vector.broadcast %rsqrt3A_384 : vector<50x16x1xf32> to vector<50x16x256xf32>
    %mul3A_386 = arith.mulf %add3A_373, %mul3A_385 : vector<50x16x256xf32>
    %broadcast_in_dim3A_387 = vector.shape_cast %get3A_169 : vector<1x256xf32> to vector<1x1x256xf32>
    %mul3A_388 = vector.broadcast %broadcast_in_dim3A_387 : vector<1x1x256xf32> to vector<50x16x256xf32>
    %mul3A_389 = arith.mulf %mul3A_386, %mul3A_388 : vector<50x16x256xf32>
    %reshape3A_390 = vector.shape_cast %mul3A_389 : vector<50x16x256xf32> to vector<800x256xf32>
    %swap3A_391 = arith.constant 4800 : index
    %swap3A_392 = arith.constant 0 : index
    %swap3A_393 = vector.load %arg12[%swap3A_391, %swap3A_392] : memref<9600x256xf32, #tpu.memory_space<vmem>>, vector<800x256xf32>
    tpu.vector_store %arg12[%swap3A_391, %swap3A_392], %reshape3A_390 {strides = array<i32>} : memref<9600x256xf32, #tpu.memory_space<vmem>>, vector<800x256xf32>,
    %broadcast_in_dim3A_394 = arith.constant 0.000000e+00 : f32
    %broadcast_in_dim3A_395 = vector.broadcast %broadcast_in_dim3A_394 : f32 to vector<16x256xf32>
    %slice3A_396 = vector.extract_strided_slice %add3A_145 {offsets = [350, 0], sizes = [50, 256], strides = [1, 1]} : vector<500x256xf32> to vector<50x256xf32>
    %broadcast_in_dim3A_397 = vector.shape_cast %slice3A_396 : vector<50x256xf32> to vector<50x1x256xf32>
    %broadcast_in_dim3A_398 = vector.shape_cast %broadcast_in_dim3A_395 : vector<16x256xf32> to vector<1x16x256xf32>
    %add3A_399 = vector.broadcast %broadcast_in_dim3A_397 : vector<50x1x256xf32> to vector<50x16x256xf32>
    %add3A_400 = vector.broadcast %broadcast_in_dim3A_398 : vector<1x16x256xf32> to vector<50x16x256xf32>
    %add3A_401 = arith.addf %add3A_399, %add3A_400 : vector<50x16x256xf32>
    %mul3A_402 = arith.mulf %add3A_401, %add3A_401 : vector<50x16x256xf32>
    %reduce_sum3A_403 = arith.constant dense<0.000000e+00> : vector<50x16xf32>
    %reduce_sum3A_404 = vector.multi_reduction <add>, %mul3A_402, %reduce_sum3A_403 [2] : vector<50x16x256xf32> to vector<50x16xf32>
    %broadcast_in_dim3A_405 = vector.shape_cast %reduce_sum3A_404 : vector<50x16xf32> to vector<50x16x1xf32>
    %div3A_406 = arith.constant 2.560000e+02 : f32
    %div3A_407 = vector.broadcast %div3A_406 : f32 to vector<50x16x1xf32>
    %div3A_408 = arith.divf %broadcast_in_dim3A_405, %div3A_407 : vector<50x16x1xf32>
    %add3A_409 = arith.constant 9.99999997E-7 : f32
    %add3A_410 = vector.broadcast %add3A_409 : f32 to vector<50x16x1xf32>
    %add3A_411 = arith.addf %div3A_408, %add3A_410 : vector<50x16x1xf32>
    %rsqrt3A_412 = math.rsqrt %add3A_411 : vector<50x16x1xf32>
    %mul3A_413 = vector.broadcast %rsqrt3A_412 : vector<50x16x1xf32> to vector<50x16x256xf32>
    %mul3A_414 = arith.mulf %add3A_401, %mul3A_413 : vector<50x16x256xf32>
    %broadcast_in_dim3A_415 = vector.shape_cast %get3A_169 : vector<1x256xf32> to vector<1x1x256xf32>
    %mul3A_416 = vector.broadcast %broadcast_in_dim3A_415 : vector<1x1x256xf32> to vector<50x16x256xf32>
    %mul3A_417 = arith.mulf %mul3A_414, %mul3A_416 : vector<50x16x256xf32>
    %reshape3A_418 = vector.shape_cast %mul3A_417 : vector<50x16x256xf32> to vector<800x256xf32>
    %swap3A_419 = arith.constant 5600 : index
    %swap3A_420 = arith.constant 0 : index
    %swap3A_421 = vector.load %arg12[%swap3A_419, %swap3A_420] : memref<9600x256xf32, #tpu.memory_space<vmem>>, vector<800x256xf32>
    tpu.vector_store %arg12[%swap3A_419, %swap3A_420], %reshape3A_418 {strides = array<i32>} : memref<9600x256xf32, #tpu.memory_space<vmem>>, vector<800x256xf32>,
    %slice3A_422 = vector.extract_strided_slice %dot_general3A_151 {offsets = [6, 0], sizes = [1, 256], strides = [1, 1]} : vector<8x256xf32> to vector<1x256xf32>
    %slice3A_423 = vector.extract_strided_slice %dot_general3A_154 {offsets = [6, 0], sizes = [1, 256], strides = [1, 1]} : vector<8x256xf32> to vector<1x256xf32>
    %slice3A_424 = vector.extract_strided_slice %dot_general3A_157 {offsets = [6, 0], sizes = [1, 256], strides = [1, 1]} : vector<8x256xf32> to vector<1x256xf32>
    %slice3A_425 = vector.extract_strided_slice %dot_general3A_160 {offsets = [6, 0], sizes = [1, 256], strides = [1, 1]} : vector<8x256xf32> to vector<1x256xf32>
    %concatenate3A_426 = tpu.concatenate %slice3A_422, %slice3A_423, %slice3A_424, %slice3A_425 in 0 : vector<1x256xf32>, vector<1x256xf32>, vector<1x256xf32>, vector<1x256xf32> -> vector<4x256xf32>
    %dot_general3A_427 = arith.constant dense<0.000000e+00> : vector<16x256xf32>
    %dot_general3A_428 = tpu.matmul %convert_element_type3A_166, %concatenate3A_426, %dot_general3A_427 {dimension_numbers = #tpu.dot_dimension_numbers<[1], [0], [0], [1], [0, 0, 1, 1], [], []>, transpose_lhs_hint = false} : vector<16x4xf32>, vector<4x256xf32>, vector<16x256xf32> -> vector<16x256xf32>
    %slice3A_429 = vector.extract_strided_slice %add3A_145 {offsets = [400, 0], sizes = [50, 256], strides = [1, 1]} : vector<500x256xf32> to vector<50x256xf32>
    %broadcast_in_dim3A_430 = vector.shape_cast %slice3A_429 : vector<50x256xf32> to vector<50x1x256xf32>
    %broadcast_in_dim3A_431 = vector.shape_cast %dot_general3A_428 : vector<16x256xf32> to vector<1x16x256xf32>
    %add3A_432 = vector.broadcast %broadcast_in_dim3A_430 : vector<50x1x256xf32> to vector<50x16x256xf32>
    %add3A_433 = vector.broadcast %broadcast_in_dim3A_431 : vector<1x16x256xf32> to vector<50x16x256xf32>
    %add3A_434 = arith.addf %add3A_432, %add3A_433 : vector<50x16x256xf32>
    %mul3A_435 = arith.mulf %add3A_434, %add3A_434 : vector<50x16x256xf32>
    %reduce_sum3A_436 = arith.constant dense<0.000000e+00> : vector<50x16xf32>
    %reduce_sum3A_437 = vector.multi_reduction <add>, %mul3A_435, %reduce_sum3A_436 [2] : vector<50x16x256xf32> to vector<50x16xf32>
    %broadcast_in_dim3A_438 = vector.shape_cast %reduce_sum3A_437 : vector<50x16xf32> to vector<50x16x1xf32>
    %div3A_439 = arith.constant 2.560000e+02 : f32
    %div3A_440 = vector.broadcast %div3A_439 : f32 to vector<50x16x1xf32>
    %div3A_441 = arith.divf %broadcast_in_dim3A_438, %div3A_440 : vector<50x16x1xf32>
    %add3A_442 = arith.constant 9.99999997E-7 : f32
    %add3A_443 = vector.broadcast %add3A_442 : f32 to vector<50x16x1xf32>
    %add3A_444 = arith.addf %div3A_441, %add3A_443 : vector<50x16x1xf32>
    %rsqrt3A_445 = math.rsqrt %add3A_444 : vector<50x16x1xf32>
    %mul3A_446 = vector.broadcast %rsqrt3A_445 : vector<50x16x1xf32> to vector<50x16x256xf32>
    %mul3A_447 = arith.mulf %add3A_434, %mul3A_446 : vector<50x16x256xf32>
    %broadcast_in_dim3A_448 = vector.shape_cast %get3A_169 : vector<1x256xf32> to vector<1x1x256xf32>
    %mul3A_449 = vector.broadcast %broadcast_in_dim3A_448 : vector<1x1x256xf32> to vector<50x16x256xf32>
    %mul3A_450 = arith.mulf %mul3A_447, %mul3A_449 : vector<50x16x256xf32>
    %reshape3A_451 = vector.shape_cast %mul3A_450 : vector<50x16x256xf32> to vector<800x256xf32>
    %swap3A_452 = arith.constant 6400 : index
    %swap3A_453 = arith.constant 0 : index
    %swap3A_454 = vector.load %arg12[%swap3A_452, %swap3A_453] : memref<9600x256xf32, #tpu.memory_space<vmem>>, vector<800x256xf32>
    tpu.vector_store %arg12[%swap3A_452, %swap3A_453], %reshape3A_451 {strides = array<i32>} : memref<9600x256xf32, #tpu.memory_space<vmem>>, vector<800x256xf32>,
    %slice3A_455 = vector.extract_strided_slice %dot_general3A_151 {offsets = [7, 0], sizes = [1, 256], strides = [1, 1]} : vector<8x256xf32> to vector<1x256xf32>
    %slice3A_456 = vector.extract_strided_slice %dot_general3A_154 {offsets = [7, 0], sizes = [1, 256], strides = [1, 1]} : vector<8x256xf32> to vector<1x256xf32>
    %slice3A_457 = vector.extract_strided_slice %dot_general3A_157 {offsets = [7, 0], sizes = [1, 256], strides = [1, 1]} : vector<8x256xf32> to vector<1x256xf32>
    %slice3A_458 = vector.extract_strided_slice %dot_general3A_160 {offsets = [7, 0], sizes = [1, 256], strides = [1, 1]} : vector<8x256xf32> to vector<1x256xf32>
    %concatenate3A_459 = tpu.concatenate %slice3A_455, %slice3A_456, %slice3A_457, %slice3A_458 in 0 : vector<1x256xf32>, vector<1x256xf32>, vector<1x256xf32>, vector<1x256xf32> -> vector<4x256xf32>
    %dot_general3A_460 = arith.constant dense<0.000000e+00> : vector<16x256xf32>
    %dot_general3A_461 = tpu.matmul %convert_element_type3A_166, %concatenate3A_459, %dot_general3A_460 {dimension_numbers = #tpu.dot_dimension_numbers<[1], [0], [0], [1], [0, 0, 1, 1], [], []>, transpose_lhs_hint = false} : vector<16x4xf32>, vector<4x256xf32>, vector<16x256xf32> -> vector<16x256xf32>
    %slice3A_462 = vector.extract_strided_slice %add3A_145 {offsets = [450, 0], sizes = [50, 256], strides = [1, 1]} : vector<500x256xf32> to vector<50x256xf32>
    %broadcast_in_dim3A_463 = vector.shape_cast %slice3A_462 : vector<50x256xf32> to vector<50x1x256xf32>
    %broadcast_in_dim3A_464 = vector.shape_cast %dot_general3A_461 : vector<16x256xf32> to vector<1x16x256xf32>
    %add3A_465 = vector.broadcast %broadcast_in_dim3A_463 : vector<50x1x256xf32> to vector<50x16x256xf32>
    %add3A_466 = vector.broadcast %broadcast_in_dim3A_464 : vector<1x16x256xf32> to vector<50x16x256xf32>
    %add3A_467 = arith.addf %add3A_465, %add3A_466 : vector<50x16x256xf32>
    %mul3A_468 = arith.mulf %add3A_467, %add3A_467 : vector<50x16x256xf32>
    %reduce_sum3A_469 = arith.constant dense<0.000000e+00> : vector<50x16xf32>
    %reduce_sum3A_470 = vector.multi_reduction <add>, %mul3A_468, %reduce_sum3A_469 [2] : vector<50x16x256xf32> to vector<50x16xf32>
    %broadcast_in_dim3A_471 = vector.shape_cast %reduce_sum3A_470 : vector<50x16xf32> to vector<50x16x1xf32>
    %div3A_472 = arith.constant 2.560000e+02 : f32
    %div3A_473 = vector.broadcast %div3A_472 : f32 to vector<50x16x1xf32>
    %div3A_474 = arith.divf %broadcast_in_dim3A_471, %div3A_473 : vector<50x16x1xf32>
    %add3A_475 = arith.constant 9.99999997E-7 : f32
    %add3A_476 = vector.broadcast %add3A_475 : f32 to vector<50x16x1xf32>
    %add3A_477 = arith.addf %div3A_474, %add3A_476 : vector<50x16x1xf32>
    %rsqrt3A_478 = math.rsqrt %add3A_477 : vector<50x16x1xf32>
    %mul3A_479 = vector.broadcast %rsqrt3A_478 : vector<50x16x1xf32> to vector<50x16x256xf32>
    %mul3A_480 = arith.mulf %add3A_467, %mul3A_479 : vector<50x16x256xf32>
    %broadcast_in_dim3A_481 = vector.shape_cast %get3A_169 : vector<1x256xf32> to vector<1x1x256xf32>
    %mul3A_482 = vector.broadcast %broadcast_in_dim3A_481 : vector<1x1x256xf32> to vector<50x16x256xf32>
    %mul3A_483 = arith.mulf %mul3A_480, %mul3A_482 : vector<50x16x256xf32>
    %reshape3A_484 = vector.shape_cast %mul3A_483 : vector<50x16x256xf32> to vector<800x256xf32>
    %swap3A_485 = arith.constant 7200 : index
    %swap3A_486 = arith.constant 0 : index
    %swap3A_487 = vector.load %arg12[%swap3A_485, %swap3A_486] : memref<9600x256xf32, #tpu.memory_space<vmem>>, vector<800x256xf32>
    tpu.vector_store %arg12[%swap3A_485, %swap3A_486], %reshape3A_484 {strides = array<i32>} : memref<9600x256xf32, #tpu.memory_space<vmem>>, vector<800x256xf32>,
    %broadcast_in_dim3A_488 = arith.constant 0.000000e+00 : f32
    %broadcast_in_dim3A_489 = vector.broadcast %broadcast_in_dim3A_488 : f32 to vector<1600x256xf32>
    %swap3A_490 = arith.constant 8000 : index
    %swap3A_491 = arith.constant 0 : index
    %swap3A_492 = vector.load %arg12[%swap3A_490, %swap3A_491] : memref<9600x256xf32, #tpu.memory_space<vmem>>, vector<1600x256xf32>
    tpu.vector_store %arg12[%swap3A_490, %swap3A_491], %broadcast_in_dim3A_489 {strides = array<i32>} : memref<9600x256xf32, #tpu.memory_space<vmem>>, vector<1600x256xf32>,
    %broadcast_in_dim3A_493 = arith.constant 0.000000e+00 : f32
    %broadcast_in_dim3A_494 = vector.broadcast %broadcast_in_dim3A_493 : f32 to vector<1x64xf32>
    %get3A_495 = arith.constant 0 : index
    %get3A_496 = arith.constant 0 : index
    %get3A_497 = vector.load %arg1[%get3A_495, %get3A_496] : memref<1x64xf32, #tpu.memory_space<vmem>>, vector<1x64xf32>
    %get3A_498 = arith.constant 0 : index
    %get3A_499 = arith.constant 0 : index
    %get3A_500 = vector.load %arg2[%get3A_498, %get3A_499] : memref<1x64xf32, #tpu.memory_space<vmem>>, vector<1x64xf32>
    %concatenate3A_501 = tpu.concatenate %get3A_497, %broadcast_in_dim3A_494, %broadcast_in_dim3A_494, %broadcast_in_dim3A_494 in 1 : vector<1x64xf32>, vector<1x64xf32>, vector<1x64xf32>, vector<1x64xf32> -> vector<1x256xf32>
    %concatenate3A_502 = tpu.concatenate %get3A_500, %broadcast_in_dim3A_494, %broadcast_in_dim3A_494, %broadcast_in_dim3A_494 in 1 : vector<1x64xf32>, vector<1x64xf32>, vector<1x64xf32>, vector<1x64xf32> -> vector<1x256xf32>
    %get3A_503 = arith.constant 0 : index
    %get3A_504 = arith.constant 0 : index
    %get3A_505 = vector.load %arg1[%get3A_503, %get3A_504] : memref<1x64xf32, #tpu.memory_space<vmem>>, vector<1x64xf32>
    %get3A_506 = arith.constant 0 : index
    %get3A_507 = arith.constant 0 : index
    %get3A_508 = vector.load %arg2[%get3A_506, %get3A_507] : memref<1x64xf32, #tpu.memory_space<vmem>>, vector<1x64xf32>
    %concatenate3A_509 = tpu.concatenate %broadcast_in_dim3A_494, %get3A_505, %broadcast_in_dim3A_494, %broadcast_in_dim3A_494 in 1 : vector<1x64xf32>, vector<1x64xf32>, vector<1x64xf32>, vector<1x64xf32> -> vector<1x256xf32>
    %concatenate3A_510 = tpu.concatenate %broadcast_in_dim3A_494, %get3A_508, %broadcast_in_dim3A_494, %broadcast_in_dim3A_494 in 1 : vector<1x64xf32>, vector<1x64xf32>, vector<1x64xf32>, vector<1x64xf32> -> vector<1x256xf32>
    %get3A_511 = arith.constant 0 : index
    %get3A_512 = arith.constant 0 : index
    %get3A_513 = vector.load %arg1[%get3A_511, %get3A_512] : memref<1x64xf32, #tpu.memory_space<vmem>>, vector<1x64xf32>
    %get3A_514 = arith.constant 0 : index
    %get3A_515 = arith.constant 0 : index
    %get3A_516 = vector.load %arg2[%get3A_514, %get3A_515] : memref<1x64xf32, #tpu.memory_space<vmem>>, vector<1x64xf32>
    %concatenate3A_517 = tpu.concatenate %broadcast_in_dim3A_494, %broadcast_in_dim3A_494, %get3A_513, %broadcast_in_dim3A_494 in 1 : vector<1x64xf32>, vector<1x64xf32>, vector<1x64xf32>, vector<1x64xf32> -> vector<1x256xf32>
    %concatenate3A_518 = tpu.concatenate %broadcast_in_dim3A_494, %broadcast_in_dim3A_494, %get3A_516, %broadcast_in_dim3A_494 in 1 : vector<1x64xf32>, vector<1x64xf32>, vector<1x64xf32>, vector<1x64xf32> -> vector<1x256xf32>
    %get3A_519 = arith.constant 0 : index
    %get3A_520 = arith.constant 0 : index
    %get3A_521 = vector.load %arg1[%get3A_519, %get3A_520] : memref<1x64xf32, #tpu.memory_space<vmem>>, vector<1x64xf32>
    %get3A_522 = arith.constant 0 : index
    %get3A_523 = arith.constant 0 : index
    %get3A_524 = vector.load %arg2[%get3A_522, %get3A_523] : memref<1x64xf32, #tpu.memory_space<vmem>>, vector<1x64xf32>
    %concatenate3A_525 = tpu.concatenate %broadcast_in_dim3A_494, %broadcast_in_dim3A_494, %broadcast_in_dim3A_494, %get3A_521 in 1 : vector<1x64xf32>, vector<1x64xf32>, vector<1x64xf32>, vector<1x64xf32> -> vector<1x256xf32>
    %concatenate3A_526 = tpu.concatenate %broadcast_in_dim3A_494, %broadcast_in_dim3A_494, %broadcast_in_dim3A_494, %get3A_524 in 1 : vector<1x64xf32>, vector<1x64xf32>, vector<1x64xf32>, vector<1x64xf32> -> vector<1x256xf32>
    %concatenate3A_527 = tpu.concatenate %concatenate3A_501, %concatenate3A_509, %concatenate3A_517, %concatenate3A_525 in 0 : vector<1x256xf32>, vector<1x256xf32>, vector<1x256xf32>, vector<1x256xf32> -> vector<4x256xf32>
    %swap3A_528 = arith.constant 0 : index
    %swap3A_529 = arith.constant 0 : index
    %swap3A_530 = vector.load %arg14[%swap3A_528, %swap3A_529] : memref<4x256xf32, #tpu.memory_space<vmem>>, vector<4x256xf32>
    tpu.vector_store %arg14[%swap3A_528, %swap3A_529], %concatenate3A_527 {strides = array<i32>} : memref<4x256xf32, #tpu.memory_space<vmem>>, vector<4x256xf32>,
    %concatenate3A_531 = tpu.concatenate %concatenate3A_502, %concatenate3A_510, %concatenate3A_518, %concatenate3A_526 in 0 : vector<1x256xf32>, vector<1x256xf32>, vector<1x256xf32>, vector<1x256xf32> -> vector<4x256xf32>
    %swap3A_532 = arith.constant 0 : index
    %swap3A_533 = arith.constant 0 : index
    %swap3A_534 = vector.load %arg15[%swap3A_532, %swap3A_533] : memref<4x256xf32, #tpu.memory_space<vmem>>, vector<4x256xf32>
    tpu.vector_store %arg15[%swap3A_532, %swap3A_533], %concatenate3A_531 {strides = array<i32>} : memref<4x256xf32, #tpu.memory_space<vmem>>, vector<4x256xf32>,
    %get3A_535 = arith.constant 0 : index
    %get3A_536 = arith.constant 0 : index
    %get3A_537 = vector.load %arg3[%get3A_535, %get3A_536] : memref<1x64xf32, #tpu.memory_space<vmem>>, vector<1x64xf32>
    %concatenate3A_538 = tpu.concatenate %get3A_537, %get3A_537, %get3A_537, %get3A_537 in 1 : vector<1x64xf32>, vector<1x64xf32>, vector<1x64xf32>, vector<1x64xf32> -> vector<1x256xf32>
    %get3A_539 = arith.constant 0 : index
    %get3A_540 = arith.constant 0 : index
    %get3A_541 = vector.load %arg4[%get3A_539, %get3A_540] : memref<1x64xf32, #tpu.memory_space<vmem>>, vector<1x64xf32>
    %concatenate3A_542 = tpu.concatenate %get3A_541, %get3A_541, %get3A_541, %get3A_541 in 1 : vector<1x64xf32>, vector<1x64xf32>, vector<1x64xf32>, vector<1x64xf32> -> vector<1x256xf32>
    %concatenate3A_543 = tpu.concatenate %concatenate3A_538, %concatenate3A_542 in 0 : vector<1x256xf32>, vector<1x256xf32> -> vector<2x256xf32>
    %swap3A_544 = arith.constant 0 : index
    %swap3A_545 = arith.constant 0 : index
    %swap3A_546 = vector.load %arg16[%swap3A_544, %swap3A_545] : memref<2x256xf32, #tpu.memory_space<vmem>>, vector<2x256xf32>
    tpu.vector_store %arg16[%swap3A_544, %swap3A_545], %concatenate3A_543 {strides = array<i32>} : memref<2x256xf32, #tpu.memory_space<vmem>>, vector<2x256xf32>,
    %slice3A_547 = vector.extract_strided_slice %get3A_1 {offsets = [0, 0], sizes = [64, 256], strides = [1, 1]} : vector<256x256xf32> to vector<64x256xf32>
    %get3A_548 = arith.constant 0 : index
    %get3A_549 = arith.constant 0 : index
    %get3A_550 = vector.load %arg5[%get3A_548, %get3A_549] : memref<64x64xf32, #tpu.memory_space<vmem>>, vector<64x64xf32>
    %dot_general3A_551 = arith.constant dense<0.000000e+00> : vector<64x256xf32>
    %dot_general3A_552 = tpu.matmul %get3A_550, %slice3A_547, %dot_general3A_551 {dimension_numbers = #tpu.dot_dimension_numbers<[1], [0], [0], [1], [0, 0, 1, 1], [], []>, transpose_lhs_hint = false} : vector<64x64xf32>, vector<64x256xf32>, vector<64x256xf32> -> vector<64x256xf32>
    %get3A_553 = arith.constant 0 : index
    %get3A_554 = arith.constant 0 : index
    %get3A_555 = vector.load %arg6[%get3A_553, %get3A_554] : memref<64x64xf32, #tpu.memory_space<vmem>>, vector<64x64xf32>
    %dot_general3A_556 = arith.constant dense<0.000000e+00> : vector<64x256xf32>
    %dot_general3A_557 = tpu.matmul %get3A_555, %slice3A_547, %dot_general3A_556 {dimension_numbers = #tpu.dot_dimension_numbers<[1], [0], [0], [1], [0, 0, 1, 1], [], []>, transpose_lhs_hint = false} : vector<64x64xf32>, vector<64x256xf32>, vector<64x256xf32> -> vector<64x256xf32>
    %slice3A_558 = vector.extract_strided_slice %get3A_1 {offsets = [64, 0], sizes = [64, 256], strides = [1, 1]} : vector<256x256xf32> to vector<64x256xf32>
    %get3A_559 = arith.constant 0 : index
    %get3A_560 = arith.constant 0 : index
    %get3A_561 = vector.load %arg5[%get3A_559, %get3A_560] : memref<64x64xf32, #tpu.memory_space<vmem>>, vector<64x64xf32>
    %dot_general3A_562 = arith.constant dense<0.000000e+00> : vector<64x256xf32>
    %dot_general3A_563 = tpu.matmul %get3A_561, %slice3A_558, %dot_general3A_562 {dimension_numbers = #tpu.dot_dimension_numbers<[1], [0], [0], [1], [0, 0, 1, 1], [], []>, transpose_lhs_hint = false} : vector<64x64xf32>, vector<64x256xf32>, vector<64x256xf32> -> vector<64x256xf32>
    %get3A_564 = arith.constant 0 : index
    %get3A_565 = arith.constant 0 : index
    %get3A_566 = vector.load %arg6[%get3A_564, %get3A_565] : memref<64x64xf32, #tpu.memory_space<vmem>>, vector<64x64xf32>
    %dot_general3A_567 = arith.constant dense<0.000000e+00> : vector<64x256xf32>
    %dot_general3A_568 = tpu.matmul %get3A_566, %slice3A_558, %dot_general3A_567 {dimension_numbers = #tpu.dot_dimension_numbers<[1], [0], [0], [1], [0, 0, 1, 1], [], []>, transpose_lhs_hint = false} : vector<64x64xf32>, vector<64x256xf32>, vector<64x256xf32> -> vector<64x256xf32>
    %slice3A_569 = vector.extract_strided_slice %get3A_1 {offsets = [128, 0], sizes = [64, 256], strides = [1, 1]} : vector<256x256xf32> to vector<64x256xf32>
    %get3A_570 = arith.constant 0 : index
    %get3A_571 = arith.constant 0 : index
    %get3A_572 = vector.load %arg5[%get3A_570, %get3A_571] : memref<64x64xf32, #tpu.memory_space<vmem>>, vector<64x64xf32>
    %dot_general3A_573 = arith.constant dense<0.000000e+00> : vector<64x256xf32>
    %dot_general3A_574 = tpu.matmul %get3A_572, %slice3A_569, %dot_general3A_573 {dimension_numbers = #tpu.dot_dimension_numbers<[1], [0], [0], [1], [0, 0, 1, 1], [], []>, transpose_lhs_hint = false} : vector<64x64xf32>, vector<64x256xf32>, vector<64x256xf32> -> vector<64x256xf32>
    %get3A_575 = arith.constant 0 : index
    %get3A_576 = arith.constant 0 : index
    %get3A_577 = vector.load %arg6[%get3A_575, %get3A_576] : memref<64x64xf32, #tpu.memory_space<vmem>>, vector<64x64xf32>
    %dot_general3A_578 = arith.constant dense<0.000000e+00> : vector<64x256xf32>
    %dot_general3A_579 = tpu.matmul %get3A_577, %slice3A_569, %dot_general3A_578 {dimension_numbers = #tpu.dot_dimension_numbers<[1], [0], [0], [1], [0, 0, 1, 1], [], []>, transpose_lhs_hint = false} : vector<64x64xf32>, vector<64x256xf32>, vector<64x256xf32> -> vector<64x256xf32>
    %slice3A_580 = vector.extract_strided_slice %get3A_1 {offsets = [192, 0], sizes = [64, 256], strides = [1, 1]} : vector<256x256xf32> to vector<64x256xf32>
    %get3A_581 = arith.constant 0 : index
    %get3A_582 = arith.constant 0 : index
    %get3A_583 = vector.load %arg5[%get3A_581, %get3A_582] : memref<64x64xf32, #tpu.memory_space<vmem>>, vector<64x64xf32>
    %dot_general3A_584 = arith.constant dense<0.000000e+00> : vector<64x256xf32>
    %dot_general3A_585 = tpu.matmul %get3A_583, %slice3A_580, %dot_general3A_584 {dimension_numbers = #tpu.dot_dimension_numbers<[1], [0], [0], [1], [0, 0, 1, 1], [], []>, transpose_lhs_hint = false} : vector<64x64xf32>, vector<64x256xf32>, vector<64x256xf32> -> vector<64x256xf32>
    %get3A_586 = arith.constant 0 : index
    %get3A_587 = arith.constant 0 : index
    %get3A_588 = vector.load %arg6[%get3A_586, %get3A_587] : memref<64x64xf32, #tpu.memory_space<vmem>>, vector<64x64xf32>
    %dot_general3A_589 = arith.constant dense<0.000000e+00> : vector<64x256xf32>
    %dot_general3A_590 = tpu.matmul %get3A_588, %slice3A_580, %dot_general3A_589 {dimension_numbers = #tpu.dot_dimension_numbers<[1], [0], [0], [1], [0, 0, 1, 1], [], []>, transpose_lhs_hint = false} : vector<64x64xf32>, vector<64x256xf32>, vector<64x256xf32> -> vector<64x256xf32>
    %concatenate3A_591 = tpu.concatenate %dot_general3A_552, %dot_general3A_563, %dot_general3A_574, %dot_general3A_585 in 0 : vector<64x256xf32>, vector<64x256xf32>, vector<64x256xf32>, vector<64x256xf32> -> vector<256x256xf32>
    %swap3A_592 = arith.constant 0 : index
    %swap3A_593 = arith.constant 0 : index
    %swap3A_594 = vector.load %arg17[%swap3A_592, %swap3A_593] : memref<256x256xf32, #tpu.memory_space<vmem>>, vector<256x256xf32>
    tpu.vector_store %arg17[%swap3A_592, %swap3A_593], %concatenate3A_591 {strides = array<i32>} : memref<256x256xf32, #tpu.memory_space<vmem>>, vector<256x256xf32>,
    %concatenate3A_595 = tpu.concatenate %dot_general3A_557, %dot_general3A_568, %dot_general3A_579, %dot_general3A_590 in 0 : vector<64x256xf32>, vector<64x256xf32>, vector<64x256xf32>, vector<64x256xf32> -> vector<256x256xf32>
    %swap3A_596 = arith.constant 0 : index
    %swap3A_597 = arith.constant 0 : index
    %swap3A_598 = vector.load %arg18[%swap3A_596, %swap3A_597] : memref<256x256xf32, #tpu.memory_space<vmem>>, vector<256x256xf32>
    tpu.vector_store %arg18[%swap3A_596, %swap3A_597], %concatenate3A_595 {strides = array<i32>} : memref<256x256xf32, #tpu.memory_space<vmem>>, vector<256x256xf32>,
    %iota3A_599 = tpu.iota {dimensions = array<i32: 0>} : vector<2000x500xi32>
    %iota3A_600 = tpu.iota {dimensions = array<i32: 1>} : vector<2000x500xi32>
    %jit3A_601 = arith.constant 4 : i32
    %div3A_602 = vector.broadcast %jit3A_601 : i32 to vector<2000x500xi32>
    %div3A_603 = arith.divsi %iota3A_599, %div3A_602 : vector<2000x500xi32>
    %sign3A_604 = arith.constant 0 : i32
    %sign3A_605 = vector.broadcast %sign3A_604 : i32 to vector<2000x500xi32>
    %sign3A_606 = arith.cmpi sgt, %iota3A_599, %sign3A_605 : vector<2000x500xi32>
    %sign3A_607 = arith.extui %sign3A_606 : vector<2000x500xi1> to vector<2000x500xi32>
    %sign3A_608 = arith.constant 0 : i32
    %sign3A_609 = vector.broadcast %sign3A_608 : i32 to vector<2000x500xi32>
    %sign3A_610 = arith.cmpi slt, %iota3A_599, %sign3A_609 : vector<2000x500xi32>
    %sign3A_611 = arith.extui %sign3A_610 : vector<2000x500xi1> to vector<2000x500xi32>
    %sign3A_612 = arith.subi %sign3A_607, %sign3A_611 : vector<2000x500xi32>
    %sign3A_613 = arith.constant 0 : i32
    %sign3A_614 = arith.cmpi sgt, %jit3A_601, %sign3A_613 : i32
    %sign3A_615 = arith.extui %sign3A_614 : i1 to i32
    %sign3A_616 = arith.constant 0 : i32
    %sign3A_617 = arith.cmpi slt, %jit3A_601, %sign3A_616 : i32
    %sign3A_618 = arith.extui %sign3A_617 : i1 to i32
    %sign3A_619 = arith.subi %sign3A_615, %sign3A_618 : i32
    %ne3A_620 = vector.broadcast %sign3A_619 : i32 to vector<2000x500xi32>
    %ne3A_621 = arith.cmpi ne, %sign3A_612, %ne3A_620 : vector<2000x500xi32>
    %rem3A_622 = vector.broadcast %jit3A_601 : i32 to vector<2000x500xi32>
    %rem3A_623 = arith.remsi %iota3A_599, %rem3A_622 : vector<2000x500xi32>
    %ne3A_624 = arith.constant 0 : i32
    %ne3A_625 = vector.broadcast %ne3A_624 : i32 to vector<2000x500xi32>
    %ne3A_626 = arith.cmpi ne, %rem3A_623, %ne3A_625 : vector<2000x500xi32>
    %and3A_627 = arith.andi %ne3A_621, %ne3A_626 : vector<2000x500xi1>
    %sub3A_628 = arith.constant 1 : i32
    %sub3A_629 = vector.broadcast %sub3A_628 : i32 to vector<2000x500xi32>
    %sub3A_630 = arith.subi %div3A_603, %sub3A_629 : vector<2000x500xi32>
    %select_n3A_631 = arith.select %and3A_627, %sub3A_630, %div3A_603 : vector<2000x500xi1>, vector<2000x500xi32>
    %eq3A_632 = arith.cmpi eq, %select_n3A_631, %iota3A_600 : vector<2000x500xi32>
    %jit3A_633 = arith.constant 4 : i32
    %eq3A_634 = arith.constant 0 : i32
    %eq3A_635 = arith.cmpi eq, %jit3A_633, %eq3A_634 : i32
    %jit3A_636 = arith.constant 1 : i32
    %select_n3A_637 = arith.select %eq3A_635, %jit3A_636, %jit3A_633 : i32
    %rem3A_638 = vector.broadcast %select_n3A_637 : i32 to vector<2000x500xi32>
    %rem3A_639 = arith.remsi %iota3A_599, %rem3A_638 : vector<2000x500xi32>
    %ne3A_640 = arith.constant 0 : i32
    %ne3A_641 = vector.broadcast %ne3A_640 : i32 to vector<2000x500xi32>
    %ne3A_642 = arith.cmpi ne, %rem3A_639, %ne3A_641 : vector<2000x500xi32>
    %lt3A_643 = arith.constant 0 : i32
    %lt3A_644 = vector.broadcast %lt3A_643 : i32 to vector<2000x500xi32>
    %lt3A_645 = arith.cmpi slt, %rem3A_639, %lt3A_644 : vector<2000x500xi32>
    %lt3A_646 = arith.constant 0 : i32
    %lt3A_647 = arith.cmpi slt, %select_n3A_637, %lt3A_646 : i32
    %ne3A_648 = vector.broadcast %lt3A_647 : i1 to vector<2000x500xi1>
    %ne3A_649 = vector.broadcast %ne3A_648 : vector<2000x500xi1> to vector<2000x500xi1>
    %ne3A_650 = arith.xori %lt3A_645, %ne3A_649 : vector<2000x500xi1>
    %and3A_651 = arith.andi %ne3A_650, %ne3A_642 : vector<2000x500xi1>
    %add3A_652 = vector.broadcast %select_n3A_637 : i32 to vector<2000x500xi32>
    %add3A_653 = arith.addi %rem3A_639, %add3A_652 : vector<2000x500xi32>
    %select_n3A_654 = arith.select %and3A_651, %add3A_653, %rem3A_639 : vector<2000x500xi1>, vector<2000x500xi32>
    %shift_left3A = arith.constant 1 : i32
    %shift_left3A_655 = vector.broadcast %shift_left3A : i32 to vector<2000x500xi32>
    %shift_left3A_656 = arith.shli %shift_left3A_655, %select_n3A_654 : vector<2000x500xi32>
    %jit3A_657 = arith.constant 0 : i32
    %broadcast_in_dim3A_658 = vector.broadcast %jit3A_657 : i32 to vector<2000x500xi32>
    %select_n3A_659 = arith.select %eq3A_632, %shift_left3A_656, %broadcast_in_dim3A_658 : vector<2000x500xi1>, vector<2000x500xi32>
    %convert_element_type3A_660 = arith.sitofp %select_n3A_659 : vector<2000x500xi32> to vector<2000x500xf32>
    %swap3A_661 = arith.constant 0 : index
    %swap3A_662 = arith.constant 0 : index
    %swap3A_663 = vector.load %arg19[%swap3A_661, %swap3A_662] : memref<2000x500xf32, #tpu.memory_space<vmem>>, vector<2000x500xf32>
    tpu.vector_store %arg19[%swap3A_661, %swap3A_662], %convert_element_type3A_660 {strides = array<i32>} : memref<2000x500xf32, #tpu.memory_space<vmem>>, vector<2000x500xf32>,
    return
  }
}

module attributes {stable_mosaic.version = 14 : i64} {
  func.func @_prep_body(%arg0: i32, %arg1: memref<64x2000xf32, #tpu.memory_space<vmem>>, %arg2: memref<64x100x4xf32, #tpu.memory_space<vmem>>, %arg3: memref<2000x500xf32, #tpu.memory_space<vmem>>, %arg4: memref<100x256xf32, #tpu.memory_space<vmem>>, %arg5: memref<4x256xf32, #tpu.memory_space<vmem>>, %arg6: memref<4x256xf32, #tpu.memory_space<vmem>>, %arg7: memref<2x256xf32, #tpu.memory_space<vmem>>, %arg8: memref<256x256xf32, #tpu.memory_space<vmem>>, %arg9: memref<256x256xf32, #tpu.memory_space<vmem>>, %arg10: memref<1x256xf32, #tpu.memory_space<vmem>>, %arg11: memref<112000x256xf32, #tpu.memory_space<hbm>>, %arg12: memref<64x8x128xi32, #tpu.memory_space<vmem>>, %arg13: memref<6400x256xf32, #tpu.memory_space<vmem>>) attributes {dimension_semantics = [#tpu.dimension_semantics<arbitrary>], iteration_bounds = array<i64: 16>, scalar_prefetch = 0 : i64, scratch_operands = 0 : i64, tpu.core_type = #tpu.core_type<tc>, window_params = [{transform_indices = @transform_0, window_bounds = array<i64: 64, 2000>}, {transform_indices = @transform_1, window_bounds = array<i64: 64, 100, 4>}, {pipeline_mode = #tpu.pipeline_mode<synchronous>, transform_indices = @transform_2, window_bounds = array<i64: 2000, 500>}, {pipeline_mode = #tpu.pipeline_mode<synchronous>, transform_indices = @transform_3, window_bounds = array<i64: 100, 256>}, {pipeline_mode = #tpu.pipeline_mode<synchronous>, transform_indices = @transform_4, window_bounds = array<i64: 4, 256>}, {pipeline_mode = #tpu.pipeline_mode<synchronous>, transform_indices = @transform_5, window_bounds = array<i64: 4, 256>}, {pipeline_mode = #tpu.pipeline_mode<synchronous>, transform_indices = @transform_6, window_bounds = array<i64: 2, 256>}, {pipeline_mode = #tpu.pipeline_mode<synchronous>, transform_indices = @transform_7, window_bounds = array<i64: 256, 256>}, {pipeline_mode = #tpu.pipeline_mode<synchronous>, transform_indices = @transform_8, window_bounds = array<i64: 256, 256>}, {pipeline_mode = #tpu.pipeline_mode<synchronous>, transform_indices = @transform_9, window_bounds = array<i64: 1, 256>}, {}, {transform_indices = @transform_11, window_bounds = array<i64: 64, 8, 128>}, {transform_indices = @transform_12, window_bounds = array<i64: 6400, 256>}]} {
    %get3A = arith.constant 0 : index
    %get3A_0 = arith.constant 0 : index
    %get3A_1 = vector.load %arg10[%get3A, %get3A_0] : memref<1x256xf32, #tpu.memory_space<vmem>>, vector<1x256xf32>
    %get3A_2 = arith.constant 0 : index
    %get3A_3 = arith.constant 0 : index
    %get3A_4 = vector.load %arg1[%get3A_2, %get3A_3] : memref<64x2000xf32, #tpu.memory_space<vmem>>, vector<64x2000xf32>
    %get3A_5 = arith.constant 0 : index
    %get3A_6 = arith.constant 0 : index
    %get3A_7 = vector.load %arg3[%get3A_5, %get3A_6] : memref<2000x500xf32, #tpu.memory_space<vmem>>, vector<2000x500xf32>
    %dot_general3A = arith.constant dense<0.000000e+00> : vector<64x500xf32>
    %dot_general3A_8 = tpu.matmul %get3A_4, %get3A_7, %dot_general3A {dimension_numbers = #tpu.dot_dimension_numbers<[1], [0], [0], [1], [0, 0, 1, 1], [], []>, transpose_lhs_hint = false} : vector<64x2000xf32>, vector<2000x500xf32>, vector<64x500xf32> -> vector<64x500xf32>
    %iota3A = tpu.iota {dimensions = array<i32: 1>} : vector<1x500xi32>
    %convert_element_type3A = arith.sitofp %iota3A : vector<1x500xi32> to vector<1x500xf32>
    %mul3A = arith.constant 64 : i32
    %mul3A_9 = arith.muli %arg0, %mul3A : i32
    %iota3A_10 = tpu.iota {dimensions = array<i32: 0>} : vector<64x1xi32>
    %add3A = vector.broadcast %mul3A_9 : i32 to vector<64x1xi32>
    %add3A_11 = arith.addi %add3A, %iota3A_10 : vector<64x1xi32>
    %convert_element_type3A_12 = arith.sitofp %add3A_11 : vector<64x1xi32> to vector<64x1xf32>
    %iota3A_13 = tpu.iota {dimensions = array<i32: 1>} : vector<1x500xi32>
    %mul3A_14 = arith.constant 1.000000e+02 : f32
    %mul3A_15 = vector.broadcast %mul3A_14 : f32 to vector<64x1xf32>
    %mul3A_16 = arith.mulf %convert_element_type3A_12, %mul3A_15 : vector<64x1xf32>
    %add3A_17 = arith.constant 9.600000e+03 : f32
    %add3A_18 = vector.broadcast %add3A_17 : f32 to vector<64x1xf32>
    %add3A_19 = arith.addf %add3A_18, %mul3A_16 : vector<64x1xf32>
    %sub3A = arith.constant 3.000000e+02 : f32
    %sub3A_20 = vector.broadcast %sub3A : f32 to vector<1x500xf32>
    %sub3A_21 = arith.subf %convert_element_type3A, %sub3A_20 : vector<1x500xf32>
    %add3A_22 = vector.broadcast %add3A_19 : vector<64x1xf32> to vector<64x500xf32>
    %add3A_23 = vector.broadcast %sub3A_21 : vector<1x500xf32> to vector<64x500xf32>
    %add3A_24 = arith.addf %add3A_22, %add3A_23 : vector<64x500xf32>
    %ge3A = arith.constant 300 : i32
    %ge3A_25 = vector.broadcast %ge3A : i32 to vector<1x500xi32>
    %ge3A_26 = arith.cmpi sge, %iota3A_13, %ge3A_25 : vector<1x500xi32>
    %lt3A = arith.constant 400 : i32
    %lt3A_27 = vector.broadcast %lt3A : i32 to vector<1x500xi32>
    %lt3A_28 = arith.cmpi slt, %iota3A_13, %lt3A_27 : vector<1x500xi32>
    %and3A = arith.andi %ge3A_26, %lt3A_28 : vector<1x500xi1>
    %mul3A_29 = arith.constant 1.600000e+01 : f32
    %mul3A_30 = vector.broadcast %mul3A_29 : f32 to vector<1x500xf32>
    %mul3A_31 = arith.mulf %mul3A_30, %convert_element_type3A : vector<1x500xf32>
    %add3A_32 = vector.broadcast %mul3A_31 : vector<1x500xf32> to vector<64x500xf32>
    %add3A_33 = arith.addf %dot_general3A_8, %add3A_32 : vector<64x500xf32>
    %broadcast_in_dim3A = vector.shape_cast %and3A : vector<1x500xi1> to vector<1x500xi1>
    %broadcast_in_dim3A_34 = vector.broadcast %broadcast_in_dim3A : vector<1x500xi1> to vector<64x500xi1>
    %select_n3A = arith.select %broadcast_in_dim3A_34, %add3A_24, %add3A_33 : vector<64x500xi1>, vector<64x500xf32>
    %convert_element_type3A_35 = arith.fptosi %select_n3A : vector<64x500xf32> to vector<64x500xi32>
    %slice3A = vector.extract_strided_slice %convert_element_type3A_35 {offsets = [0, 499], sizes = [64, 1], strides = [1, 1]} : vector<64x500xi32> to vector<64x1xi32>
    %concatenate3A = tpu.concatenate %convert_element_type3A_35, %slice3A, %slice3A, %slice3A, %slice3A, %slice3A, %slice3A, %slice3A, %slice3A, %slice3A, %slice3A, %slice3A, %slice3A in 1 : vector<64x500xi32>, vector<64x1xi32>, vector<64x1xi32>, vector<64x1xi32>, vector<64x1xi32>, vector<64x1xi32>, vector<64x1xi32>, vector<64x1xi32>, vector<64x1xi32>, vector<64x1xi32>, vector<64x1xi32>, vector<64x1xi32>, vector<64x1xi32> -> vector<64x512xi32>
    %slice3A_36 = vector.extract_strided_slice %concatenate3A {offsets = [0, 0], sizes = [64, 128], strides = [1, 1]} : vector<64x512xi32> to vector<64x128xi32>
    %slice3A_37 = vector.extract_strided_slice %concatenate3A {offsets = [0, 96], sizes = [64, 128], strides = [1, 1]} : vector<64x512xi32> to vector<64x128xi32>
    %slice3A_38 = vector.extract_strided_slice %concatenate3A {offsets = [0, 192], sizes = [64, 128], strides = [1, 1]} : vector<64x512xi32> to vector<64x128xi32>
    %slice3A_39 = vector.extract_strided_slice %concatenate3A {offsets = [0, 288], sizes = [64, 128], strides = [1, 1]} : vector<64x512xi32> to vector<64x128xi32>
    %slice3A_40 = vector.extract_strided_slice %concatenate3A {offsets = [0, 384], sizes = [64, 128], strides = [1, 1]} : vector<64x512xi32> to vector<64x128xi32>
    %slice3A_41 = vector.extract_strided_slice %concatenate3A {offsets = [0, 480], sizes = [64, 32], strides = [1, 1]} : vector<64x512xi32> to vector<64x32xi32>
    %broadcast_in_dim3A_42 = arith.constant 0 : i32
    %broadcast_in_dim3A_43 = vector.broadcast %broadcast_in_dim3A_42 : i32 to vector<64x96xi32>
    %concatenate3A_44 = tpu.concatenate %slice3A_41, %broadcast_in_dim3A_43 in 1 : vector<64x32xi32>, vector<64x96xi32> -> vector<64x128xi32>
    %slice3A_45 = vector.extract_strided_slice %concatenate3A {offsets = [0, 496], sizes = [64, 4], strides = [1, 1]} : vector<64x512xi32> to vector<64x4xi32>
    %broadcast_in_dim3A_46 = arith.constant 0 : i32
    %broadcast_in_dim3A_47 = vector.broadcast %broadcast_in_dim3A_46 : i32 to vector<64x124xi32>
    %concatenate3A_48 = tpu.concatenate %slice3A_45, %broadcast_in_dim3A_47 in 1 : vector<64x4xi32>, vector<64x124xi32> -> vector<64x128xi32>
    %broadcast_in_dim3A_49 = arith.constant 0 : i32
    %broadcast_in_dim3A_50 = vector.broadcast %broadcast_in_dim3A_49 : i32 to vector<64x128xi32>
    %stack3A = vector.shape_cast %slice3A_36 : vector<64x128xi32> to vector<64x1x128xi32>
    %stack3A_51 = vector.shape_cast %slice3A_37 : vector<64x128xi32> to vector<64x1x128xi32>
    %stack3A_52 = vector.shape_cast %slice3A_38 : vector<64x128xi32> to vector<64x1x128xi32>
    %stack3A_53 = vector.shape_cast %slice3A_39 : vector<64x128xi32> to vector<64x1x128xi32>
    %stack3A_54 = vector.shape_cast %slice3A_40 : vector<64x128xi32> to vector<64x1x128xi32>
    %stack3A_55 = vector.shape_cast %concatenate3A_44 : vector<64x128xi32> to vector<64x1x128xi32>
    %stack3A_56 = vector.shape_cast %concatenate3A_48 : vector<64x128xi32> to vector<64x1x128xi32>
    %stack3A_57 = vector.shape_cast %broadcast_in_dim3A_50 : vector<64x128xi32> to vector<64x1x128xi32>
    %stack3A_58 = tpu.concatenate %stack3A, %stack3A_51, %stack3A_52, %stack3A_53, %stack3A_54, %stack3A_55, %stack3A_56, %stack3A_57 in 1 : vector<64x1x128xi32>, vector<64x1x128xi32>, vector<64x1x128xi32>, vector<64x1x128xi32>, vector<64x1x128xi32>, vector<64x1x128xi32>, vector<64x1x128xi32>, vector<64x1x128xi32> -> vector<64x8x128xi32>
    %swap3A = arith.constant 0 : index
    %swap3A_59 = arith.constant 0 : index
    %swap3A_60 = arith.constant 0 : index
    %swap3A_61 = vector.load %arg12[%swap3A, %swap3A_59, %swap3A_60] : memref<64x8x128xi32, #tpu.memory_space<vmem>>, vector<64x8x128xi32>
    tpu.vector_store %arg12[%swap3A, %swap3A_59, %swap3A_60], %stack3A_58 {strides = array<i32>} : memref<64x8x128xi32, #tpu.memory_space<vmem>>, vector<64x8x128xi32>,
    %get3A_62 = arith.constant 0 : index
    %get3A_63 = arith.constant 0 : index
    %get3A_64 = arith.constant 0 : index
    %get3A_65 = vector.load %arg2[%get3A_62, %get3A_63, %get3A_64] : memref<64x100x4xf32, #tpu.memory_space<vmem>>, vector<64x100x4xf32>
    %slice3A_66 = vector.extract_strided_slice %get3A_65 {offsets = [0, 0, 0], sizes = [64, 50, 4], strides = [1, 1, 1]} : vector<64x100x4xf32> to vector<64x50x4xf32>
    %reshape3A = vector.shape_cast %slice3A_66 : vector<64x50x4xf32> to vector<3200x4xf32>
    %get3A_67 = arith.constant 0 : index
    %get3A_68 = arith.constant 0 : index
    %get3A_69 = vector.load %arg5[%get3A_67, %get3A_68] : memref<4x256xf32, #tpu.memory_space<vmem>>, vector<4x256xf32>
    %dot_general3A_70 = arith.constant dense<0.000000e+00> : vector<3200x256xf32>
    %dot_general3A_71 = tpu.matmul %reshape3A, %get3A_69, %dot_general3A_70 {dimension_numbers = #tpu.dot_dimension_numbers<[1], [0], [0], [1], [0, 0, 1, 1], [], []>, transpose_lhs_hint = false} : vector<3200x4xf32>, vector<4x256xf32>, vector<3200x256xf32> -> vector<3200x256xf32>
    %get3A_72 = arith.constant 0 : index
    %get3A_73 = arith.constant 0 : index
    %get3A_74 = vector.load %arg7[%get3A_72, %get3A_73] : memref<2x256xf32, #tpu.memory_space<vmem>>, vector<1x256xf32>
    %get3A_75 = vector.shape_cast %get3A_74 : vector<1x256xf32> to vector<256xf32>
    %broadcast_in_dim3A_76 = vector.shape_cast %get3A_75 : vector<256xf32> to vector<1x256xf32>
    %add3A_77 = vector.broadcast %broadcast_in_dim3A_76 : vector<1x256xf32> to vector<3200x256xf32>
    %add3A_78 = arith.addf %dot_general3A_71, %add3A_77 : vector<3200x256xf32>
    %max3A = arith.constant 0.000000e+00 : f32
    %max3A_79 = vector.broadcast %max3A : f32 to vector<3200x256xf32>
    %max3A_80 = arith.maximumf %add3A_78, %max3A_79 : vector<3200x256xf32>
    %get3A_81 = arith.constant 0 : index
    %get3A_82 = arith.constant 0 : index
    %get3A_83 = vector.load %arg8[%get3A_81, %get3A_82] : memref<256x256xf32, #tpu.memory_space<vmem>>, vector<256x256xf32>
    %dot_general3A_84 = arith.constant dense<0.000000e+00> : vector<3200x256xf32>
    %dot_general3A_85 = tpu.matmul %max3A_80, %get3A_83, %dot_general3A_84 {dimension_numbers = #tpu.dot_dimension_numbers<[1], [0], [0], [1], [0, 0, 1, 1], [], []>, transpose_lhs_hint = false} : vector<3200x256xf32>, vector<256x256xf32>, vector<3200x256xf32> -> vector<3200x256xf32>
    %reshape3A_86 = vector.shape_cast %dot_general3A_85 : vector<3200x256xf32> to vector<64x50x256xf32>
    %slice3A_87 = vector.extract_strided_slice %get3A_65 {offsets = [0, 50, 0], sizes = [64, 50, 4], strides = [1, 1, 1]} : vector<64x100x4xf32> to vector<64x50x4xf32>
    %reshape3A_88 = vector.shape_cast %slice3A_87 : vector<64x50x4xf32> to vector<3200x4xf32>
    %get3A_89 = arith.constant 0 : index
    %get3A_90 = arith.constant 0 : index
    %get3A_91 = vector.load %arg6[%get3A_89, %get3A_90] : memref<4x256xf32, #tpu.memory_space<vmem>>, vector<4x256xf32>
    %dot_general3A_92 = arith.constant dense<0.000000e+00> : vector<3200x256xf32>
    %dot_general3A_93 = tpu.matmul %reshape3A_88, %get3A_91, %dot_general3A_92 {dimension_numbers = #tpu.dot_dimension_numbers<[1], [0], [0], [1], [0, 0, 1, 1], [], []>, transpose_lhs_hint = false} : vector<3200x4xf32>, vector<4x256xf32>, vector<3200x256xf32> -> vector<3200x256xf32>
    %get3A_94 = arith.constant 1 : index
    %get3A_95 = arith.constant 0 : index
    %get3A_96 = vector.load %arg7[%get3A_94, %get3A_95] : memref<2x256xf32, #tpu.memory_space<vmem>>, vector<1x256xf32>
    %get3A_97 = vector.shape_cast %get3A_96 : vector<1x256xf32> to vector<256xf32>
    %broadcast_in_dim3A_98 = vector.shape_cast %get3A_97 : vector<256xf32> to vector<1x256xf32>
    %add3A_99 = vector.broadcast %broadcast_in_dim3A_98 : vector<1x256xf32> to vector<3200x256xf32>
    %add3A_100 = arith.addf %dot_general3A_93, %add3A_99 : vector<3200x256xf32>
    %max3A_101 = arith.constant 0.000000e+00 : f32
    %max3A_102 = vector.broadcast %max3A_101 : f32 to vector<3200x256xf32>
    %max3A_103 = arith.maximumf %add3A_100, %max3A_102 : vector<3200x256xf32>
    %get3A_104 = arith.constant 0 : index
    %get3A_105 = arith.constant 0 : index
    %get3A_106 = vector.load %arg9[%get3A_104, %get3A_105] : memref<256x256xf32, #tpu.memory_space<vmem>>, vector<256x256xf32>
    %dot_general3A_107 = arith.constant dense<0.000000e+00> : vector<3200x256xf32>
    %dot_general3A_108 = tpu.matmul %max3A_103, %get3A_106, %dot_general3A_107 {dimension_numbers = #tpu.dot_dimension_numbers<[1], [0], [0], [1], [0, 0, 1, 1], [], []>, transpose_lhs_hint = false} : vector<3200x256xf32>, vector<256x256xf32>, vector<3200x256xf32> -> vector<3200x256xf32>
    %reshape3A_109 = vector.shape_cast %dot_general3A_108 : vector<3200x256xf32> to vector<64x50x256xf32>
    %concatenate3A_110 = tpu.concatenate %reshape3A_86, %reshape3A_109 in 1 : vector<64x50x256xf32>, vector<64x50x256xf32> -> vector<64x100x256xf32>
    %get3A_111 = arith.constant 0 : index
    %get3A_112 = arith.constant 0 : index
    %get3A_113 = vector.load %arg4[%get3A_111, %get3A_112] : memref<100x256xf32, #tpu.memory_space<vmem>>, vector<100x256xf32>
    %broadcast_in_dim3A_114 = vector.shape_cast %get3A_113 : vector<100x256xf32> to vector<1x100x256xf32>
    %add3A_115 = vector.broadcast %broadcast_in_dim3A_114 : vector<1x100x256xf32> to vector<64x100x256xf32>
    %add3A_116 = arith.addf %concatenate3A_110, %add3A_115 : vector<64x100x256xf32>
    %mul3A_117 = arith.mulf %add3A_116, %add3A_116 : vector<64x100x256xf32>
    %reduce_sum3A = arith.constant dense<0.000000e+00> : vector<64x100xf32>
    %reduce_sum3A_118 = vector.multi_reduction <add>, %mul3A_117, %reduce_sum3A [2] : vector<64x100x256xf32> to vector<64x100xf32>
    %broadcast_in_dim3A_119 = vector.shape_cast %reduce_sum3A_118 : vector<64x100xf32> to vector<64x100x1xf32>
    %div3A = arith.constant 2.560000e+02 : f32
    %div3A_120 = vector.broadcast %div3A : f32 to vector<64x100x1xf32>
    %div3A_121 = arith.divf %broadcast_in_dim3A_119, %div3A_120 : vector<64x100x1xf32>
    %add3A_122 = arith.constant 9.99999997E-7 : f32
    %add3A_123 = vector.broadcast %add3A_122 : f32 to vector<64x100x1xf32>
    %add3A_124 = arith.addf %div3A_121, %add3A_123 : vector<64x100x1xf32>
    %rsqrt3A = math.rsqrt %add3A_124 : vector<64x100x1xf32>
    %mul3A_125 = vector.broadcast %rsqrt3A : vector<64x100x1xf32> to vector<64x100x256xf32>
    %mul3A_126 = arith.mulf %add3A_116, %mul3A_125 : vector<64x100x256xf32>
    %broadcast_in_dim3A_127 = vector.shape_cast %get3A_1 : vector<1x256xf32> to vector<1x1x256xf32>
    %mul3A_128 = vector.broadcast %broadcast_in_dim3A_127 : vector<1x1x256xf32> to vector<64x100x256xf32>
    %mul3A_129 = arith.mulf %mul3A_126, %mul3A_128 : vector<64x100x256xf32>
    %reshape3A_130 = vector.shape_cast %mul3A_129 : vector<64x100x256xf32> to vector<6400x256xf32>
    %swap3A_131 = arith.constant 0 : index
    %swap3A_132 = arith.constant 0 : index
    %swap3A_133 = vector.load %arg13[%swap3A_131, %swap3A_132] : memref<6400x256xf32, #tpu.memory_space<vmem>>, vector<6400x256xf32>
    tpu.vector_store %arg13[%swap3A_131, %swap3A_132], %reshape3A_130 {strides = array<i32>} : memref<6400x256xf32, #tpu.memory_space<vmem>>, vector<6400x256xf32>,
    return
  }
  func.func @transform_0(%arg0: i32) -> (i32, i32) {
    %c0_i32 = arith.constant 0 : i32
    %c0_i32_0 = arith.constant 0 : i32
    return %arg0, %c0_i32 : i32, i32
  }
  func.func @transform_1(%arg0: i32) -> (i32, i32, i32) {
    %c0_i32 = arith.constant 0 : i32
    %c0_i32_0 = arith.constant 0 : i32
    %c0_i32_1 = arith.constant 0 : i32
    return %arg0, %c0_i32, %c0_i32_0 : i32, i32, i32
  }
  func.func @transform_2(%arg0: i32) -> (i32, i32) {
    %c0_i32 = arith.constant 0 : i32
    %c0_i32_0 = arith.constant 0 : i32
    %c0_i32_1 = arith.constant 0 : i32
    return %c0_i32, %c0_i32_0 : i32, i32
  }
  func.func @transform_3(%arg0: i32) -> (i32, i32) {
    %c0_i32 = arith.constant 0 : i32
    %c0_i32_0 = arith.constant 0 : i32
    %c0_i32_1 = arith.constant 0 : i32
    return %c0_i32, %c0_i32_0 : i32, i32
  }
  func.func @transform_4(%arg0: i32) -> (i32, i32) {
    %c0_i32 = arith.constant 0 : i32
    %c0_i32_0 = arith.constant 0 : i32
    %c0_i32_1 = arith.constant 0 : i32
    return %c0_i32, %c0_i32_0 : i32, i32
  }
  func.func @transform_5(%arg0: i32) -> (i32, i32) {
    %c0_i32 = arith.constant 0 : i32
    %c0_i32_0 = arith.constant 0 : i32
    %c0_i32_1 = arith.constant 0 : i32
    return %c0_i32, %c0_i32_0 : i32, i32
  }
  func.func @transform_6(%arg0: i32) -> (i32, i32) {
    %c0_i32 = arith.constant 0 : i32
    %c0_i32_0 = arith.constant 0 : i32
    %c0_i32_1 = arith.constant 0 : i32
    return %c0_i32, %c0_i32_0 : i32, i32
  }
  func.func @transform_7(%arg0: i32) -> (i32, i32) {
    %c0_i32 = arith.constant 0 : i32
    %c0_i32_0 = arith.constant 0 : i32
    %c0_i32_1 = arith.constant 0 : i32
    return %c0_i32, %c0_i32_0 : i32, i32
  }
  func.func @transform_8(%arg0: i32) -> (i32, i32) {
    %c0_i32 = arith.constant 0 : i32
    %c0_i32_0 = arith.constant 0 : i32
    %c0_i32_1 = arith.constant 0 : i32
    return %c0_i32, %c0_i32_0 : i32, i32
  }
  func.func @transform_9(%arg0: i32) -> (i32, i32) {
    %c0_i32 = arith.constant 0 : i32
    %c0_i32_0 = arith.constant 0 : i32
    %c0_i32_1 = arith.constant 0 : i32
    return %c0_i32, %c0_i32_0 : i32, i32
  }
  func.func @transform_11(%arg0: i32) -> (i32, i32, i32) {
    %c0_i32 = arith.constant 0 : i32
    %c0_i32_0 = arith.constant 0 : i32
    %c0_i32_1 = arith.constant 0 : i32
    return %arg0, %c0_i32, %c0_i32_0 : i32, i32, i32
  }
  func.func @transform_12(%arg0: i32) -> (i32, i32) {
    %add3A = arith.constant 1 : i32
    %add3A_0 = arith.addi %add3A, %arg0 : i32
    %c0_i32 = arith.constant 0 : i32
    %c0_i32_1 = arith.constant 0 : i32
    return %add3A_0, %c0_i32 : i32, i32
  }
}

</mosaic_0001>

<sc_bundles>
// kernel: kernel.5.cloned.1.call-start
scs
__scs_entry_jumppad:
0x0: {  	(pc) =	sbr.rel $0x88, $3  }
0x1: {  	(tag) =	ssettag $0x0;
	lr =	simm.s32 $0x1  }
0x2: {  	[smem:$0x3F84] =	sst lr;
	_ =	strace $0xD0000000  }
0x3: {  	_ = 	snop  }
0x4: {  	_ = 	snop  }
0x5: {  	_ = 	snop  }
0x6: {  	_ = 	snop  }
0x7: {  	_ = 	snop  }
__scs_overlays_trampoline_lowered:
0x8: {  	[smem:$0x3F93] =	sst s0  }
0x9: {  	[smem:$0x3F94] =	sst s1  }
0xa: {  	[smem:$0x3F95] =	sst s2  }
0xb: {  	[smem:$0x3F96] =	sst s3  }
0xc: {  	[smem:$0x3F97] =	sst s4  }
0xd: {  	[smem:$0x3F98] =	sst s5  }
0xe: {  	[smem:$0x3F99] =	sst s6  }
0xf: {  	[smem:$0x3F9A] =	sst s7  }
0x10: {  	[smem:$0x3F9B] =	sst s8  }
0x11: {  	[smem:$0x3F9C] =	sst s9;
	s0 =	simm.s32 @!p0 $0x0  }
0x12: {  	s1 =	sld [smem:$0x3F82];
	s0 =	simm.s32 @p0 $0x1  }
0x13: {  	[smem:$0x3F9D] =	sst s0;
	s0 =	simm.s32 @!p1 $0x0  }
0x14: {  	s2 =	sld [smem:$0x3F81];
	s0 =	simm.s32 @p1 $0x1  }
0x15: {  	[smem:$0x3F9E] =	sst s0;
	s0 =	simm.s32 @!p2 $0x0  }
0x16: {  	s3 =	sld [smem:$0x3FDB];
	s0 =	simm.s32 @p2 $0x1  }
0x17: {  	s4 =	simm.s32 $0x1BF5;
	[smem:$0x3FA0] =	sst s0  }
0x18: {  	s0 =	sld [smem:$0x3F83];
	_ =	swait.ge [sflag:s4], $0x0  }
0x19: {  	s7 =	sld [smem:$0x3F84]  }
0x1a: {  	s8 =	sadd.s32 $0xFFFFE003, lr  }
0x1b: {  	s9 =	sadd.s32 $0xFFFFFEF7, lr;
	s5 =	simm.s32 $0xFFFFFFFF;
	p2 =	slt.u32 s8, $0xFFFFF086  }
0x1c: {  	p1 =	slt.u32 s9, $0xF7A;
	s5 =	simm.s32 @!p2 $0x0  }
0x1d: {  	s5 =	simm.s32 @p1 $0x1;
	p0 =	seq.s32 s7, s2  }
0x1e: {  	s7 =	smul.u32 @!p0 $0xF7A, s2;
	p2 =	seq.s32 @!p0 s5, $0x0  }
0x1f: {  	s9 =	smul.u32 $0xF7A, s1;
	s8 =	simm.s32 @!p0 $0x1BF5;
	p2 =	por !p2, p0  }
0x20: {  	[sflag:s8] =	ssyncset.s32 @!p0 $0xFFFFF086;
	s6 =	sadd.s32 @!p0 s3, s7;
	s7 =	simm.s32 @!p0 $0x108  }
0x21: {  	s3 =	sadd.s32 s3, s9;
	s6 =	sadd.s32 @!p0 $0x88, s6;
	s7 =	simm.s32 @p2 $0x1082  }
0x22: {  	[simem:s7], [sflag:s8] =	dma.local @!p0 [hbm:s6], $0xF7A  }
0x23: {  	s9 =	sor.u32 $0xD0000000, s2;
	s6 =	simm.s32 $0x108;
	_ =	swait.ge @!p0 [sflag:s8], $0x0  }
0x24: {  	s3 =	sadd.s32 $0x88, s3;
	s6 =	simm.s32 @!p1 $0x1082;
	[sflag:s4] =	ssyncset.s32 $0xFFFFF086  }
0x25: {  	[simem:s6], [sflag:s4] =	dma.local [hbm:s3], $0xF7A  }
0x26: {  	[smem:$0x3F84] =	sst s1;
	(tag) =	ssettag s2;
	_ =	strace s9  }
0x27: {  	s1 =	sld [smem:$0x3F94]  }
0x28: {  	s2 =	sld [smem:$0x3F95]  }
0x29: {  	s4 =	sld [smem:$0x3F97]  }
0x2a: {  	p0 =	seq.s32 s5, $0x0;
	s5 =	sld [smem:$0x3F98]  }
0x2b: {  	s6 =	sld [smem:$0x3F99]  }
0x2c: {  	s7 =	sld [smem:$0x3F9A]  }
0x2d: {  	s3 =	simm.s32 $0x108;
	s8 =	sld [smem:$0x3F9B]  }
0x2e: {  	s3 =	simm.s32 @!p0 $0x1082;
	s9 =	sld [smem:$0x3F9C]  }
0x2f: {  	lr =	sadd.s32 s0, s3;
	s0 =	sld [smem:$0x3F93]  }
0x30: {  	s3 =	sld [smem:$0x3F96]  }
0x31: {  	[smem:$0x3F9F] =	sst s10  }
0x32: {  	s10 =	sld [smem:$0x3F9D];
	_ =	sdelay $0x3  }
0x33: {  	p0 =	seq.s32 s10, $0x1;
	s10 =	sld [smem:$0x3F9F];
	_ =	sdelay $0x3  }
0x34: {  	[smem:$0x3F9F] =	sst s10  }
0x35: {  	s10 =	sld [smem:$0x3F9E];
	_ =	sdelay $0x3  }
0x36: {  	p1 =	seq.s32 s10, $0x1;
	s10 =	sld [smem:$0x3F9F];
	_ =	sdelay $0x3  }
0x37: {  	[smem:$0x3F9F] =	sst s10  }
0x38: {  	s10 =	sld [smem:$0x3FA0]  }
0x39: {  	_ = 	snop;
	(pc) =	sbr.ind lr, $3  }
0x3a: {  	_ = 	snop  }
0x3b: {  	_ = 	snop  }
0x3c: {  	p2 =	seq.s32 s10, $0x1;
	s10 =	sld [smem:$0x3F9F]  }
0x3d: {  	_ =	shalt  }
0x3e: {  	_ =	shalt  }
0x3f: {  	_ =	shalt  }
0x40: {  	_ =	shalt  }
0x41: {  	_ =	shalt  }
0x42: {  	_ =	shalt  }
0x43: {  	_ =	shalt  }
0x44: {  	_ =	shalt  }
0x45: {  	_ =	shalt  }
0x46: {  	_ =	shalt  }
0x47: {  	_ =	shalt  }
0x48: {  	_ =	shalt  }
0x49: {  	_ =	shalt  }
0x4a: {  	_ =	shalt  }
0x4b: {  	_ =	shalt  }
0x4c: {  	_ =	shalt  }
0x4d: {  	_ =	shalt  }
0x4e: {  	_ =	shalt  }
0x4f: {  	_ =	shalt  }
0x50: {  	_ =	shalt  }
0x51: {  	_ =	shalt  }
0x52: {  	_ =	shalt  }
0x53: {  	_ =	shalt  }
0x54: {  	_ =	shalt  }
0x55: {  	_ =	shalt  }
0x56: {  	_ =	shalt  }
0x57: {  	_ =	shalt  }
0x58: {  	_ =	shalt  }
0x59: {  	_ =	shalt  }
0x5a: {  	_ =	shalt  }
0x5b: {  	_ =	shalt  }
0x5c: {  	_ =	shalt  }
0x5d: {  	_ =	shalt  }
0x5e: {  	_ =	shalt  }
0x5f: {  	_ =	shalt  }
0x60: {  	_ =	shalt  }
0x61: {  	_ =	shalt  }
0x62: {  	_ =	shalt  }
0x63: {  	_ =	shalt  }
0x64: {  	_ =	shalt  }
0x65: {  	_ =	shalt  }
0x66: {  	_ =	shalt  }
0x67: {  	_ =	shalt  }
0x68: {  	_ =	shalt  }
0x69: {  	_ =	shalt  }
0x6a: {  	_ =	shalt  }
0x6b: {  	_ =	shalt  }
0x6c: {  	_ =	shalt  }
0x6d: {  	_ =	shalt  }
0x6e: {  	_ =	shalt  }
0x6f: {  	_ =	shalt  }
0x70: {  	_ =	shalt  }
0x71: {  	_ =	shalt  }
0x72: {  	_ =	shalt  }
0x73: {  	_ =	shalt  }
0x74: {  	_ =	shalt  }
0x75: {  	_ =	shalt  }
0x76: {  	_ =	shalt  }
0x77: {  	_ =	shalt  }
0x78: {  	_ =	shalt  }
0x79: {  	_ =	shalt  }
0x7a: {  	_ =	shalt  }
0x7b: {  	_ =	shalt  }
0x7c: {  	_ =	shalt  }
0x7d: {  	_ =	shalt  }
0x7e: {  	_ =	shalt  }
0x7f: {  	_ =	shalt  }
0x80: {  	_ =	shalt  }
0x81: {  	_ =	shalt  }
0x82: {  	_ =	shalt  }
0x83: {  	_ =	shalt  }
0x84: {  	_ =	shalt  }
0x85: {  	_ =	shalt  }
0x86: {  	_ =	shalt  }
0x87: {  	_ =	shalt  }
.Lfunc_end0:
.L_simem_size_0:
called_computation_lowered:
.L_overlay_start_0:
0x88: {  	s2 =	sld [smem:$0x3FD9]  }
0x89: {  	s3 =	sld [smem:$0x3FFE];
	_ =	sdelay $0x1  }
0x8a: {  	s1 =	srdreg.scid  }
0x8b: {  	s0 =	sand.u32 $0x1, s1  }
0x8c: {  	s17 =	sshll.u32 s0, $0xA;
	s2 =	sadd.s32 s3, s2  }
0x8d: {  	s2 =	sadd.s32 s2, s17  }
0x8e: {  	[smem:$0x3FAB] =	sst s2  }
0x8f: {  	_ = 	snop  }
0x90: {  	s2 =	sld [smem:$0x3FD0];
	(tm) =	ssettm $0x1  }
0x91: {  	s18 =	sld [smem:$0x3FFB];
	_ =	sdelay $0x3  }
0x92: {  	_ =	strace s18  }
0x93: {  	s3 =	sld [smem:$0x3FFC];
	_ =	sdelay $0x3  }
0x94: {  	_ =	strace s3  }
0x95: {  	s3 =	sld [smem:$0x3FFD];
	_ =	sdelay $0x3  }
0x96: {  	_ =	strace s3  }
0x97: {  	_ =	strace $0x8FFFFFFF  }
0x98: {  	s19 =	sld [smem:$0x3FDB];
	_ =	sdelay $0x1  }
0x99: {  	s4 =	simm.s32 $_scs_section_size  }
0x9a: {  	s5 =	simm.s32 $_size__tile_overlayer_lowered;
	s6 =	simm.s32 $_tile_overlayer_lowered  }
0x9b: {  	s22 =	simm.s32 $0x1BFF;
	s21 =	sshll.u32 s6, $0x1;
	s3 =	sadd.s32 s4, s19  }
0x9c: {  	s7 =	simm.s32 $0x0;
	s20 =	sshll.u32 s5, $0x1;
	s5 =	sadd.s32 s21, s3  }
0x9d: {  	[timem:s7], [sflag:s22] =	dma.local [hbm:s5], s20  }
0x9e: {  	_ =	swait.ge [sflag:s22], s20  }
0x9f: {  	s4 =	ssub.s32 $0x0, s20;
	[sflag:s22] =	ssyncset.done $0x0  }
0xa0: {  	[sflag:s22] =	ssyncadd.s32 s4;
	_ =	sdelay $0x1  }
0xa1: {  	s23 =	simm.s32 $0x1B8B  }
0xa2: {  	_ =	swait.ge [sflag:s23], $0x1  }
0xa3: {  	[sflag:s23] =	ssyncset.done $0x0  }
0xa4: {  	s25 =	simm.s32 $0x1B8E;
	s24 =	sld [smem:$0x3FFE];
	[sflag:s23] =	ssyncadd.s32 $0xFFFFFFFF  }
0xa5: {  	s26 =	simm.s32 $execute0_lowered;
	[smem:$0x3FD2] =	sst s25  }
0xa6: {  	s5 =	sshll.u32 s26, $0x1;
	_ =	strace $0x80000046;
	[dreg:$0x1] =	wrdreg $0xFFFFFFFF  }
0xa7: {  	s28 =	simm.s32 $_size_execute0_lowered;
	s3 =	sadd.s32 s3, s5;
	[dreg:$0x0] =	wrdreg $0x0  }
0xa8: {  	s5 =	sshll.u32 s28, $0x1;
	[dreg:$0x2] =	wrdreg s3  }
0xa9: {  	[dreg:$0x3] =	wrdreg s5  }
0xaa: {  	[dreg:$0x4] =	wrdreg $0xC0  }
0xab: {  	_ =	task [dreg:s7], $0x5FFFF  }
0xac: {  	[dreg:$0x1] =	wrdreg $0xFFFFFFFF  }
0xad: {  	[dreg:$0x0] =	wrdreg $0x60  }
0xae: {  	[dreg:$0x2] =	wrdreg s2  }
0xaf: {  	[dreg:$0x3] =	wrdreg s24  }
0xb0: {  	[dreg:$0x4] =	wrdreg $0x9  }
0xb1: {  	_ =	task.clear_ibuf [dreg:s7], $0x5FFFF;
	_ =	strace $0x90000046  }
0xb2: {  	s29 =	simm.s32 $0x9;
	_ =	strace $0x80000048  }
0xb3: {  	_ =	swait.ge [sflag:s29], $0x1  }
0xb4: {  	[sflag:s29] =	ssyncadd.s32 $0xFFFFFFFF  }
0xb5: {  	_ =	strace $0x90000048  }
0xb6: {  	_ =	sfence  }
0xb7: {  	s30 =	sld [smem:$0x0];
	_ =	sdelay $0x2  }
0xb8: {  	s31 =	sshll.u32 s1, $0xD;
	s1 =	sshrl.u32 s1, $0x2  }
0xb9: {  	s3 =	sand.u32 $0x4000, s31;
	s1 =	sadd.s32 s1, s30  }
0xba: {  	s0 =	sor.u32 s3, s0;
	s1 =	sshll.u32 s1, $0x11  }
0xbb: {  	s0 =	sor.u32 s1, s0  }
0xbc: {  	s0 =	sadd.s32 $0x8F2B, s0  }
0xbd: {  	[sflag:s0] =	ssyncadd.remote.s32 $0x1  }
0xbe: {  	_ =	sfence.sel $0xFFFF  }
0xbf: {  	[dreg:$0x0] =	wrdreg $0xFFFFFFFF;
	(pc) =	sbr.abs _section_cstart, $3  }
0xc0: {  	[dreg:$0x1] =	wrdreg $0xFFFFFFFF  }
0xc1: {  	_ =	task.clear_ibuf [dreg:s7], $0x2FFFF;
	_ =	strace $0x9FFFFFFF  }
0xc2: {  	(tm) =	ssettm $0x7FFFFFFF  }
0xc3: {  	_ =	shalt  }
tec
execute0_lowered:
.L_overlay_start_1:
0x0: {  	(tag) =	ssettag $0x1  }
0x1: {  	s2 =	rddreg [dreg:$0x0]  }
0x2: {  	s1 =	rddreg [dreg:$0x1];
	s3 =	simm.s32 $0x0  }
0x3: {  	s24 =	simm.s32 $0xC00;
	[smem:$0x7FF] =	sst s3  }
0x4: {  	s25 =	simm.s32 $0x1400;
	_ =	strace $0x80000047;
	[dreg:$0x4] =	wrdreg s24  }
0x5: {  	s26 =	simm.s32 $0x1C00;
	[dreg:$0x5] =	wrdreg s25  }
0x6: {  	s7 =	simm.s32 $0x2C00;
	[dreg:$0x6] =	wrdreg s26  }
0x7: {  	s8 =	simm.s32 $0x3400;
	[dreg:$0x8] =	wrdreg s7  }
0x8: {  	s9 =	simm.s32 $0x3C00;
	[dreg:$0x9] =	wrdreg s8  }
0x9: {  	s10 =	simm.s32 $0x4400;
	[dreg:$0xa] =	wrdreg s9  }
0xa: {  	s11 =	simm.s32 $0x4C00;
	[dreg:$0xb] =	wrdreg s10  }
0xb: {  	s12 =	simm.s32 $0x5400;
	[dreg:$0xc] =	wrdreg s11  }
0xc: {  	s13 =	simm.s32 $0x5C00;
	[dreg:$0xd] =	wrdreg s12  }
0xd: {  	s14 =	simm.s32 $0x6400;
	[dreg:$0xe] =	wrdreg s13  }
0xe: {  	s15 =	simm.s32 $0x6C00;
	[dreg:$0xf] =	wrdreg s14  }
0xf: {  	s16 =	simm.s32 $0x7400;
	[dreg:$0x10] =	wrdreg s15  }
0x10: {  	s17 =	simm.s32 $0x7C00;
	[dreg:$0x11] =	wrdreg s16  }
0x11: {  	s18 =	simm.s32 $0x8400;
	[dreg:$0x12] =	wrdreg s17  }
0x12: {  	s19 =	simm.s32 $0x8C00;
	[dreg:$0x13] =	wrdreg s18  }
0x13: {  	s20 =	simm.s32 $0x9400;
	[dreg:$0x14] =	wrdreg s19  }
0x14: {  	s21 =	simm.s32 $0x9C00;
	[dreg:$0x15] =	wrdreg s20  }
0x15: {  	s22 =	simm.s32 $0xA400;
	[dreg:$0x16] =	wrdreg s21  }
0x16: {  	s6 =	stileid.u32;
	s23 =	simm.s32 $0xAC00;
	[dreg:$0x17] =	wrdreg s22  }
0x17: {  	s0 =	srdreg.scid;
	[dreg:$0x18] =	wrdreg s23;
	s24 =	simm.s32 $0xB400  }
0x18: {  	s28 =	simm.s32 $0x1EC00;
	s25 =	simm.s32 $0xBC00;
	[dreg:$0x19] =	wrdreg s24  }
0x19: {  	s29 =	simm.s32 $0x1FC00;
	s26 =	simm.s32 $0xC400;
	[dreg:$0x1a] =	wrdreg s25  }
0x1a: {  	s30 =	simm.s32 $0x1;
	s7 =	simm.s32 $0xD400;
	[dreg:$0x1b] =	wrdreg s26  }
0x1b: {  	s31 =	simm.s32 $0x0;
	s8 =	simm.s32 $0xDC00;
	[dreg:$0x1d] =	wrdreg s7  }
0x1c: {  	s4 =	sshll.u32 s6, $0xD;
	s9 =	simm.s32 $0xE400;
	[dreg:$0x1e] =	wrdreg s8  }
0x1d: {  	s0 =	sand.u32 $0x1, s0;
	s10 =	simm.s32 $0xEC00;
	[dreg:$0x1f] =	wrdreg s9  }
0x1e: {  	s4 =	sadd.s32 s4, s1;
	s12 =	simm.s32 $0xF400;
	[smem:$0x7EF] =	sst s10  }
0x1f: {  	s5 =	sshll.u32 s0, $0xC;
	s13 =	simm.s32 $0xFC00;
	[smem:$0x7F0] =	sst s12  }
0x20: {  	s11 =	smul.u32 $0xFC000, s6;
	s14 =	simm.s32 $0x10400;
	[smem:$0x7F1] =	sst s13  }
0x21: {  	s15 =	ssub.s32 $0x2, s0;
	s16 =	simm.s32 $0x10C00;
	[smem:$0x7F2] =	sst s14  }
0x22: {  	s18 =	simm.s32 $0x11400;
	s19 =	simm.s32 $0x11C00;
	[smem:$0x7F3] =	sst s16  }
0x23: {  	s0 =	smul.u32 $0x7E000, s0;
	s20 =	simm.s32 $0x12400;
	[smem:$0x7F4] =	sst s18  }
0x24: {  	s22 =	simm.s32 $0x12C00;
	s23 =	simm.s32 $0x13400;
	[smem:$0x7F5] =	sst s19  }
0x25: {  	s6 =	simm.s32 $0x2;
	s4 =	sadd.s32 s5, s4;
	[smem:$0x7F7] =	sst s20  }
0x26: {  	s5 =	simm.s32 $0x2400;
	s17 =	sshrl.u32 s15, $0x1;
	[smem:$0x7F8] =	sst s22  }
0x27: {  	[smem:$0x7FA] =	sst s23;
	s24 =	simm.s32 $0x13C00;
	s25 =	simm.s32 $0x14400  }
0x28: {  	s7 =	simm.s32 $0x400;
	s26 =	simm.s32 $0x14C00;
	s8 =	simm.s32 $0x15400  }
0x29: {  	s9 =	simm.s32 $0x15C00;
	s10 =	simm.s32 $0x16400;
	s12 =	simm.s32 $0x17400  }
0x2a: {  	s13 =	simm.s32 $0x17C00;
	s14 =	simm.s32 $0x18400;
	s16 =	simm.s32 $0x19400  }
0x2b: {  	s18 =	simm.s32 $0x1A400;
	s19 =	simm.s32 $0x1AC00;
	[dreg:$0x7] =	wrdreg s5  }
0x2c: {  	s20 =	simm.s32 $0x1B400;
	s22 =	simm.s32 $0x1C400;
	[smem:$0x7FB] =	sst s24  }
0x2d: {  	s23 =	simm.s32 $0x1CC00;
	s4 =	sadd.s32 $0x2E00, s4;
	[smem:$0x7FC] =	sst s25  }
0x2e: {  	s5 =	simm.s32 $0xCC00;
	s1 =	sadd.s32 s11, s1;
	[smem:$0x7FD] =	sst s26  }
0x2f: {  	s11 =	simm.s32 $0x16C00;
	s24 =	simm.s32 $0x1D400;
	s25 =	simm.s32 $0x1DC00  }
0x30: {  	v3 =	vlaneseq.u32;
	s26 =	simm.s32 $0x1E400;
	[dreg:$0x1c] =	wrdreg s5;
	s5 =	ssub.s32 s15, s17  }
0x31: {  	vm0 =	vmmov $0xffff;
	vm1 =	vmmov $0xff;
	v1 =	vshrl.u32 v3, $0x3;
	[dreg:$0x3] =	wrdreg s4;
	s0 =	sadd.s32 s0, s1;
	s21 =	smax.u32 s5, $0x1  }
0x32: {  	v0 =	vand.u32 $0x7, v3;
	v2 =	vor.u32 $0x8, v3;
	v4 =	vshrl.u32 v3, $0x2;
	s15 =	simm.s32 $0x18C00;
	s0 =	sadd.s32 $0x22E00, s0;
	[smem:$0x7F6] =	sst s21  }
0x33: {  	v3 =	vand.u32 $0x3, v3;
	v1 =	vmul.u32 $0x8, v1;
	v4 =	vmul.u32 $0x8, v4;
	s17 =	simm.s32 $0x19C00;
	[smem:$0x7F9] =	sst s0;
	s21 =	simm.s32 $0x1BC00  }
.LBB2_1:
0x34: {  	s5 =	sld [smem:$0x7F9];
	s1 =	simm.s32 $0x0  }
.LBB2_2:
0x35: {  	s4 =	rddreg [dreg:$0x3]  }
0x36: {  	s4 =	sadd.s32 s1, s4  }
0x37: {  	[tilespmem:s3], [sflag:$0x2] =	stream.linear.gather [hbm4b:s4+s3], $0x400, $0x38;
	v63 =	vld [tilespmem:$0x0]  }
0x38: {  	_ =	swait.ge [sflag:s6], $0x400  }
0x39: {  	[sflag:s6] =	ssyncset.done $0x0  }
0x3a: {  	[sflag:s6] =	ssyncadd.s32 $0xFFFFFC00  }
0x3b: {  	v5 =	vld [tilespmem:$0x0];
	_ =	sdelay $0x4  }
0x3c: {  	v6 =	vshll.u32 v5, $0x1  }
0x3d: {  	v5 =	vand.u32 $0x7, v5;
	v6 =	vand.u32 $0xFFFFFFF0, v6  }
0x3e: {  	v5 =	vor.u32 v5, v6  }
0x3f: {  	v6 =	vperm.xlane v5, v0;
	_ =	sdelay $0x1  }
0x40: {  	v5 =	vperm.xlane v5, v2;
	v6 =	vadd.s32 v1, v6;
	_ =	sdelay $0x1  }
0x41: {  	v5 =	vadd.s32 v1, v5;
	_ =	sdelay $0x2  }
0x42: {  	[tilespmem:s7], [sflag:$0x1] =	stream.indirect_vreg.gather [hbm4b:s2+s3], $0x80, v6, vm0, $0xb8;
	v63 =	vld [tilespmem:$0x0]  }
0x43: {  	s0 =	rddreg [dreg:$0x4]  }
0x44: {  	[tilespmem:s0], [sflag:$0x1] =	stream.indirect_vreg.gather [hbm4b:s2+s3], $0x80, v5, vm0, $0xb8;
	v63 =	vld [tilespmem:$0x0]  }
0x45: {  	v5 =	vld [tilespmem:$0x10];
	_ =	sdelay $0x4  }
0x46: {  	v6 =	vshll.u32 v5, $0x1  }
0x47: {  	v5 =	vand.u32 $0x7, v5;
	v6 =	vand.u32 $0xFFFFFFF0, v6  }
0x48: {  	v5 =	vor.u32 v5, v6  }
0x49: {  	v6 =	vperm.xlane v5, v0;
	_ =	sdelay $0x1  }
0x4a: {  	v5 =	vperm.xlane v5, v2;
	v6 =	vadd.s32 v1, v6;
	_ =	sdelay $0x1  }
0x4b: {  	v5 =	vadd.s32 v1, v5;
	_ =	sdelay $0x1  }
0x4c: {  	s4 =	rddreg [dreg:$0x5]  }
0x4d: {  	[tilespmem:s4], [sflag:$0x1] =	stream.indirect_vreg.gather [hbm4b:s2+s3], $0x80, v6, vm0, $0xb8;
	v63 =	vld [tilespmem:$0x0]  }
0x4e: {  	s0 =	rddreg [dreg:$0x6]  }
0x4f: {  	[tilespmem:s0], [sflag:$0x1] =	stream.indirect_vreg.gather [hbm4b:s2+s3], $0x80, v5, vm0, $0xb8;
	v63 =	vld [tilespmem:$0x0]  }
0x50: {  	v5 =	vld [tilespmem:$0x20];
	_ =	sdelay $0x4  }
0x51: {  	v6 =	vshll.u32 v5, $0x1  }
0x52: {  	v5 =	vand.u32 $0x7, v5;
	v6 =	vand.u32 $0xFFFFFFF0, v6  }
0x53: {  	v5 =	vor.u32 v5, v6  }
0x54: {  	v6 =	vperm.xlane v5, v0;
	_ =	sdelay $0x1  }
0x55: {  	v5 =	vperm.xlane v5, v2;
	v6 =	vadd.s32 v1, v6;
	_ =	sdelay $0x1  }
0x56: {  	v5 =	vadd.s32 v1, v5;
	_ =	sdelay $0x1  }
0x57: {  	s0 =	rddreg [dreg:$0x7]  }
0x58: {  	[tilespmem:s0], [sflag:$0x1] =	stream.indirect_vreg.gather [hbm4b:s2+s3], $0x80, v6, vm0, $0xb8;
	v63 =	vld [tilespmem:$0x0]  }
0x59: {  	s4 =	rddreg [dreg:$0x8]  }
0x5a: {  	[tilespmem:s4], [sflag:$0x1] =	stream.indirect_vreg.gather [hbm4b:s2+s3], $0x80, v5, vm0, $0xb8;
	v63 =	vld [tilespmem:$0x0]  }
0x5b: {  	v5 =	vld [tilespmem:$0x30];
	_ =	sdelay $0x4  }
0x5c: {  	v6 =	vshll.u32 v5, $0x1  }
0x5d: {  	v5 =	vand.u32 $0x7, v5;
	v6 =	vand.u32 $0xFFFFFFF0, v6  }
0x5e: {  	v5 =	vor.u32 v5, v6  }
0x5f: {  	v6 =	vperm.xlane v5, v0;
	_ =	sdelay $0x1  }
0x60: {  	v5 =	vperm.xlane v5, v2;
	v6 =	vadd.s32 v1, v6;
	_ =	sdelay $0x1  }
0x61: {  	v5 =	vadd.s32 v1, v5;
	_ =	sdelay $0x1  }
0x62: {  	s0 =	rddreg [dreg:$0x9]  }
0x63: {  	[tilespmem:s0], [sflag:$0x1] =	stream.indirect_vreg.gather [hbm4b:s2+s3], $0x80, v6, vm0, $0xb8;
	v63 =	vld [tilespmem:$0x0]  }
0x64: {  	s4 =	rddreg [dreg:$0xa]  }
0x65: {  	[tilespmem:s4], [sflag:$0x1] =	stream.indirect_vreg.gather [hbm4b:s2+s3], $0x80, v5, vm0, $0xb8;
	v63 =	vld [tilespmem:$0x0]  }
0x66: {  	v5 =	vld [tilespmem:$0x40];
	_ =	sdelay $0x4  }
0x67: {  	v6 =	vshll.u32 v5, $0x1  }
0x68: {  	v5 =	vand.u32 $0x7, v5;
	v6 =	vand.u32 $0xFFFFFFF0, v6  }
0x69: {  	v5 =	vor.u32 v5, v6  }
0x6a: {  	v6 =	vperm.xlane v5, v0;
	_ =	sdelay $0x1  }
0x6b: {  	v5 =	vperm.xlane v5, v2;
	v6 =	vadd.s32 v1, v6;
	_ =	sdelay $0x1  }
0x6c: {  	v5 =	vadd.s32 v1, v5;
	_ =	sdelay $0x1  }
0x6d: {  	s0 =	rddreg [dreg:$0xb]  }
0x6e: {  	[tilespmem:s0], [sflag:$0x1] =	stream.indirect_vreg.gather [hbm4b:s2+s3], $0x80, v6, vm0, $0xb8;
	v63 =	vld [tilespmem:$0x0]  }
0x6f: {  	s4 =	rddreg [dreg:$0xc]  }
0x70: {  	[tilespmem:s4], [sflag:$0x1] =	stream.indirect_vreg.gather [hbm4b:s2+s3], $0x80, v5, vm0, $0xb8;
	v63 =	vld [tilespmem:$0x0]  }
0x71: {  	v5 =	vld [tilespmem:$0x50];
	_ =	sdelay $0x4  }
0x72: {  	v6 =	vshll.u32 v5, $0x1  }
0x73: {  	v5 =	vand.u32 $0x7, v5;
	v6 =	vand.u32 $0xFFFFFFF0, v6  }
0x74: {  	v5 =	vor.u32 v5, v6  }
0x75: {  	v6 =	vperm.xlane v5, v0;
	_ =	sdelay $0x1  }
0x76: {  	v5 =	vperm.xlane v5, v2;
	v6 =	vadd.s32 v1, v6;
	_ =	sdelay $0x1  }
0x77: {  	v5 =	vadd.s32 v1, v5;
	_ =	sdelay $0x1  }
0x78: {  	s0 =	rddreg [dreg:$0xd]  }
0x79: {  	[tilespmem:s0], [sflag:$0x1] =	stream.indirect_vreg.gather [hbm4b:s2+s3], $0x80, v6, vm0, $0xb8;
	v63 =	vld [tilespmem:$0x0]  }
0x7a: {  	s4 =	rddreg [dreg:$0xe]  }
0x7b: {  	[tilespmem:s4], [sflag:$0x1] =	stream.indirect_vreg.gather [hbm4b:s2+s3], $0x80, v5, vm0, $0xb8;
	v63 =	vld [tilespmem:$0x0]  }
0x7c: {  	v5 =	vld [tilespmem:$0x80];
	_ =	sdelay $0x4  }
0x7d: {  	v6 =	vshll.u32 v5, $0x1  }
0x7e: {  	v5 =	vand.u32 $0x7, v5;
	v6 =	vand.u32 $0xFFFFFFF0, v6  }
0x7f: {  	v5 =	vor.u32 v5, v6  }
0x80: {  	v6 =	vperm.xlane v5, v0;
	_ =	sdelay $0x1  }
0x81: {  	v5 =	vperm.xlane v5, v2;
	v6 =	vadd.s32 v1, v6;
	_ =	sdelay $0x1  }
0x82: {  	v5 =	vadd.s32 v1, v5;
	_ =	sdelay $0x1  }
0x83: {  	s0 =	rddreg [dreg:$0xf]  }
0x84: {  	[tilespmem:s0], [sflag:$0x1] =	stream.indirect_vreg.gather [hbm4b:s2+s3], $0x80, v6, vm0, $0xb8;
	v63 =	vld [tilespmem:$0x0]  }
0x85: {  	s4 =	rddreg [dreg:$0x10]  }
0x86: {  	[tilespmem:s4], [sflag:$0x1] =	stream.indirect_vreg.gather [hbm4b:s2+s3], $0x80, v5, vm0, $0xb8;
	v63 =	vld [tilespmem:$0x0]  }
0x87: {  	v5 =	vld [tilespmem:$0x90];
	_ =	sdelay $0x4  }
0x88: {  	v6 =	vshll.u32 v5, $0x1  }
0x89: {  	v5 =	vand.u32 $0x7, v5;
	v6 =	vand.u32 $0xFFFFFFF0, v6  }
0x8a: {  	v5 =	vor.u32 v5, v6  }
0x8b: {  	v6 =	vperm.xlane v5, v0;
	_ =	sdelay $0x1  }
0x8c: {  	v5 =	vperm.xlane v5, v2;
	v6 =	vadd.s32 v1, v6;
	_ =	sdelay $0x1  }
0x8d: {  	v5 =	vadd.s32 v1, v5;
	_ =	sdelay $0x1  }
0x8e: {  	s0 =	rddreg [dreg:$0x11]  }
0x8f: {  	[tilespmem:s0], [sflag:$0x1] =	stream.indirect_vreg.gather [hbm4b:s2+s3], $0x80, v6, vm0, $0xb8;
	v63 =	vld [tilespmem:$0x0]  }
0x90: {  	s4 =	rddreg [dreg:$0x12]  }
0x91: {  	[tilespmem:s4], [sflag:$0x1] =	stream.indirect_vreg.gather [hbm4b:s2+s3], $0x80, v5, vm0, $0xb8;
	v63 =	vld [tilespmem:$0x0]  }
0x92: {  	v5 =	vld [tilespmem:$0xA0];
	_ =	sdelay $0x4  }
0x93: {  	v6 =	vshll.u32 v5, $0x1  }
0x94: {  	v5 =	vand.u32 $0x7, v5;
	v6 =	vand.u32 $0xFFFFFFF0, v6  }
0x95: {  	v5 =	vor.u32 v5, v6  }
0x96: {  	v6 =	vperm.xlane v5, v0;
	_ =	sdelay $0x1  }
0x97: {  	v5 =	vperm.xlane v5, v2;
	v6 =	vadd.s32 v1, v6;
	_ =	sdelay $0x1  }
0x98: {  	v5 =	vadd.s32 v1, v5;
	_ =	sdelay $0x1  }
0x99: {  	s0 =	rddreg [dreg:$0x13]  }
0x9a: {  	[tilespmem:s0], [sflag:$0x1] =	stream.indirect_vreg.gather [hbm4b:s2+s3], $0x80, v6, vm0, $0xb8;
	v63 =	vld [tilespmem:$0x0]  }
0x9b: {  	s4 =	rddreg [dreg:$0x14]  }
0x9c: {  	[tilespmem:s4], [sflag:$0x1] =	stream.indirect_vreg.gather [hbm4b:s2+s3], $0x80, v5, vm0, $0xb8;
	v63 =	vld [tilespmem:$0x0]  }
0x9d: {  	v5 =	vld [tilespmem:$0xB0];
	_ =	sdelay $0x4  }
0x9e: {  	v6 =	vshll.u32 v5, $0x1  }
0x9f: {  	v5 =	vand.u32 $0x7, v5;
	v6 =	vand.u32 $0xFFFFFFF0, v6  }
0xa0: {  	v5 =	vor.u32 v5, v6  }
0xa1: {  	v6 =	vperm.xlane v5, v0;
	_ =	sdelay $0x1  }
0xa2: {  	v5 =	vperm.xlane v5, v2;
	v6 =	vadd.s32 v1, v6;
	_ =	sdelay $0x1  }
0xa3: {  	v5 =	vadd.s32 v1, v5;
	_ =	sdelay $0x1  }
0xa4: {  	s0 =	rddreg [dreg:$0x15]  }
0xa5: {  	[tilespmem:s0], [sflag:$0x1] =	stream.indirect_vreg.gather [hbm4b:s2+s3], $0x80, v6, vm0, $0xb8;
	v63 =	vld [tilespmem:$0x0]  }
0xa6: {  	s4 =	rddreg [dreg:$0x16]  }
0xa7: {  	[tilespmem:s4], [sflag:$0x1] =	stream.indirect_vreg.gather [hbm4b:s2+s3], $0x80, v5, vm0, $0xb8;
	v63 =	vld [tilespmem:$0x0]  }
0xa8: {  	v5 =	vld [tilespmem:$0xC0];
	_ =	sdelay $0x4  }
0xa9: {  	v6 =	vshll.u32 v5, $0x1  }
0xaa: {  	v5 =	vand.u32 $0x7, v5;
	v6 =	vand.u32 $0xFFFFFFF0, v6  }
0xab: {  	v5 =	vor.u32 v5, v6  }
0xac: {  	v6 =	vperm.xlane v5, v0;
	_ =	sdelay $0x1  }
0xad: {  	v5 =	vperm.xlane v5, v2;
	v6 =	vadd.s32 v1, v6;
	_ =	sdelay $0x1  }
0xae: {  	v5 =	vadd.s32 v1, v5;
	_ =	sdelay $0x1  }
0xaf: {  	s0 =	rddreg [dreg:$0x17]  }
0xb0: {  	[tilespmem:s0], [sflag:$0x1] =	stream.indirect_vreg.gather [hbm4b:s2+s3], $0x80, v6, vm0, $0xb8;
	v63 =	vld [tilespmem:$0x0]  }
0xb1: {  	s4 =	rddreg [dreg:$0x18]  }
0xb2: {  	[tilespmem:s4], [sflag:$0x1] =	stream.indirect_vreg.gather [hbm4b:s2+s3], $0x80, v5, vm0, $0xb8;
	v63 =	vld [tilespmem:$0x0]  }
0xb3: {  	v5 =	vld [tilespmem:$0xD0];
	_ =	sdelay $0x4  }
0xb4: {  	v6 =	vshll.u32 v5, $0x1  }
0xb5: {  	v5 =	vand.u32 $0x7, v5;
	v6 =	vand.u32 $0xFFFFFFF0, v6  }
0xb6: {  	v5 =	vor.u32 v5, v6  }
0xb7: {  	v6 =	vperm.xlane v5, v0;
	_ =	sdelay $0x1  }
0xb8: {  	v5 =	vperm.xlane v5, v2;
	v6 =	vadd.s32 v1, v6;
	_ =	sdelay $0x1  }
0xb9: {  	v5 =	vadd.s32 v1, v5;
	_ =	sdelay $0x1  }
0xba: {  	s0 =	rddreg [dreg:$0x19]  }
0xbb: {  	[tilespmem:s0], [sflag:$0x1] =	stream.indirect_vreg.gather [hbm4b:s2+s3], $0x80, v6, vm0, $0xb8;
	v63 =	vld [tilespmem:$0x0]  }
0xbc: {  	s4 =	rddreg [dreg:$0x1a]  }
0xbd: {  	[tilespmem:s4], [sflag:$0x1] =	stream.indirect_vreg.gather [hbm4b:s2+s3], $0x80, v5, vm0, $0xb8;
	v63 =	vld [tilespmem:$0x0]  }
0xbe: {  	v5 =	vld [tilespmem:$0x100];
	_ =	sdelay $0x4  }
0xbf: {  	v6 =	vshll.u32 v5, $0x1  }
0xc0: {  	v5 =	vand.u32 $0x7, v5;
	v6 =	vand.u32 $0xFFFFFFF0, v6  }
0xc1: {  	v5 =	vor.u32 v5, v6  }
0xc2: {  	v6 =	vperm.xlane v5, v0;
	_ =	sdelay $0x1  }
0xc3: {  	v5 =	vperm.xlane v5, v2;
	v6 =	vadd.s32 v1, v6;
	_ =	sdelay $0x1  }
0xc4: {  	v5 =	vadd.s32 v1, v5;
	_ =	sdelay $0x1  }
0xc5: {  	s0 =	rddreg [dreg:$0x1b]  }
0xc6: {  	[tilespmem:s0], [sflag:$0x1] =	stream.indirect_vreg.gather [hbm4b:s2+s3], $0x80, v6, vm0, $0xb8;
	v63 =	vld [tilespmem:$0x0]  }
0xc7: {  	s4 =	rddreg [dreg:$0x1c]  }
0xc8: {  	[tilespmem:s4], [sflag:$0x1] =	stream.indirect_vreg.gather [hbm4b:s2+s3], $0x80, v5, vm0, $0xb8;
	v63 =	vld [tilespmem:$0x0]  }
0xc9: {  	v5 =	vld [tilespmem:$0x110];
	_ =	sdelay $0x4  }
0xca: {  	v6 =	vshll.u32 v5, $0x1  }
0xcb: {  	v5 =	vand.u32 $0x7, v5;
	v6 =	vand.u32 $0xFFFFFFF0, v6  }
0xcc: {  	v5 =	vor.u32 v5, v6  }
0xcd: {  	v6 =	vperm.xlane v5, v0;
	_ =	sdelay $0x1  }
0xce: {  	v5 =	vperm.xlane v5, v2;
	v6 =	vadd.s32 v1, v6;
	_ =	sdelay $0x1  }
0xcf: {  	v5 =	vadd.s32 v1, v5;
	_ =	sdelay $0x1  }
0xd0: {  	s0 =	rddreg [dreg:$0x1d]  }
0xd1: {  	[tilespmem:s0], [sflag:$0x1] =	stream.indirect_vreg.gather [hbm4b:s2+s3], $0x80, v6, vm0, $0xb8;
	v63 =	vld [tilespmem:$0x0]  }
0xd2: {  	s4 =	rddreg [dreg:$0x1e]  }
0xd3: {  	[tilespmem:s4], [sflag:$0x1] =	stream.indirect_vreg.gather [hbm4b:s2+s3], $0x80, v5, vm0, $0xb8;
	v63 =	vld [tilespmem:$0x0]  }
0xd4: {  	v5 =	vld [tilespmem:$0x120];
	_ =	sdelay $0x4  }
0xd5: {  	v6 =	vshll.u32 v5, $0x1  }
0xd6: {  	v5 =	vand.u32 $0x7, v5;
	v6 =	vand.u32 $0xFFFFFFF0, v6  }
0xd7: {  	v5 =	vor.u32 v5, v6  }
0xd8: {  	v6 =	vperm.xlane v5, v0;
	_ =	sdelay $0x1  }
0xd9: {  	v5 =	vperm.xlane v5, v2;
	v6 =	vadd.s32 v1, v6;
	_ =	sdelay $0x1  }
0xda: {  	v5 =	vadd.s32 v1, v5  }
0xdb: {  	s0 =	rddreg [dreg:$0x1f]  }
0xdc: {  	s4 =	sld [smem:$0x7EF]  }
0xdd: {  	[tilespmem:s0], [sflag:$0x1] =	stream.indirect_vreg.gather [hbm4b:s2+s3], $0x80, v6, vm0, $0xb8;
	v63 =	vld [tilespmem:$0x0]  }
0xde: {  	_ = 	snop  }
0xdf: {  	[tilespmem:s4], [sflag:$0x1] =	stream.indirect_vreg.gather [hbm4b:s2+s3], $0x80, v5, vm0, $0xb8;
	v63 =	vld [tilespmem:$0x0]  }
0xe0: {  	v5 =	vld [tilespmem:$0x130];
	_ =	sdelay $0x4  }
0xe1: {  	v6 =	vshll.u32 v5, $0x1  }
0xe2: {  	v5 =	vand.u32 $0x7, v5;
	v6 =	vand.u32 $0xFFFFFFF0, v6  }
0xe3: {  	v5 =	vor.u32 v5, v6  }
0xe4: {  	v6 =	vperm.xlane v5, v0;
	_ =	sdelay $0x1  }
0xe5: {  	v5 =	vperm.xlane v5, v2;
	v6 =	vadd.s32 v1, v6;
	_ =	sdelay $0x1  }
0xe6: {  	s0 =	sld [smem:$0x7F0];
	v5 =	vadd.s32 v1, v5;
	_ =	sdelay $0x1  }
0xe7: {  	s4 =	sld [smem:$0x7F1]  }
0xe8: {  	[tilespmem:s0], [sflag:$0x1] =	stream.indirect_vreg.gather [hbm4b:s2+s3], $0x80, v6, vm0, $0xb8;
	v63 =	vld [tilespmem:$0x0]  }
0xe9: {  	_ = 	snop  }
0xea: {  	[tilespmem:s4], [sflag:$0x1] =	stream.indirect_vreg.gather [hbm4b:s2+s3], $0x80, v5, vm0, $0xb8;
	v63 =	vld [tilespmem:$0x0]  }
0xeb: {  	v5 =	vld [tilespmem:$0x140];
	_ =	sdelay $0x4  }
0xec: {  	v6 =	vshll.u32 v5, $0x1  }
0xed: {  	v5 =	vand.u32 $0x7, v5;
	v6 =	vand.u32 $0xFFFFFFF0, v6  }
0xee: {  	v5 =	vor.u32 v5, v6  }
0xef: {  	v6 =	vperm.xlane v5, v0;
	_ =	sdelay $0x1  }
0xf0: {  	v5 =	vperm.xlane v5, v2;
	v6 =	vadd.s32 v1, v6;
	_ =	sdelay $0x1  }
0xf1: {  	s0 =	sld [smem:$0x7F2];
	v5 =	vadd.s32 v1, v5;
	_ =	sdelay $0x1  }
0xf2: {  	s4 =	sld [smem:$0x7F3]  }
0xf3: {  	[tilespmem:s0], [sflag:$0x1] =	stream.indirect_vreg.gather [hbm4b:s2+s3], $0x80, v6, vm0, $0xb8;
	v63 =	vld [tilespmem:$0x0]  }
0xf4: {  	_ = 	snop  }
0xf5: {  	[tilespmem:s4], [sflag:$0x1] =	stream.indirect_vreg.gather [hbm4b:s2+s3], $0x80, v5, vm0, $0xb8;
	v63 =	vld [tilespmem:$0x0]  }
0xf6: {  	v5 =	vld [tilespmem:$0x150];
	_ =	sdelay $0x4  }
0xf7: {  	v6 =	vshll.u32 v5, $0x1  }
0xf8: {  	v5 =	vand.u32 $0x7, v5;
	v6 =	vand.u32 $0xFFFFFFF0, v6  }
0xf9: {  	v5 =	vor.u32 v5, v6  }
0xfa: {  	v6 =	vperm.xlane v5, v0;
	_ =	sdelay $0x1  }
0xfb: {  	v5 =	vperm.xlane v5, v2;
	v6 =	vadd.s32 v1, v6;
	_ =	sdelay $0x1  }
0xfc: {  	s0 =	sld [smem:$0x7F4];
	v5 =	vadd.s32 v1, v5;
	_ =	sdelay $0x1  }
0xfd: {  	s4 =	sld [smem:$0x7F5]  }
0xfe: {  	[tilespmem:s0], [sflag:$0x1] =	stream.indirect_vreg.gather [hbm4b:s2+s3], $0x80, v6, vm0, $0xb8;
	v63 =	vld [tilespmem:$0x0]  }
0xff: {  	_ = 	snop  }
0x100: {  	[tilespmem:s4], [sflag:$0x1] =	stream.indirect_vreg.gather [hbm4b:s2+s3], $0x80, v5, vm0, $0xb8;
	v63 =	vld [tilespmem:$0x0]  }
0x101: {  	v5 =	vld [tilespmem:$0x180];
	_ =	sdelay $0x4  }
0x102: {  	v6 =	vshll.u32 v5, $0x1  }
0x103: {  	v5 =	vand.u32 $0x7, v5;
	v6 =	vand.u32 $0xFFFFFFF0, v6  }
0x104: {  	v5 =	vor.u32 v5, v6  }
0x105: {  	v6 =	vperm.xlane v5, v0;
	_ =	sdelay $0x1  }
0x106: {  	v5 =	vperm.xlane v5, v2;
	v6 =	vadd.s32 v1, v6;
	_ =	sdelay $0x1  }
0x107: {  	s0 =	sld [smem:$0x7F7];
	v5 =	vadd.s32 v1, v5;
	_ =	sdelay $0x1  }
0x108: {  	s4 =	sld [smem:$0x7F8]  }
0x109: {  	[tilespmem:s0], [sflag:$0x1] =	stream.indirect_vreg.gather [hbm4b:s2+s3], $0x80, v6, vm0, $0xb8;
	v63 =	vld [tilespmem:$0x0]  }
0x10a: {  	_ = 	snop  }
0x10b: {  	[tilespmem:s4], [sflag:$0x1] =	stream.indirect_vreg.gather [hbm4b:s2+s3], $0x80, v5, vm0, $0xb8;
	v63 =	vld [tilespmem:$0x0]  }
0x10c: {  	v5 =	vld [tilespmem:$0x190];
	_ =	sdelay $0x4  }
0x10d: {  	v6 =	vshll.u32 v5, $0x1  }
0x10e: {  	v5 =	vand.u32 $0x7, v5;
	v6 =	vand.u32 $0xFFFFFFF0, v6  }
0x10f: {  	v5 =	vor.u32 v5, v6  }
0x110: {  	v6 =	vperm.xlane v5, v0;
	_ =	sdelay $0x1  }
0x111: {  	v5 =	vperm.xlane v5, v2;
	v6 =	vadd.s32 v1, v6;
	_ =	sdelay $0x1  }
0x112: {  	s0 =	sld [smem:$0x7FA];
	v5 =	vadd.s32 v1, v5;
	_ =	sdelay $0x1  }
0x113: {  	s4 =	sld [smem:$0x7FB]  }
0x114: {  	[tilespmem:s0], [sflag:$0x1] =	stream.indirect_vreg.gather [hbm4b:s2+s3], $0x80, v6, vm0, $0xb8;
	v63 =	vld [tilespmem:$0x0]  }
0x115: {  	_ = 	snop  }
0x116: {  	[tilespmem:s4], [sflag:$0x1] =	stream.indirect_vreg.gather [hbm4b:s2+s3], $0x80, v5, vm0, $0xb8;
	v63 =	vld [tilespmem:$0x0]  }
0x117: {  	v5 =	vld [tilespmem:$0x1A0];
	_ =	sdelay $0x4  }
0x118: {  	v6 =	vshll.u32 v5, $0x1  }
0x119: {  	v5 =	vand.u32 $0x7, v5;
	v6 =	vand.u32 $0xFFFFFFF0, v6  }
0x11a: {  	v5 =	vor.u32 v5, v6  }
0x11b: {  	v6 =	vperm.xlane v5, v0;
	_ =	sdelay $0x1  }
0x11c: {  	v5 =	vperm.xlane v5, v2;
	v6 =	vadd.s32 v1, v6;
	_ =	sdelay $0x1  }
0x11d: {  	s0 =	sld [smem:$0x7FC];
	v5 =	vadd.s32 v1, v5;
	_ =	sdelay $0x1  }
0x11e: {  	s4 =	sld [smem:$0x7FD]  }
0x11f: {  	[tilespmem:s0], [sflag:$0x1] =	stream.indirect_vreg.gather [hbm4b:s2+s3], $0x80, v6, vm0, $0xb8;
	v63 =	vld [tilespmem:$0x0]  }
0x120: {  	_ = 	snop  }
0x121: {  	[tilespmem:s4], [sflag:$0x1] =	stream.indirect_vreg.gather [hbm4b:s2+s3], $0x80, v5, vm0, $0xb8;
	v63 =	vld [tilespmem:$0x0]  }
0x122: {  	v5 =	vld [tilespmem:$0x1B0];
	_ =	sdelay $0x4  }
0x123: {  	v6 =	vshll.u32 v5, $0x1  }
0x124: {  	v5 =	vand.u32 $0x7, v5;
	v6 =	vand.u32 $0xFFFFFFF0, v6  }
0x125: {  	v5 =	vor.u32 v5, v6  }
0x126: {  	v6 =	vperm.xlane v5, v0;
	_ =	sdelay $0x1  }
0x127: {  	v5 =	vperm.xlane v5, v2;
	v6 =	vadd.s32 v1, v6;
	_ =	sdelay $0x1  }
0x128: {  	v5 =	vadd.s32 v1, v5;
	_ =	sdelay $0x2  }
0x129: {  	[tilespmem:s8], [sflag:$0x1] =	stream.indirect_vreg.gather [hbm4b:s2+s3], $0x80, v6, vm0, $0xb8;
	v63 =	vld [tilespmem:$0x0]  }
0x12a: {  	_ = 	snop  }
0x12b: {  	[tilespmem:s9], [sflag:$0x1] =	stream.indirect_vreg.gather [hbm4b:s2+s3], $0x80, v5, vm0, $0xb8;
	v63 =	vld [tilespmem:$0x0]  }
0x12c: {  	v5 =	vld [tilespmem:$0x1C0];
	_ =	sdelay $0x4  }
0x12d: {  	v6 =	vshll.u32 v5, $0x1  }
0x12e: {  	v5 =	vand.u32 $0x7, v5;
	v6 =	vand.u32 $0xFFFFFFF0, v6  }
0x12f: {  	v5 =	vor.u32 v5, v6  }
0x130: {  	v6 =	vperm.xlane v5, v0;
	_ =	sdelay $0x1  }
0x131: {  	v5 =	vperm.xlane v5, v2;
	v6 =	vadd.s32 v1, v6;
	_ =	sdelay $0x1  }
0x132: {  	v5 =	vadd.s32 v1, v5;
	_ =	sdelay $0x2  }
0x133: {  	[tilespmem:s10], [sflag:$0x1] =	stream.indirect_vreg.gather [hbm4b:s2+s3], $0x80, v6, vm0, $0xb8;
	v63 =	vld [tilespmem:$0x0]  }
0x134: {  	_ = 	snop  }
0x135: {  	[tilespmem:s11], [sflag:$0x1] =	stream.indirect_vreg.gather [hbm4b:s2+s3], $0x80, v5, vm0, $0xb8;
	v63 =	vld [tilespmem:$0x0]  }
0x136: {  	v5 =	vld [tilespmem:$0x1D0];
	_ =	sdelay $0x4  }
0x137: {  	v6 =	vshll.u32 v5, $0x1  }
0x138: {  	v5 =	vand.u32 $0x7, v5;
	v6 =	vand.u32 $0xFFFFFFF0, v6  }
0x139: {  	v5 =	vor.u32 v5, v6  }
0x13a: {  	v6 =	vperm.xlane v5, v0;
	_ =	sdelay $0x1  }
0x13b: {  	v5 =	vperm.xlane v5, v2;
	v6 =	vadd.s32 v1, v6;
	_ =	sdelay $0x1  }
0x13c: {  	v5 =	vadd.s32 v1, v5;
	_ =	sdelay $0x2  }
0x13d: {  	[tilespmem:s12], [sflag:$0x1] =	stream.indirect_vreg.gather [hbm4b:s2+s3], $0x80, v6, vm0, $0xb8;
	v63 =	vld [tilespmem:$0x0]  }
0x13e: {  	_ = 	snop  }
0x13f: {  	[tilespmem:s13], [sflag:$0x1] =	stream.indirect_vreg.gather [hbm4b:s2+s3], $0x80, v5, vm0, $0xb8;
	v63 =	vld [tilespmem:$0x0]  }
0x140: {  	v5 =	vld [tilespmem:$0x200];
	_ =	sdelay $0x4  }
0x141: {  	v6 =	vshll.u32 v5, $0x1  }
0x142: {  	v5 =	vand.u32 $0x7, v5;
	v6 =	vand.u32 $0xFFFFFFF0, v6  }
0x143: {  	v5 =	vor.u32 v5, v6  }
0x144: {  	v6 =	vperm.xlane v5, v0;
	_ =	sdelay $0x1  }
0x145: {  	v5 =	vperm.xlane v5, v2;
	v6 =	vadd.s32 v1, v6;
	_ =	sdelay $0x1  }
0x146: {  	v5 =	vadd.s32 v1, v5;
	_ =	sdelay $0x2  }
0x147: {  	[tilespmem:s14], [sflag:$0x1] =	stream.indirect_vreg.gather [hbm4b:s2+s3], $0x80, v6, vm0, $0xb8;
	v63 =	vld [tilespmem:$0x0]  }
0x148: {  	_ = 	snop  }
0x149: {  	[tilespmem:s15], [sflag:$0x1] =	stream.indirect_vreg.gather [hbm4b:s2+s3], $0x80, v5, vm0, $0xb8;
	v63 =	vld [tilespmem:$0x0]  }
0x14a: {  	v5 =	vld [tilespmem:$0x210];
	_ =	sdelay $0x4  }
0x14b: {  	v6 =	vshll.u32 v5, $0x1  }
0x14c: {  	v5 =	vand.u32 $0x7, v5;
	v6 =	vand.u32 $0xFFFFFFF0, v6  }
0x14d: {  	v5 =	vor.u32 v5, v6  }
0x14e: {  	v6 =	vperm.xlane v5, v0;
	_ =	sdelay $0x1  }
0x14f: {  	v5 =	vperm.xlane v5, v2;
	v6 =	vadd.s32 v1, v6;
	_ =	sdelay $0x1  }
0x150: {  	v5 =	vadd.s32 v1, v5;
	_ =	sdelay $0x2  }
0x151: {  	[tilespmem:s16], [sflag:$0x1] =	stream.indirect_vreg.gather [hbm4b:s2+s3], $0x80, v6, vm0, $0xb8;
	v63 =	vld [tilespmem:$0x0]  }
0x152: {  	_ = 	snop  }
0x153: {  	[tilespmem:s17], [sflag:$0x1] =	stream.indirect_vreg.gather [hbm4b:s2+s3], $0x80, v5, vm0, $0xb8;
	v63 =	vld [tilespmem:$0x0]  }
0x154: {  	v5 =	vld [tilespmem:$0x220];
	_ =	sdelay $0x4  }
0x155: {  	v6 =	vshll.u32 v5, $0x1  }
0x156: {  	v5 =	vand.u32 $0x7, v5;
	v6 =	vand.u32 $0xFFFFFFF0, v6  }
0x157: {  	v5 =	vor.u32 v5, v6  }
0x158: {  	v6 =	vperm.xlane v5, v0;
	_ =	sdelay $0x1  }
0x159: {  	v5 =	vperm.xlane v5, v2;
	v6 =	vadd.s32 v1, v6;
	_ =	sdelay $0x1  }
0x15a: {  	v5 =	vadd.s32 v1, v5;
	_ =	sdelay $0x2  }
0x15b: {  	[tilespmem:s18], [sflag:$0x1] =	stream.indirect_vreg.gather [hbm4b:s2+s3], $0x80, v6, vm0, $0xb8;
	v63 =	vld [tilespmem:$0x0]  }
0x15c: {  	_ = 	snop  }
0x15d: {  	[tilespmem:s19], [sflag:$0x1] =	stream.indirect_vreg.gather [hbm4b:s2+s3], $0x80, v5, vm0, $0xb8;
	v63 =	vld [tilespmem:$0x0]  }
0x15e: {  	v5 =	vld [tilespmem:$0x230];
	_ =	sdelay $0x4  }
0x15f: {  	v6 =	vshll.u32 v5, $0x1  }
0x160: {  	v5 =	vand.u32 $0x7, v5;
	v6 =	vand.u32 $0xFFFFFFF0, v6  }
0x161: {  	v5 =	vor.u32 v5, v6  }
0x162: {  	v6 =	vperm.xlane v5, v0;
	_ =	sdelay $0x1  }
0x163: {  	v5 =	vperm.xlane v5, v2;
	v6 =	vadd.s32 v1, v6;
	_ =	sdelay $0x1  }
0x164: {  	v5 =	vadd.s32 v1, v5;
	_ =	sdelay $0x2  }
0x165: {  	[tilespmem:s20], [sflag:$0x1] =	stream.indirect_vreg.gather [hbm4b:s2+s3], $0x80, v6, vm0, $0xb8;
	v63 =	vld [tilespmem:$0x0]  }
0x166: {  	_ = 	snop  }
0x167: {  	[tilespmem:s21], [sflag:$0x1] =	stream.indirect_vreg.gather [hbm4b:s2+s3], $0x80, v5, vm0, $0xb8;
	v63 =	vld [tilespmem:$0x0]  }
0x168: {  	v5 =	vld [tilespmem:$0x240];
	_ =	sdelay $0x4  }
0x169: {  	v6 =	vshll.u32 v5, $0x1  }
0x16a: {  	v5 =	vand.u32 $0x7, v5;
	v6 =	vand.u32 $0xFFFFFFF0, v6  }
0x16b: {  	v5 =	vor.u32 v5, v6  }
0x16c: {  	v6 =	vperm.xlane v5, v0;
	_ =	sdelay $0x1  }
0x16d: {  	v5 =	vperm.xlane v5, v2;
	v6 =	vadd.s32 v1, v6;
	_ =	sdelay $0x1  }
0x16e: {  	v5 =	vadd.s32 v1, v5;
	_ =	sdelay $0x2  }
0x16f: {  	[tilespmem:s22], [sflag:$0x1] =	stream.indirect_vreg.gather [hbm4b:s2+s3], $0x80, v6, vm0, $0xb8;
	v63 =	vld [tilespmem:$0x0]  }
0x170: {  	_ = 	snop  }
0x171: {  	[tilespmem:s23], [sflag:$0x1] =	stream.indirect_vreg.gather [hbm4b:s2+s3], $0x80, v5, vm0, $0xb8;
	v63 =	vld [tilespmem:$0x0]  }
0x172: {  	v5 =	vld [tilespmem:$0x250];
	_ =	sdelay $0x4  }
0x173: {  	v6 =	vshll.u32 v5, $0x1  }
0x174: {  	v5 =	vand.u32 $0x7, v5;
	v6 =	vand.u32 $0xFFFFFFF0, v6  }
0x175: {  	v5 =	vor.u32 v5, v6  }
0x176: {  	v6 =	vperm.xlane v5, v0;
	_ =	sdelay $0x1  }
0x177: {  	v5 =	vperm.xlane v5, v2;
	v6 =	vadd.s32 v1, v6;
	_ =	sdelay $0x1  }
0x178: {  	v5 =	vadd.s32 v1, v5;
	_ =	sdelay $0x2  }
0x179: {  	[tilespmem:s24], [sflag:$0x1] =	stream.indirect_vreg.gather [hbm4b:s2+s3], $0x80, v6, vm0, $0xb8;
	v63 =	vld [tilespmem:$0x0]  }
0x17a: {  	_ = 	snop  }
0x17b: {  	[tilespmem:s25], [sflag:$0x1] =	stream.indirect_vreg.gather [hbm4b:s2+s3], $0x80, v5, vm0, $0xb8;
	v63 =	vld [tilespmem:$0x0]  }
0x17c: {  	v5 =	vld [tilespmem:$0x280];
	_ =	sdelay $0x4  }
0x17d: {  	v6 =	vshll.u32 v5, $0x1  }
0x17e: {  	v5 =	vand.u32 $0x7, v5;
	v6 =	vand.u32 $0xFFFFFFF0, v6  }
0x17f: {  	v5 =	vor.u32 v5, v6  }
0x180: {  	v6 =	vperm.xlane v5, v0;
	_ =	sdelay $0x1  }
0x181: {  	v5 =	vperm.xlane v5, v2;
	v6 =	vadd.s32 v1, v6;
	_ =	sdelay $0x1  }
0x182: {  	v5 =	vadd.s32 v1, v5;
	_ =	sdelay $0x2  }
0x183: {  	[tilespmem:s26], [sflag:$0x1] =	stream.indirect_vreg.gather [hbm4b:s2+s3], $0x80, v6, vm0, $0xb8;
	v63 =	vld [tilespmem:$0x0]  }
0x184: {  	_ = 	snop  }
0x185: {  	[tilespmem:s28], [sflag:$0x1] =	stream.indirect_vreg.gather [hbm4b:s2+s3], $0x80, v5, vm0, $0xb8;
	v63 =	vld [tilespmem:$0x0]  }
0x186: {  	v5 =	vld.msk [tilespmem:$0x300], $0xf;
	_ =	sdelay $0x4  }
0x187: {  	v6 =	vshll.u32 v5, $0x1  }
0x188: {  	v5 =	vand.u32 $0x7, v5;
	v6 =	vand.u32 $0xFFFFFFF0, v6  }
0x189: {  	v5 =	vor.u32 v5, v6  }
0x18a: {  	v5 =	vperm.xlane v5, v3;
	_ =	sdelay $0x1  }
0x18b: {  	v5 =	vadd.s32 v4, v5;
	_ =	sdelay $0x4  }
0x18c: {  	[tilespmem:s29], [sflag:$0x1] =	stream.indirect_vreg.gather [hbm4b:s2+s3], $0x80, v5, vm1, $0xb8;
	v63 =	vld [tilespmem:$0x0]  }
0x18d: {  	_ =	swait.ge [sflag:s30], $0x6000  }
0x18e: {  	[sflag:s30] =	ssyncset.done $0x0  }
0x18f: {  	[sflag:s30] =	ssyncadd.s32 $0xFFFFA000  }
0x190: {  	_ =	swait.ge [sflag:s30], $0x6000  }
0x191: {  	[sflag:s30] =	ssyncset.done $0x0  }
0x192: {  	[sflag:s30] =	ssyncadd.s32 $0xFFFFA000  }
0x193: {  	_ =	swait.ge [sflag:s30], $0x6000  }
0x194: {  	[sflag:s30] =	ssyncset.done $0x0  }
0x195: {  	[sflag:s30] =	ssyncadd.s32 $0xFFFFA000  }
0x196: {  	_ =	swait.ge [sflag:s30], $0x6000  }
0x197: {  	[sflag:s30] =	ssyncset.done $0x0  }
0x198: {  	[sflag:s30] =	ssyncadd.s32 $0xFFFFA000  }
0x199: {  	_ =	swait.ge [sflag:s30], $0x6000  }
0x19a: {  	[sflag:s30] =	ssyncset.done $0x0  }
0x19b: {  	[sflag:s30] =	ssyncadd.s32 $0xFFFFA000  }
0x19c: {  	_ =	swait.ge [sflag:s30], $0x1000  }
0x19d: {  	[sflag:s30] =	ssyncset.done $0x0  }
0x19e: {  	[sflag:s30] =	ssyncadd.s32 $0xFFFFF000  }
0x19f: {  	_ =	swait.ge [sflag:s30], $0x400  }
0x1a0: {  	[sflag:s30] =	ssyncset.done $0x0  }
0x1a1: {  	[sflag:s30] =	ssyncadd.s32 $0xFFFFFC00  }
0x1a2: {  	v5 =	vld [tilespmem:$0x1FC00]  }
0x1a3: {  	v6 =	vld [tilespmem:$0x1FC10]  }
0x1a4: {  	v7 =	vld [tilespmem:$0x1FC20]  }
0x1a5: {  	v8 =	vld [tilespmem:$0x1FC30]  }
0x1a6: {  	v9 =	vld [tilespmem:$0x1FC40]  }
0x1a7: {  	v40 =	vld [tilespmem:$0x1FE00];
	[tilespmem:$0x1F400] =	vst v5  }
0x1a8: {  	v5 =	vld [tilespmem:$0x1FC50];
	[tilespmem:$0x1F410] =	vst v6  }
0x1a9: {  	v6 =	vld [tilespmem:$0x1FC60];
	[tilespmem:$0x1F420] =	vst v7  }
0x1aa: {  	v7 =	vld [tilespmem:$0x1FC70];
	[tilespmem:$0x1F430] =	vst v8  }
0x1ab: {  	v41 =	vld [tilespmem:$0x1FE10];
	[tilespmem:$0x1F440] =	vst v9  }
0x1ac: {  	v42 =	vld [tilespmem:$0x1FE50];
	[tilespmem:$0x1F800] =	vst v40  }
0x1ad: {  	[tilespmem:$0x1F450] =	vst v5;
	v5 =	vld [tilespmem:$0x1FE20]  }
0x1ae: {  	[tilespmem:$0x1F460] =	vst v6;
	v6 =	vld [tilespmem:$0x1FE30]  }
0x1af: {  	[tilespmem:$0x1F470] =	vst v7;
	v7 =	vld [tilespmem:$0x1FE40]  }
0x1b0: {  	v43 =	vld [tilespmem:$0x1FE60];
	[tilespmem:$0x1F810] =	vst v41  }
0x1b1: {  	v44 =	vld [tilespmem:$0x1FCA0];
	[tilespmem:$0x1F850] =	vst v42  }
0x1b2: {  	[tilespmem:$0x1F820] =	vst v5;
	v5 =	vld [tilespmem:$0x1FE70]  }
0x1b3: {  	[tilespmem:$0x1F830] =	vst v6;
	v6 =	vld [tilespmem:$0x1FC80]  }
0x1b4: {  	[tilespmem:$0x1F840] =	vst v7;
	v7 =	vld [tilespmem:$0x1FC90]  }
0x1b5: {  	v45 =	vld [tilespmem:$0x1FCB0];
	[tilespmem:$0x1F860] =	vst v43  }
0x1b6: {  	v46 =	vld [tilespmem:$0x1FCF0];
	[tilespmem:$0x1F4A0] =	vst v44  }
0x1b7: {  	[tilespmem:$0x1F870] =	vst v5;
	v5 =	vld [tilespmem:$0x1FCC0]  }
0x1b8: {  	[tilespmem:$0x1F480] =	vst v6;
	v6 =	vld [tilespmem:$0x1FCD0]  }
0x1b9: {  	[tilespmem:$0x1F490] =	vst v7;
	v7 =	vld [tilespmem:$0x1FCE0]  }
0x1ba: {  	v47 =	vld [tilespmem:$0x1FE80];
	[tilespmem:$0x1F4B0] =	vst v45  }
0x1bb: {  	v48 =	vld [tilespmem:$0x1FEC0];
	[tilespmem:$0x1F4F0] =	vst v46  }
0x1bc: {  	[tilespmem:$0x1F4C0] =	vst v5;
	v5 =	vld [tilespmem:$0x1FE90]  }
0x1bd: {  	[tilespmem:$0x1F4D0] =	vst v6;
	v6 =	vld [tilespmem:$0x1FEA0]  }
0x1be: {  	[tilespmem:$0x1F4E0] =	vst v7;
	v7 =	vld [tilespmem:$0x1FEB0]  }
0x1bf: {  	v49 =	vld [tilespmem:$0x1FED0];
	[tilespmem:$0x1F880] =	vst v47  }
0x1c0: {  	v50 =	vld [tilespmem:$0x1FD10];
	[tilespmem:$0x1F8C0] =	vst v48  }
0x1c1: {  	[tilespmem:$0x1F890] =	vst v5;
	v5 =	vld [tilespmem:$0x1FEE0]  }
0x1c2: {  	[tilespmem:$0x1F8A0] =	vst v6;
	v6 =	vld [tilespmem:$0x1FEF0]  }
0x1c3: {  	[tilespmem:$0x1F8B0] =	vst v7;
	v7 =	vld [tilespmem:$0x1FD00]  }
0x1c4: {  	v51 =	vld [tilespmem:$0x1FD20];
	[tilespmem:$0x1F8D0] =	vst v49  }
0x1c5: {  	v52 =	vld [tilespmem:$0x1FD60];
	[tilespmem:$0x1F510] =	vst v50  }
0x1c6: {  	[tilespmem:$0x1F8E0] =	vst v5;
	v5 =	vld [tilespmem:$0x1FD30]  }
0x1c7: {  	[tilespmem:$0x1F8F0] =	vst v6;
	v6 =	vld [tilespmem:$0x1FD40]  }
0x1c8: {  	[tilespmem:$0x1F500] =	vst v7;
	v7 =	vld [tilespmem:$0x1FD50]  }
0x1c9: {  	v53 =	vld [tilespmem:$0x1FD70];
	[tilespmem:$0x1F520] =	vst v51  }
0x1ca: {  	v54 =	vld [tilespmem:$0x1FF30];
	[tilespmem:$0x1F560] =	vst v52  }
0x1cb: {  	[tilespmem:$0x1F530] =	vst v5;
	v5 =	vld [tilespmem:$0x1FF00]  }
0x1cc: {  	[tilespmem:$0x1F540] =	vst v6;
	v6 =	vld [tilespmem:$0x1FF10]  }
0x1cd: {  	[tilespmem:$0x1F550] =	vst v7;
	v7 =	vld [tilespmem:$0x1FF20]  }
0x1ce: {  	v55 =	vld [tilespmem:$0x1FF40];
	[tilespmem:$0x1F570] =	vst v53  }
0x1cf: {  	v56 =	vld [tilespmem:$0x1FD80];
	[tilespmem:$0x1F930] =	vst v54  }
0x1d0: {  	[tilespmem:$0x1F900] =	vst v5;
	v5 =	vld [tilespmem:$0x1FF50]  }
0x1d1: {  	[tilespmem:$0x1F910] =	vst v6;
	v6 =	vld [tilespmem:$0x1FF60]  }
0x1d2: {  	[tilespmem:$0x1F920] =	vst v7;
	v7 =	vld [tilespmem:$0x1FF70]  }
0x1d3: {  	v57 =	vld [tilespmem:$0x1FD90];
	[tilespmem:$0x1F940] =	vst v55  }
0x1d4: {  	v58 =	vld [tilespmem:$0x1FDD0];
	[tilespmem:$0x1F580] =	vst v56  }
0x1d5: {  	[tilespmem:$0x1F950] =	vst v5;
	v5 =	vld [tilespmem:$0x1FDA0]  }
0x1d6: {  	[tilespmem:$0x1F960] =	vst v6;
	v6 =	vld [tilespmem:$0x1FDB0]  }
0x1d7: {  	[tilespmem:$0x1F970] =	vst v7;
	v7 =	vld [tilespmem:$0x1FDC0]  }
0x1d8: {  	v59 =	vld [tilespmem:$0x1FDE0];
	[tilespmem:$0x1F590] =	vst v57  }
0x1d9: {  	v60 =	vld [tilespmem:$0x1FFA0];
	[tilespmem:$0x1F5D0] =	vst v58  }
0x1da: {  	[tilespmem:$0x1F5A0] =	vst v5;
	v5 =	vld [tilespmem:$0x1FDF0]  }
0x1db: {  	[tilespmem:$0x1F5B0] =	vst v6;
	v6 =	vld [tilespmem:$0x1FF80]  }
0x1dc: {  	[tilespmem:$0x1F5C0] =	vst v7;
	v7 =	vld [tilespmem:$0x1FF90]  }
0x1dd: {  	v61 =	vld [tilespmem:$0x1FFB0];
	[tilespmem:$0x1F5E0] =	vst v59  }
0x1de: {  	v62 =	vld [tilespmem:$0x1FFF0];
	[tilespmem:$0x1F9A0] =	vst v60  }
0x1df: {  	[tilespmem:$0x1F5F0] =	vst v5;
	v5 =	vld [tilespmem:$0x1FFC0]  }
0x1e0: {  	[tilespmem:$0x1F980] =	vst v6;
	v6 =	vld [tilespmem:$0x1FFD0]  }
0x1e1: {  	[tilespmem:$0x1F990] =	vst v7;
	v7 =	vld [tilespmem:$0x1FFE0]  }
0x1e2: {  	[tilespmem:$0x1F9B0] =	vst v61  }
0x1e3: {  	[tilespmem:$0x1F9F0] =	vst v62  }
0x1e4: {  	[tilespmem:$0x1F9C0] =	vst v5  }
0x1e5: {  	p0 =	sne.s32 s1, $0xF80;
	[tilespmem:$0x1F9D0] =	vst v6  }
.Ltmp0:
0x1e6: {  	[tilespmem:$0x1F9E0] =	vst v7;
	(pc) =	sbr.rel @p0 .LBB2_2-.Ltmp0, $4  }
0x1e7: {  	[hbm4b:s5+s3] =	stream.linear.scatter [tilespmem:s7], [sflag:$0x2], $0x1F800, $0x38;
	v63 =	vld [tilespmem:$0x0]  }
0x1e8: {  	_ =	swait.ge [sflag:s6], $0x1F800  }
0x1e9: {  	[sflag:s6] =	ssyncset.done $0x0  }
0x1ea: {  	s1 =	sadd.s32 $0x80, s1;
	s5 =	sadd.s32 $0x3F00, s5;
	[sflag:s6] =	ssyncadd.s32 $0xFFFE0800  }
0x1eb: {  	s0 =	sld [smem:$0x7F6];
	_ =	sdelay $0x1  }
0x1ec: {  	s31 =	sadd.s32 $0x1, s31  }
0x1ed: {  	p0 =	sne.s32 s31, s0  }
.Ltmp1:
0x1ee: {  	_ = 	snop;
	(pc) =	sbr.rel @p0 .LBB2_1-.Ltmp1, $1  }
0x1ef: {  	_ =	sdelay $0x3  }
0x1f0: {  	_ =	sfence.sel $0x180000  }
0x1f1: {  	[bflag:$0x0] =	sbarrier.arrive $0xFFFF  }
0x1f2: {  	_ =	strace $0x90000047  }
0x1f3: {  	s0 =	stileid.u32;
	[bflag:$0x2] =	sbarrier.arrive $0xFFFF  }
0x1f4: {  	p0 =	sne.s32 s0, $0x0;
	s0 =	rddreg [dreg:$0x2]  }
0x1f5: {  	s0 =	sadd.s32 @!p0 $0x100000, s0  }
0x1f6: {  	[sflag:s0] =	ssyncadd.tile.s32 @!p0 $0x1;
	_ =	shalt  }
.Lfunc_end2:
_tile_overlayer_lowered:
.L_overlay_start_2:
0x1f7: {  	(tag) =	ssettag $0x2  }
0x1f8: {  	s0 =	rddreg [dreg:$0x0];
	s2 =	stileid.u32  }
0x1f9: {  	s1 =	rddreg [dreg:$0x1];
	p0 =	sne.s32 s2, $0x0  }
0x1fa: {  	s3 =	rddreg [dreg:$0x2];
	[bflag:$0x3] =	sbarrier.arrive $0xFFFF;
	s2 =	simm.s32 @!p0 $0x1C02  }
0x1fb: {  	[timem:s3], [sflag:s2] =	dma.local @!p0 [hbm:s0], s1  }
0x1fc: {  	s0 =	simm.s32 @!p0 $0x2  }
0x1fd: {  	_ =	swait.ge @!p0 [sflag:s0], s1  }
0x1fe: {  	s1 =	ssub.s32 @!p0 $0x0, s1;
	[sflag:s0] =	ssyncset.done @!p0 $0x0  }
0x1ff: {  	[sflag:s0] =	ssyncadd.s32 @!p0 s1  }
0x200: {  	[bflag:$0x3] =	sbarrier.arrive $0xFFFF  }
0x201: {  	_ =	shalt  }

</sc_bundles>
